<compile_context>
chip_gen: v7x
topology: tpu7x:2x2x1
jax: 0.10.2.dev20260603
libtpu: 0.0.44.dev20260713+nightly
codegen_flags: <defaults>
</compile_context>

<pallas_src>
import functools

import jax
import jax.numpy as jnp
from jax import lax
from jax.experimental import pallas as pl
from jax.experimental.pallas import tpu as pltpu
from jax.experimental.pallas import tpu_sc as plsc

_H = 256
_W = 256
_PX = _H * _W
_BIAS = 1024
_CH = 2048
_LANES = 16


def _sc_scatter_hist(xs, ys, ts, ps, fxs, fys):
    B, N = xs.shape
    half = N // 2
    nchunks = half // _CH
    mesh = plsc.VectorSubcoreMesh(core_axis_name="c", subcore_axis_name="s")

    @functools.partial(
        pl.kernel,
        out_type=jax.ShapeDtypeStruct((32, _PX), jnp.float32),
        mesh=mesh,
        compiler_params=pltpu.CompilerParams(needs_layout_passes=False),
        scratch_types=[
            pltpu.VMEM((_PX,), jnp.float32),
            pltpu.VMEM((2, 6, _CH), jnp.float32),
            pltpu.SemaphoreType.DMA,
            pltpu.SemaphoreType.DMA,
        ],
    )
    def body(x_hbm, y_hbm, t_hbm, p_hbm, fx_hbm, fy_hbm, out_hbm,
             hist, bufs, sem0, sem1):
        cid = lax.axis_index("c")
        sid = lax.axis_index("s")
        wid = sid * 2 + cid
        b = wid // 8
        acc = (wid // 4) % 2
        pol = (wid // 2) % 2
        hf = wid % 2

        zeros16 = jnp.zeros((_LANES,), jnp.float32)

        @plsc.parallel_loop(0, _PX // _LANES, unroll=8)
        def _zero(i):
            hist[pl.ds(i * _LANES, _LANES)] = zeros16

        base = hf * half
        arrs = (x_hbm, y_hbm, t_hbm, p_hbm, fx_hbm, fy_hbm)
        sems = (sem0, sem1)

        def copies(k, slot):
            off = base + k * _CH
            return [
                pltpu.make_async_copy(
                    a.at[b, pl.ds(off, _CH)], bufs.at[slot, j], sems[slot])
                for j, a in enumerate(arrs)
            ]

        for c in copies(0, 0):
            c.start()

        target_f = 1.0 - 2.0 * pol.astype(jnp.float32)
        accf = acc.astype(jnp.float32)

        def chunk_body(k, slot):
            for c in copies(k, slot):
                c.wait()

            @pl.when(k + 1 < nchunks)
            def _():
                for c in copies(k + 1, 1 - slot):
                    c.start()

            @plsc.parallel_loop(0, _CH // _LANES, unroll=4)
            def _it(i, slot=slot):
                s = pl.ds(i * _LANES, _LANES)
                xv = bufs[slot, 0, s]
                yv = bufs[slot, 1, s]
                tv = bufs[slot, 2, s]
                pv = bufs[slot, 3, s]
                fxv = bufs[slot, 4, s]
                fyv = bufs[slot, 5, s]

                rel = (1.0 - tv) * 256.0
                wx = xv + rel * fxv + float(_BIAS)
                wy = yv + rel * fyv + float(_BIAS)
                xib = wx.astype(jnp.int32)
                yib = wy.astype(jnp.int32)
                dx = wx - xib.astype(jnp.float32)
                dy = wy - yib.astype(jnp.float32)
                xi = xib - _BIAS
                yi = yib - _BIAS
                ex = 1.0 - dx
                ey = 1.0 - dy

                fac = 1.0 + accf * (tv - 1.0)
                wey = fac * ey
                wdy = fac * dy
                w_tl = ex * wey
                w_tr = dx * wey
                w_bl = ex * wdy
                w_br = dx * wdy

                pm = pv == target_f
                xi1 = xi + 1
                yi1 = yi + 1
                mx0 = (xi.astype(jnp.uint32) <= _W - 1) & pm
                mx1 = (xi1.astype(jnp.uint32) <= _W - 1) & pm
                my0 = yi.astype(jnp.uint32) <= _H - 1
                my1 = yi1.astype(jnp.uint32) <= _H - 1

                lin = yi * _W + xi
                l_tl = lin & (_PX - 1)
                l_tr = (lin + 1) & (_PX - 1)
                l_bl = (lin + _W) & (_PX - 1)
                l_br = (lin + _W + 1) & (_PX - 1)

                plsc.addupdate_scatter(hist, [l_tl], w_tl, mask=mx0 & my0)
                plsc.addupdate_scatter(hist, [l_tr], w_tr, mask=mx1 & my0)
                plsc.addupdate_scatter(hist, [l_bl], w_bl, mask=mx0 & my1)
                plsc.addupdate_scatter(hist, [l_br], w_br, mask=mx1 & my1)

        def pair_body(k2, carry):
            chunk_body(k2 * 2, 0)
            chunk_body(k2 * 2 + 1, 1)
            return carry

        lax.fori_loop(0, nchunks // 2, pair_body, 0)

        pltpu.sync_copy(hist, out_hbm.at[wid])

    return body(xs, ys, ts, ps, fxs, fys)


def _tc_finish(hview):
    Kc = 4
    chf = 8192 // Kc

    def fk(h_ref, o_ref, acc_ref):
        k = pl.program_id(1)
        blk = h_ref[0]
        iwe0 = blk[0] + blk[1]
        iwe1 = blk[2] + blk[3]
        t0 = blk[4] + blk[5]
        t1 = blk[6] + blk[7]
        r0 = t0 / (iwe0 + 1e-9)
        r1 = t1 / (iwe1 + 1e-9)
        s_p = jnp.sum(r0 * r0) + jnp.sum(r1 * r1)
        cnt_p = jnp.sum(((iwe0 + iwe1) > 0).astype(jnp.float32))
        e0_p = jnp.sum(jnp.exp(iwe0 * -0.6))
        e1_p = jnp.sum(jnp.exp(iwe1 * -0.6))

        @pl.when(k == 0)
        def _():
            acc_ref[0] = s_p
            acc_ref[1] = cnt_p
            acc_ref[2] = e0_p
            acc_ref[3] = e1_p

        @pl.when(k > 0)
        def _():
            acc_ref[0] += s_p
            acc_ref[1] += cnt_p
            acc_ref[2] += e0_p
            acc_ref[3] += e1_p

        loss = (acc_ref[0] / (acc_ref[1] + 1e-9)
                + float(_PX) / acc_ref[2] + float(_PX) / acc_ref[3] - 2.0)
        o_ref[...] = jnp.full((8, 128), loss, jnp.float32)

    out = pl.pallas_call(
        fk,
        grid=(4, Kc),
        in_specs=[pl.BlockSpec((1, 8, 8, chf), lambda b, k: (b, 0, 0, k))],
        out_specs=pl.BlockSpec((8, 128), lambda b, k: (b, 0)),
        out_shape=jax.ShapeDtypeStruct((32, 128), jnp.float32),
        scratch_shapes=[pltpu.SMEM((4,), jnp.float32)],
    )(hview)
    return out[::8, 0]


def kernel(flow, events):
    ts = events[..., 0]
    xs = events[..., 1]
    ys = events[..., 2]
    ps = events[..., 3]
    fxs = flow[..., 0]
    fys = flow[..., 1]
    hist = _sc_scatter_hist(xs, ys, ts, ps, fxs, fys)
    return _tc_finish(hist.reshape(4, 8, 8, 8192))

# --- scband reference (transcript-rebuilt; emitter-appended) ---
"""Pipeline reference for scband-event-warping-44822278701624 (READ-ONLY COPY).

The authoritative reference and input builder live on the scoring server;
editing this copy changes nothing except your own understanding.
"""

import jax, jax.numpy as jnp
import numpy as np

RES = (256, 256)
FLOW_SCALING = 256.0
TREF = 1.0
MAX_TS = 1.0


def setup_inputs(seed: int = 0) -> dict:
    key = jax.random.key(seed)
    k1, k2, k3, k4, k5 = jax.random.split(key, 5)
    B, N = 4, 131072
    H, W = RES
    ts = jax.random.uniform(k1, (B, N, 1), dtype=jnp.float32)
    x = jax.random.uniform(k2, (B, N, 1), dtype=jnp.float32) * (W - 1)
    y = jax.random.uniform(k3, (B, N, 1), dtype=jnp.float32) * (H - 1)
    p = jnp.where(jax.random.uniform(k4, (B, N, 1)) < 0.5, -1.0, 1.0).astype(jnp.float32)
    events = jnp.concatenate([ts, x, y, p], axis=2)
    flow = jax.random.normal(k5, (B, N, 2), dtype=jnp.float32) * 0.1
    return {"flow": flow, "events": events}


def get_interpolation(loc, ts, flow, tref, res, flow_scaling):
    # warp event locations to tref using per-event flow
    warped = loc + (tref - ts) * flow * flow_scaling  # [B, N, 2] (x, y)
    left_x = jnp.floor(warped[..., 0:1])
    right_x = left_x + 1
    top_y = jnp.floor(warped[..., 1:2])
    bot_y = top_y + 1
    tl = jnp.concatenate([left_x, top_y], axis=2)
    tr = jnp.concatenate([right_x, top_y], axis=2)
    bl = jnp.concatenate([left_x, bot_y], axis=2)
    br = jnp.concatenate([right_x, bot_y], axis=2)
    idx = jnp.concatenate([tl, tr, bl, br], axis=1)  # [B, 4N, 2]
    warped4 = jnp.tile(warped, (1, 4, 1))
    d = jnp.clip(1.0 - jnp.abs(warped4 - idx), 0.0, 1.0)
    weights = d[..., 0:1] * d[..., 1:2]  # bilinear weights [B, 4N, 1]
    return idx, weights


def interpolate(idx, weights, res, polarity_mask):
    # scatter-add bilinear weights into an H x W histogram (image of warped events)
    H, W = res
    mask4 = jnp.tile(polarity_mask, (1, 4)).astype(jnp.float32)[..., None]
    xin = (idx[..., 0:1] >= 0) & (idx[..., 0:1] <= W - 1)
    yin = (idx[..., 1:2] >= 0) & (idx[..., 1:2] <= H - 1)
    valid = (xin & yin).astype(jnp.float32)
    w = (weights * mask4 * valid)[..., 0]
    xi = jnp.clip(idx[..., 0], 0, W - 1).astype(jnp.int32)
    yi = jnp.clip(idx[..., 1], 0, H - 1).astype(jnp.int32)
    lin = yi * W + xi

    def scat(i, v):
        return jnp.zeros((H * W,), jnp.float32).at[i].add(v)

    iwe = jax.vmap(scat)(lin, w)
    return iwe.reshape(-1, H, W)


def reference(flow, events):
    H, W = RES
    idx, weights = get_interpolation(events[..., 1:3], events[..., 0:1], flow, TREF, RES, FLOW_SCALING)
    pos = events[..., -1] == 1
    neg = events[..., -1] == -1
    iwe = jnp.stack([
        interpolate(idx, weights, RES, pos),
        interpolate(idx, weights, RES, neg),
    ], axis=1)  # [B, 2, H, W]
    ts = 1.0 - jnp.abs(TREF - events[..., 0:1]) / MAX_TS
    ts4 = jnp.tile(ts, (1, 4, 1))
    ts_iwe = jnp.stack([
        interpolate(idx, weights * ts4, RES, pos),
        interpolate(idx, weights * ts4, RES, neg),
    ], axis=1)
    ts_iwe = ts_iwe / (iwe + 1e-09)
    loss = (ts_iwe ** 2).sum(axis=(1, 2, 3))
    nonzero_px = jnp.sum(iwe, axis=1) > 0
    loss = loss / (nonzero_px.sum(axis=(1, 2)) + 1e-09)
    Npx = iwe.shape[2] * iwe.shape[3]
    loss_e = (Npx / jnp.exp(-0.6 * iwe).sum(axis=(2, 3))).sum(axis=1) - 2.0
    loss = loss + loss_e
    return loss

if __name__ == "__main__":
    import jax
    _d = setup_inputs()
    print(jax.jit(kernel)(*tuple(_d.values())))

</pallas_src>

<mosaic_0001>
#map = affine_map<(d0, d1) -> (0, 0)>
module attributes {stable_mosaic.version = 14 : i64} {
  func.func @body(%arg0: i32, %arg1: i32, %arg2: memref<4x131072xf32, #tpu.memory_space<hbm>>, %arg3: memref<4x131072xf32, #tpu.memory_space<hbm>>, %arg4: memref<4x131072xf32, #tpu.memory_space<hbm>>, %arg5: memref<4x131072xf32, #tpu.memory_space<hbm>>, %arg6: memref<4x131072xf32, #tpu.memory_space<hbm>>, %arg7: memref<4x131072xf32, #tpu.memory_space<hbm>>, %arg8: memref<32x65536xf32, #tpu.memory_space<hbm>>, %arg9: memref<65536xf32, #tpu.memory_space<vmem>>, %arg10: memref<2x6x2048xf32, #tpu.memory_space<vmem>>, %arg11: memref<!tpu.dma_semaphore, #tpu.memory_space<semaphore_mem>>, %arg12: memref<!tpu.dma_semaphore, #tpu.memory_space<semaphore_mem>>) attributes {dimension_semantics = [#tpu.dimension_semantics<core_parallel>, #tpu.dimension_semantics<subcore_parallel>], iteration_bounds = array<i64: 2, 16>, scalar_prefetch = 0 : i64, scratch_operands = 4 : i64, tpu.core_type = #tpu.core_type<sc_vector_subcore>, window_params = [{transform_indices = #map}, {transform_indices = #map}, {transform_indices = #map}, {transform_indices = #map}, {transform_indices = #map}, {transform_indices = #map}, {transform_indices = #map}]} {
    %mul3A = arith.constant 2 : i32
    %mul3A_0 = arith.muli %arg1, %mul3A : i32
    %add3A = arith.addi %mul3A_0, %arg0 : i32
    %jit3A = arith.constant 8 : i32
    %div3A = arith.divsi %add3A, %jit3A : i32
    %sign3A = arith.constant 0 : i32
    %sign3A_1 = arith.cmpi sgt, %add3A, %sign3A : i32
    %sign3A_2 = arith.extui %sign3A_1 : i1 to i32
    %sign3A_3 = arith.constant 0 : i32
    %sign3A_4 = arith.cmpi slt, %add3A, %sign3A_3 : i32
    %sign3A_5 = arith.extui %sign3A_4 : i1 to i32
    %sign3A_6 = arith.subi %sign3A_2, %sign3A_5 : i32
    %sign3A_7 = arith.constant 0 : i32
    %sign3A_8 = arith.cmpi sgt, %jit3A, %sign3A_7 : i32
    %sign3A_9 = arith.extui %sign3A_8 : i1 to i32
    %sign3A_10 = arith.constant 0 : i32
    %sign3A_11 = arith.cmpi slt, %jit3A, %sign3A_10 : i32
    %sign3A_12 = arith.extui %sign3A_11 : i1 to i32
    %sign3A_13 = arith.subi %sign3A_9, %sign3A_12 : i32
    %ne3A = arith.cmpi ne, %sign3A_6, %sign3A_13 : i32
    %rem3A = arith.remsi %add3A, %jit3A : i32
    %ne3A_14 = arith.constant 0 : i32
    %ne3A_15 = arith.cmpi ne, %rem3A, %ne3A_14 : i32
    %and3A = arith.andi %ne3A, %ne3A_15 : i1
    %sub3A = arith.constant 1 : i32
    %sub3A_16 = arith.subi %div3A, %sub3A : i32
    %select_n3A = arith.select %and3A, %sub3A_16, %div3A : i32
    %jit3A_17 = arith.constant 4 : i32
    %div3A_18 = arith.divsi %add3A, %jit3A_17 : i32
    %sign3A_19 = arith.constant 0 : i32
    %sign3A_20 = arith.cmpi sgt, %add3A, %sign3A_19 : i32
    %sign3A_21 = arith.extui %sign3A_20 : i1 to i32
    %sign3A_22 = arith.constant 0 : i32
    %sign3A_23 = arith.cmpi slt, %add3A, %sign3A_22 : i32
    %sign3A_24 = arith.extui %sign3A_23 : i1 to i32
    %sign3A_25 = arith.subi %sign3A_21, %sign3A_24 : i32
    %sign3A_26 = arith.constant 0 : i32
    %sign3A_27 = arith.cmpi sgt, %jit3A_17, %sign3A_26 : i32
    %sign3A_28 = arith.extui %sign3A_27 : i1 to i32
    %sign3A_29 = arith.constant 0 : i32
    %sign3A_30 = arith.cmpi slt, %jit3A_17, %sign3A_29 : i32
    %sign3A_31 = arith.extui %sign3A_30 : i1 to i32
    %sign3A_32 = arith.subi %sign3A_28, %sign3A_31 : i32
    %ne3A_33 = arith.cmpi ne, %sign3A_25, %sign3A_32 : i32
    %rem3A_34 = arith.remsi %add3A, %jit3A_17 : i32
    %ne3A_35 = arith.constant 0 : i32
    %ne3A_36 = arith.cmpi ne, %rem3A_34, %ne3A_35 : i32
    %and3A_37 = arith.andi %ne3A_33, %ne3A_36 : i1
    %sub3A_38 = arith.constant 1 : i32
    %sub3A_39 = arith.subi %div3A_18, %sub3A_38 : i32
    %select_n3A_40 = arith.select %and3A_37, %sub3A_39, %div3A_18 : i32
    %jit3A_41 = arith.constant 2 : i32
    %eq3A = arith.constant 0 : i32
    %eq3A_42 = arith.cmpi eq, %jit3A_41, %eq3A : i32
    %jit3A_43 = arith.constant 1 : i32
    %select_n3A_44 = arith.select %eq3A_42, %jit3A_43, %jit3A_41 : i32
    %rem3A_45 = arith.remsi %select_n3A_40, %select_n3A_44 : i32
    %ne3A_46 = arith.constant 0 : i32
    %ne3A_47 = arith.cmpi ne, %rem3A_45, %ne3A_46 : i32
    %lt3A = arith.constant 0 : i32
    %lt3A_48 = arith.cmpi slt, %rem3A_45, %lt3A : i32
    %lt3A_49 = arith.constant 0 : i32
    %lt3A_50 = arith.cmpi slt, %select_n3A_44, %lt3A_49 : i32
    %ne3A_51 = arith.xori %lt3A_48, %lt3A_50 : i1
    %and3A_52 = arith.andi %ne3A_51, %ne3A_47 : i1
    %add3A_53 = arith.addi %rem3A_45, %select_n3A_44 : i32
    %select_n3A_54 = arith.select %and3A_52, %add3A_53, %rem3A_45 : i32
    %jit3A_55 = arith.constant 2 : i32
    %div3A_56 = arith.divsi %add3A, %jit3A_55 : i32
    %sign3A_57 = arith.constant 0 : i32
    %sign3A_58 = arith.cmpi sgt, %add3A, %sign3A_57 : i32
    %sign3A_59 = arith.extui %sign3A_58 : i1 to i32
    %sign3A_60 = arith.constant 0 : i32
    %sign3A_61 = arith.cmpi slt, %add3A, %sign3A_60 : i32
    %sign3A_62 = arith.extui %sign3A_61 : i1 to i32
    %sign3A_63 = arith.subi %sign3A_59, %sign3A_62 : i32
    %sign3A_64 = arith.constant 0 : i32
    %sign3A_65 = arith.cmpi sgt, %jit3A_55, %sign3A_64 : i32
    %sign3A_66 = arith.extui %sign3A_65 : i1 to i32
    %sign3A_67 = arith.constant 0 : i32
    %sign3A_68 = arith.cmpi slt, %jit3A_55, %sign3A_67 : i32
    %sign3A_69 = arith.extui %sign3A_68 : i1 to i32
    %sign3A_70 = arith.subi %sign3A_66, %sign3A_69 : i32
    %ne3A_71 = arith.cmpi ne, %sign3A_63, %sign3A_70 : i32
    %rem3A_72 = arith.remsi %add3A, %jit3A_55 : i32
    %ne3A_73 = arith.constant 0 : i32
    %ne3A_74 = arith.cmpi ne, %rem3A_72, %ne3A_73 : i32
    %and3A_75 = arith.andi %ne3A_71, %ne3A_74 : i1
    %sub3A_76 = arith.constant 1 : i32
    %sub3A_77 = arith.subi %div3A_56, %sub3A_76 : i32
    %select_n3A_78 = arith.select %and3A_75, %sub3A_77, %div3A_56 : i32
    %jit3A_79 = arith.constant 2 : i32
    %eq3A_80 = arith.constant 0 : i32
    %eq3A_81 = arith.cmpi eq, %jit3A_79, %eq3A_80 : i32
    %jit3A_82 = arith.constant 1 : i32
    %select_n3A_83 = arith.select %eq3A_81, %jit3A_82, %jit3A_79 : i32
    %rem3A_84 = arith.remsi %select_n3A_78, %select_n3A_83 : i32
    %ne3A_85 = arith.constant 0 : i32
    %ne3A_86 = arith.cmpi ne, %rem3A_84, %ne3A_85 : i32
    %lt3A_87 = arith.constant 0 : i32
    %lt3A_88 = arith.cmpi slt, %rem3A_84, %lt3A_87 : i32
    %lt3A_89 = arith.constant 0 : i32
    %lt3A_90 = arith.cmpi slt, %select_n3A_83, %lt3A_89 : i32
    %ne3A_91 = arith.xori %lt3A_88, %lt3A_90 : i1
    %and3A_92 = arith.andi %ne3A_91, %ne3A_86 : i1
    %add3A_93 = arith.addi %rem3A_84, %select_n3A_83 : i32
    %select_n3A_94 = arith.select %and3A_92, %add3A_93, %rem3A_84 : i32
    %jit3A_95 = arith.constant 2 : i32
    %eq3A_96 = arith.constant 0 : i32
    %eq3A_97 = arith.cmpi eq, %jit3A_95, %eq3A_96 : i32
    %jit3A_98 = arith.constant 1 : i32
    %select_n3A_99 = arith.select %eq3A_97, %jit3A_98, %jit3A_95 : i32
    %rem3A_100 = arith.remsi %add3A, %select_n3A_99 : i32
    %ne3A_101 = arith.constant 0 : i32
    %ne3A_102 = arith.cmpi ne, %rem3A_100, %ne3A_101 : i32
    %lt3A_103 = arith.constant 0 : i32
    %lt3A_104 = arith.cmpi slt, %rem3A_100, %lt3A_103 : i32
    %lt3A_105 = arith.constant 0 : i32
    %lt3A_106 = arith.cmpi slt, %select_n3A_99, %lt3A_105 : i32
    %ne3A_107 = arith.xori %lt3A_104, %lt3A_106 : i1
    %and3A_108 = arith.andi %ne3A_107, %ne3A_102 : i1
    %add3A_109 = arith.addi %rem3A_100, %select_n3A_99 : i32
    %select_n3A_110 = arith.select %and3A_108, %add3A_109, %rem3A_100 : i32
    %broadcast_in_dim3A = arith.constant 0.000000e+00 : f32
    %broadcast_in_dim3A_111 = vector.broadcast %broadcast_in_dim3A : f32 to vector<16xf32>
    %parallel_loop3A = arith.constant 0 : i32
    %parallel_loop3A_112 = arith.constant 4096 : i32
    %parallel_loop3A_113 = arith.constant 1 : i32
    scf.for %parallel_loop3A_199 = %parallel_loop3A to %parallel_loop3A_112 step %parallel_loop3A_113  : i32 {
      %parallel_loop3A_200 = arith.constant 16 : i32
      %parallel_loop3A_201 = arith.muli %parallel_loop3A_199, %parallel_loop3A_200 : i32
      %parallel_loop3A_202 = arith.index_cast %parallel_loop3A_201 : i32 to index
      %parallel_loop3A_203 = tpu.vector_load %arg9[%parallel_loop3A_202] {strides = array<i32>} : memref<65536xf32, #tpu.memory_space<vmem>>, vector<16xf32>,
      tpu.vector_store %arg9[%parallel_loop3A_202], %broadcast_in_dim3A_111 {strides = array<i32>} : memref<65536xf32, #tpu.memory_space<vmem>>, vector<16xf32>,
    } {sc.loop_unroll_factor = 8 : i64, sc.parallel_access}
    %mul3A_114 = arith.constant 65536 : i32
    %mul3A_115 = arith.muli %select_n3A_110, %mul3A_114 : i32
    %add3A_116 = arith.constant 0 : i32
    %add3A_117 = arith.addi %mul3A_115, %add3A_116 : i32
    %dma_start3A = arith.constant 0 : i32
    %dma_start3A_118 = arith.constant 0 : i32
    %dma_start3A_119 = arith.constant 0 : i32
    %dma_start3A_120 = tpu.memref_slice %arg10[%dma_start3A, %dma_start3A_118, %dma_start3A_119] : memref<2x6x2048xf32, #tpu.memory_space<vmem>> -> memref<1x1x2048xf32, #tpu.memory_space<vmem>>
    %dma_start3A_121 = tpu.memref_squeeze %dma_start3A_120 : memref<1x1x2048xf32, #tpu.memory_space<vmem>> -> memref<2048xf32, #tpu.memory_space<vmem>>
    %dma_start3A_122 = tpu.memref_slice %arg2[%select_n3A, %add3A_117] : memref<4x131072xf32, #tpu.memory_space<hbm>> -> memref<1x2048xf32, #tpu.memory_space<hbm>>
    %dma_start3A_123 = tpu.memref_squeeze %dma_start3A_122 : memref<1x2048xf32, #tpu.memory_space<hbm>> -> memref<2048xf32, #tpu.memory_space<hbm>>
    %dma_start3A_124 = arith.constant 0 : i32
    %dma_start3A_125 = tpu.memref_slice %arg10[%dma_start3A, %dma_start3A_118, %dma_start3A_124] : memref<2x6x2048xf32, #tpu.memory_space<vmem>> -> memref<1x1x2048xf32, #tpu.memory_space<vmem>>
    %dma_start3A_126 = tpu.memref_squeeze %dma_start3A_125 : memref<1x1x2048xf32, #tpu.memory_space<vmem>> -> memref<2048xf32, #tpu.memory_space<vmem>>
    %dma_start3A_127 = tpu.memref_slice %arg2[%select_n3A, %add3A_117] : memref<4x131072xf32, #tpu.memory_space<hbm>> -> memref<1x2048xf32, #tpu.memory_space<hbm>>
    %dma_start3A_128 = tpu.memref_squeeze %dma_start3A_127 : memref<1x2048xf32, #tpu.memory_space<hbm>> -> memref<2048xf32, #tpu.memory_space<hbm>>
    tpu.enqueue_dma source(%dma_start3A_128 : memref<2048xf32, #tpu.memory_space<hbm>>) target(%dma_start3A_126 : memref<2048xf32, #tpu.memory_space<vmem>>) target_semaphore(%arg11 : memref<!tpu.dma_semaphore, #tpu.memory_space<semaphore_mem>>)
    %dma_start3A_129 = arith.constant 0 : i32
    %dma_start3A_130 = arith.constant 1 : i32
    %dma_start3A_131 = arith.constant 0 : i32
    %dma_start3A_132 = tpu.memref_slice %arg10[%dma_start3A_129, %dma_start3A_130, %dma_start3A_131] : memref<2x6x2048xf32, #tpu.memory_space<vmem>> -> memref<1x1x2048xf32, #tpu.memory_space<vmem>>
    %dma_start3A_133 = tpu.memref_squeeze %dma_start3A_132 : memref<1x1x2048xf32, #tpu.memory_space<vmem>> -> memref<2048xf32, #tpu.memory_space<vmem>>
    %dma_start3A_134 = tpu.memref_slice %arg3[%select_n3A, %add3A_117] : memref<4x131072xf32, #tpu.memory_space<hbm>> -> memref<1x2048xf32, #tpu.memory_space<hbm>>
    %dma_start3A_135 = tpu.memref_squeeze %dma_start3A_134 : memref<1x2048xf32, #tpu.memory_space<hbm>> -> memref<2048xf32, #tpu.memory_space<hbm>>
    %dma_start3A_136 = arith.constant 0 : i32
    %dma_start3A_137 = tpu.memref_slice %arg10[%dma_start3A_129, %dma_start3A_130, %dma_start3A_136] : memref<2x6x2048xf32, #tpu.memory_space<vmem>> -> memref<1x1x2048xf32, #tpu.memory_space<vmem>>
    %dma_start3A_138 = tpu.memref_squeeze %dma_start3A_137 : memref<1x1x2048xf32, #tpu.memory_space<vmem>> -> memref<2048xf32, #tpu.memory_space<vmem>>
    %dma_start3A_139 = tpu.memref_slice %arg3[%select_n3A, %add3A_117] : memref<4x131072xf32, #tpu.memory_space<hbm>> -> memref<1x2048xf32, #tpu.memory_space<hbm>>
    %dma_start3A_140 = tpu.memref_squeeze %dma_start3A_139 : memref<1x2048xf32, #tpu.memory_space<hbm>> -> memref<2048xf32, #tpu.memory_space<hbm>>
    tpu.enqueue_dma source(%dma_start3A_140 : memref<2048xf32, #tpu.memory_space<hbm>>) target(%dma_start3A_138 : memref<2048xf32, #tpu.memory_space<vmem>>) target_semaphore(%arg11 : memref<!tpu.dma_semaphore, #tpu.memory_space<semaphore_mem>>)
    %dma_start3A_141 = arith.constant 0 : i32
    %dma_start3A_142 = arith.constant 2 : i32
    %dma_start3A_143 = arith.constant 0 : i32
    %dma_start3A_144 = tpu.memref_slice %arg10[%dma_start3A_141, %dma_start3A_142, %dma_start3A_143] : memref<2x6x2048xf32, #tpu.memory_space<vmem>> -> memref<1x1x2048xf32, #tpu.memory_space<vmem>>
    %dma_start3A_145 = tpu.memref_squeeze %dma_start3A_144 : memref<1x1x2048xf32, #tpu.memory_space<vmem>> -> memref<2048xf32, #tpu.memory_space<vmem>>
    %dma_start3A_146 = tpu.memref_slice %arg4[%select_n3A, %add3A_117] : memref<4x131072xf32, #tpu.memory_space<hbm>> -> memref<1x2048xf32, #tpu.memory_space<hbm>>
    %dma_start3A_147 = tpu.memref_squeeze %dma_start3A_146 : memref<1x2048xf32, #tpu.memory_space<hbm>> -> memref<2048xf32, #tpu.memory_space<hbm>>
    %dma_start3A_148 = arith.constant 0 : i32
    %dma_start3A_149 = tpu.memref_slice %arg10[%dma_start3A_141, %dma_start3A_142, %dma_start3A_148] : memref<2x6x2048xf32, #tpu.memory_space<vmem>> -> memref<1x1x2048xf32, #tpu.memory_space<vmem>>
    %dma_start3A_150 = tpu.memref_squeeze %dma_start3A_149 : memref<1x1x2048xf32, #tpu.memory_space<vmem>> -> memref<2048xf32, #tpu.memory_space<vmem>>
    %dma_start3A_151 = tpu.memref_slice %arg4[%select_n3A, %add3A_117] : memref<4x131072xf32, #tpu.memory_space<hbm>> -> memref<1x2048xf32, #tpu.memory_space<hbm>>
    %dma_start3A_152 = tpu.memref_squeeze %dma_start3A_151 : memref<1x2048xf32, #tpu.memory_space<hbm>> -> memref<2048xf32, #tpu.memory_space<hbm>>
    tpu.enqueue_dma source(%dma_start3A_152 : memref<2048xf32, #tpu.memory_space<hbm>>) target(%dma_start3A_150 : memref<2048xf32, #tpu.memory_space<vmem>>) target_semaphore(%arg11 : memref<!tpu.dma_semaphore, #tpu.memory_space<semaphore_mem>>)
    %dma_start3A_153 = arith.constant 0 : i32
    %dma_start3A_154 = arith.constant 3 : i32
    %dma_start3A_155 = arith.constant 0 : i32
    %dma_start3A_156 = tpu.memref_slice %arg10[%dma_start3A_153, %dma_start3A_154, %dma_start3A_155] : memref<2x6x2048xf32, #tpu.memory_space<vmem>> -> memref<1x1x2048xf32, #tpu.memory_space<vmem>>
    %dma_start3A_157 = tpu.memref_squeeze %dma_start3A_156 : memref<1x1x2048xf32, #tpu.memory_space<vmem>> -> memref<2048xf32, #tpu.memory_space<vmem>>
    %dma_start3A_158 = tpu.memref_slice %arg5[%select_n3A, %add3A_117] : memref<4x131072xf32, #tpu.memory_space<hbm>> -> memref<1x2048xf32, #tpu.memory_space<hbm>>
    %dma_start3A_159 = tpu.memref_squeeze %dma_start3A_158 : memref<1x2048xf32, #tpu.memory_space<hbm>> -> memref<2048xf32, #tpu.memory_space<hbm>>
    %dma_start3A_160 = arith.constant 0 : i32
    %dma_start3A_161 = tpu.memref_slice %arg10[%dma_start3A_153, %dma_start3A_154, %dma_start3A_160] : memref<2x6x2048xf32, #tpu.memory_space<vmem>> -> memref<1x1x2048xf32, #tpu.memory_space<vmem>>
    %dma_start3A_162 = tpu.memref_squeeze %dma_start3A_161 : memref<1x1x2048xf32, #tpu.memory_space<vmem>> -> memref<2048xf32, #tpu.memory_space<vmem>>
    %dma_start3A_163 = tpu.memref_slice %arg5[%select_n3A, %add3A_117] : memref<4x131072xf32, #tpu.memory_space<hbm>> -> memref<1x2048xf32, #tpu.memory_space<hbm>>
    %dma_start3A_164 = tpu.memref_squeeze %dma_start3A_163 : memref<1x2048xf32, #tpu.memory_space<hbm>> -> memref<2048xf32, #tpu.memory_space<hbm>>
    tpu.enqueue_dma source(%dma_start3A_164 : memref<2048xf32, #tpu.memory_space<hbm>>) target(%dma_start3A_162 : memref<2048xf32, #tpu.memory_space<vmem>>) target_semaphore(%arg11 : memref<!tpu.dma_semaphore, #tpu.memory_space<semaphore_mem>>)
    %dma_start3A_165 = arith.constant 0 : i32
    %dma_start3A_166 = arith.constant 4 : i32
    %dma_start3A_167 = arith.constant 0 : i32
    %dma_start3A_168 = tpu.memref_slice %arg10[%dma_start3A_165, %dma_start3A_166, %dma_start3A_167] : memref<2x6x2048xf32, #tpu.memory_space<vmem>> -> memref<1x1x2048xf32, #tpu.memory_space<vmem>>
    %dma_start3A_169 = tpu.memref_squeeze %dma_start3A_168 : memref<1x1x2048xf32, #tpu.memory_space<vmem>> -> memref<2048xf32, #tpu.memory_space<vmem>>
    %dma_start3A_170 = tpu.memref_slice %arg6[%select_n3A, %add3A_117] : memref<4x131072xf32, #tpu.memory_space<hbm>> -> memref<1x2048xf32, #tpu.memory_space<hbm>>
    %dma_start3A_171 = tpu.memref_squeeze %dma_start3A_170 : memref<1x2048xf32, #tpu.memory_space<hbm>> -> memref<2048xf32, #tpu.memory_space<hbm>>
    %dma_start3A_172 = arith.constant 0 : i32
    %dma_start3A_173 = tpu.memref_slice %arg10[%dma_start3A_165, %dma_start3A_166, %dma_start3A_172] : memref<2x6x2048xf32, #tpu.memory_space<vmem>> -> memref<1x1x2048xf32, #tpu.memory_space<vmem>>
    %dma_start3A_174 = tpu.memref_squeeze %dma_start3A_173 : memref<1x1x2048xf32, #tpu.memory_space<vmem>> -> memref<2048xf32, #tpu.memory_space<vmem>>
    %dma_start3A_175 = tpu.memref_slice %arg6[%select_n3A, %add3A_117] : memref<4x131072xf32, #tpu.memory_space<hbm>> -> memref<1x2048xf32, #tpu.memory_space<hbm>>
    %dma_start3A_176 = tpu.memref_squeeze %dma_start3A_175 : memref<1x2048xf32, #tpu.memory_space<hbm>> -> memref<2048xf32, #tpu.memory_space<hbm>>
    tpu.enqueue_dma source(%dma_start3A_176 : memref<2048xf32, #tpu.memory_space<hbm>>) target(%dma_start3A_174 : memref<2048xf32, #tpu.memory_space<vmem>>) target_semaphore(%arg11 : memref<!tpu.dma_semaphore, #tpu.memory_space<semaphore_mem>>)
    %dma_start3A_177 = arith.constant 0 : i32
    %dma_start3A_178 = arith.constant 5 : i32
    %dma_start3A_179 = arith.constant 0 : i32
    %dma_start3A_180 = tpu.memref_slice %arg10[%dma_start3A_177, %dma_start3A_178, %dma_start3A_179] : memref<2x6x2048xf32, #tpu.memory_space<vmem>> -> memref<1x1x2048xf32, #tpu.memory_space<vmem>>
    %dma_start3A_181 = tpu.memref_squeeze %dma_start3A_180 : memref<1x1x2048xf32, #tpu.memory_space<vmem>> -> memref<2048xf32, #tpu.memory_space<vmem>>
    %dma_start3A_182 = tpu.memref_slice %arg7[%select_n3A, %add3A_117] : memref<4x131072xf32, #tpu.memory_space<hbm>> -> memref<1x2048xf32, #tpu.memory_space<hbm>>
    %dma_start3A_183 = tpu.memref_squeeze %dma_start3A_182 : memref<1x2048xf32, #tpu.memory_space<hbm>> -> memref<2048xf32, #tpu.memory_space<hbm>>
    %dma_start3A_184 = arith.constant 0 : i32
    %dma_start3A_185 = tpu.memref_slice %arg10[%dma_start3A_177, %dma_start3A_178, %dma_start3A_184] : memref<2x6x2048xf32, #tpu.memory_space<vmem>> -> memref<1x1x2048xf32, #tpu.memory_space<vmem>>
    %dma_start3A_186 = tpu.memref_squeeze %dma_start3A_185 : memref<1x1x2048xf32, #tpu.memory_space<vmem>> -> memref<2048xf32, #tpu.memory_space<vmem>>
    %dma_start3A_187 = tpu.memref_slice %arg7[%select_n3A, %add3A_117] : memref<4x131072xf32, #tpu.memory_space<hbm>> -> memref<1x2048xf32, #tpu.memory_space<hbm>>
    %dma_start3A_188 = tpu.memref_squeeze %dma_start3A_187 : memref<1x2048xf32, #tpu.memory_space<hbm>> -> memref<2048xf32, #tpu.memory_space<hbm>>
    tpu.enqueue_dma source(%dma_start3A_188 : memref<2048xf32, #tpu.memory_space<hbm>>) target(%dma_start3A_186 : memref<2048xf32, #tpu.memory_space<vmem>>) target_semaphore(%arg11 : memref<!tpu.dma_semaphore, #tpu.memory_space<semaphore_mem>>)
    %convert_element_type3A = arith.sitofp %select_n3A_94 : i32 to f32
    %mul3A_189 = arith.constant 2.000000e+00 : f32
    %mul3A_190 = arith.mulf %mul3A_189, %convert_element_type3A : f32
    %sub3A_191 = arith.constant 1.000000e+00 : f32
    %sub3A_192 = arith.subf %sub3A_191, %mul3A_190 : f32
    %convert_element_type3A_193 = arith.sitofp %select_n3A_54 : i32 to f32
    %scan3A = arith.constant 0 : i32
    %scan3A_194 = arith.constant 0 : i32
    %scan3A_195 = arith.constant 16 : i32
    %scan3A_196 = arith.addi %scan3A_194, %scan3A_195 : i32
    %scan3A_197 = arith.constant 1 : i32
    scf.for %scan3A_199 = %scan3A_194 to %scan3A_196 step %scan3A_197  : i32 {
      %mul3A_200 = arith.constant 2 : i32
      %mul3A_201 = arith.muli %scan3A_199, %mul3A_200 : i32
      %mul3A_202 = arith.constant 2048 : i32
      %mul3A_203 = arith.muli %mul3A_201, %mul3A_202 : i32
      %add3A_204 = arith.addi %mul3A_115, %mul3A_203 : i32
      %dma_wait3A = arith.constant 0 : i32
      %dma_wait3A_205 = arith.constant 0 : i32
      %dma_wait3A_206 = arith.constant 0 : i32
      %dma_wait3A_207 = tpu.memref_slice %arg10[%dma_wait3A, %dma_wait3A_205, %dma_wait3A_206] : memref<2x6x2048xf32, #tpu.memory_space<vmem>> -> memref<1x1x2048xf32, #tpu.memory_space<vmem>>
      %dma_wait3A_208 = tpu.memref_squeeze %dma_wait3A_207 : memref<1x1x2048xf32, #tpu.memory_space<vmem>> -> memref<2048xf32, #tpu.memory_space<vmem>>
      %dma_wait3A_209 = tpu.memref_slice %arg2[%select_n3A, %add3A_204] : memref<4x131072xf32, #tpu.memory_space<hbm>> -> memref<1x2048xf32, #tpu.memory_space<hbm>>
      %dma_wait3A_210 = tpu.memref_squeeze %dma_wait3A_209 : memref<1x2048xf32, #tpu.memory_space<hbm>> -> memref<2048xf32, #tpu.memory_space<hbm>>
      %dma_wait3A_211 = arith.constant 0 : i32
      %dma_wait3A_212 = tpu.memref_slice %arg10[%dma_wait3A, %dma_wait3A_205, %dma_wait3A_211] : memref<2x6x2048xf32, #tpu.memory_space<vmem>> -> memref<1x1x2048xf32, #tpu.memory_space<vmem>>
      %dma_wait3A_213 = tpu.memref_squeeze %dma_wait3A_212 : memref<1x1x2048xf32, #tpu.memory_space<vmem>> -> memref<2048xf32, #tpu.memory_space<vmem>>
      %dma_wait3A_214 = tpu.memref_slice %arg2[%select_n3A, %add3A_204] : memref<4x131072xf32, #tpu.memory_space<hbm>> -> memref<1x2048xf32, #tpu.memory_space<hbm>>
      %dma_wait3A_215 = tpu.memref_squeeze %dma_wait3A_214 : memref<1x2048xf32, #tpu.memory_space<hbm>> -> memref<2048xf32, #tpu.memory_space<hbm>>
      tpu.wait_dma2 semaphore(%arg11 : memref<!tpu.dma_semaphore, #tpu.memory_space<semaphore_mem>>) src(%dma_wait3A_215 : memref<2048xf32, #tpu.memory_space<hbm>>) dst(%dma_wait3A_213 : memref<2048xf32, #tpu.memory_space<vmem>>)
      %dma_wait3A_216 = arith.constant 0 : i32
      %dma_wait3A_217 = arith.constant 1 : i32
      %dma_wait3A_218 = arith.constant 0 : i32
      %dma_wait3A_219 = tpu.memref_slice %arg10[%dma_wait3A_216, %dma_wait3A_217, %dma_wait3A_218] : memref<2x6x2048xf32, #tpu.memory_space<vmem>> -> memref<1x1x2048xf32, #tpu.memory_space<vmem>>
      %dma_wait3A_220 = tpu.memref_squeeze %dma_wait3A_219 : memref<1x1x2048xf32, #tpu.memory_space<vmem>> -> memref<2048xf32, #tpu.memory_space<vmem>>
      %dma_wait3A_221 = tpu.memref_slice %arg3[%select_n3A, %add3A_204] : memref<4x131072xf32, #tpu.memory_space<hbm>> -> memref<1x2048xf32, #tpu.memory_space<hbm>>
      %dma_wait3A_222 = tpu.memref_squeeze %dma_wait3A_221 : memref<1x2048xf32, #tpu.memory_space<hbm>> -> memref<2048xf32, #tpu.memory_space<hbm>>
      %dma_wait3A_223 = arith.constant 0 : i32
      %dma_wait3A_224 = tpu.memref_slice %arg10[%dma_wait3A_216, %dma_wait3A_217, %dma_wait3A_223] : memref<2x6x2048xf32, #tpu.memory_space<vmem>> -> memref<1x1x2048xf32, #tpu.memory_space<vmem>>
      %dma_wait3A_225 = tpu.memref_squeeze %dma_wait3A_224 : memref<1x1x2048xf32, #tpu.memory_space<vmem>> -> memref<2048xf32, #tpu.memory_space<vmem>>
      %dma_wait3A_226 = tpu.memref_slice %arg3[%select_n3A, %add3A_204] : memref<4x131072xf32, #tpu.memory_space<hbm>> -> memref<1x2048xf32, #tpu.memory_space<hbm>>
      %dma_wait3A_227 = tpu.memref_squeeze %dma_wait3A_226 : memref<1x2048xf32, #tpu.memory_space<hbm>> -> memref<2048xf32, #tpu.memory_space<hbm>>
      tpu.wait_dma2 semaphore(%arg11 : memref<!tpu.dma_semaphore, #tpu.memory_space<semaphore_mem>>) src(%dma_wait3A_227 : memref<2048xf32, #tpu.memory_space<hbm>>) dst(%dma_wait3A_225 : memref<2048xf32, #tpu.memory_space<vmem>>)
      %dma_wait3A_228 = arith.constant 0 : i32
      %dma_wait3A_229 = arith.constant 2 : i32
      %dma_wait3A_230 = arith.constant 0 : i32
      %dma_wait3A_231 = tpu.memref_slice %arg10[%dma_wait3A_228, %dma_wait3A_229, %dma_wait3A_230] : memref<2x6x2048xf32, #tpu.memory_space<vmem>> -> memref<1x1x2048xf32, #tpu.memory_space<vmem>>
      %dma_wait3A_232 = tpu.memref_squeeze %dma_wait3A_231 : memref<1x1x2048xf32, #tpu.memory_space<vmem>> -> memref<2048xf32, #tpu.memory_space<vmem>>
      %dma_wait3A_233 = tpu.memref_slice %arg4[%select_n3A, %add3A_204] : memref<4x131072xf32, #tpu.memory_space<hbm>> -> memref<1x2048xf32, #tpu.memory_space<hbm>>
      %dma_wait3A_234 = tpu.memref_squeeze %dma_wait3A_233 : memref<1x2048xf32, #tpu.memory_space<hbm>> -> memref<2048xf32, #tpu.memory_space<hbm>>
      %dma_wait3A_235 = arith.constant 0 : i32
      %dma_wait3A_236 = tpu.memref_slice %arg10[%dma_wait3A_228, %dma_wait3A_229, %dma_wait3A_235] : memref<2x6x2048xf32, #tpu.memory_space<vmem>> -> memref<1x1x2048xf32, #tpu.memory_space<vmem>>
      %dma_wait3A_237 = tpu.memref_squeeze %dma_wait3A_236 : memref<1x1x2048xf32, #tpu.memory_space<vmem>> -> memref<2048xf32, #tpu.memory_space<vmem>>
      %dma_wait3A_238 = tpu.memref_slice %arg4[%select_n3A, %add3A_204] : memref<4x131072xf32, #tpu.memory_space<hbm>> -> memref<1x2048xf32, #tpu.memory_space<hbm>>
      %dma_wait3A_239 = tpu.memref_squeeze %dma_wait3A_238 : memref<1x2048xf32, #tpu.memory_space<hbm>> -> memref<2048xf32, #tpu.memory_space<hbm>>
      tpu.wait_dma2 semaphore(%arg11 : memref<!tpu.dma_semaphore, #tpu.memory_space<semaphore_mem>>) src(%dma_wait3A_239 : memref<2048xf32, #tpu.memory_space<hbm>>) dst(%dma_wait3A_237 : memref<2048xf32, #tpu.memory_space<vmem>>)
      %dma_wait3A_240 = arith.constant 0 : i32
      %dma_wait3A_241 = arith.constant 3 : i32
      %dma_wait3A_242 = arith.constant 0 : i32
      %dma_wait3A_243 = tpu.memref_slice %arg10[%dma_wait3A_240, %dma_wait3A_241, %dma_wait3A_242] : memref<2x6x2048xf32, #tpu.memory_space<vmem>> -> memref<1x1x2048xf32, #tpu.memory_space<vmem>>
      %dma_wait3A_244 = tpu.memref_squeeze %dma_wait3A_243 : memref<1x1x2048xf32, #tpu.memory_space<vmem>> -> memref<2048xf32, #tpu.memory_space<vmem>>
      %dma_wait3A_245 = tpu.memref_slice %arg5[%select_n3A, %add3A_204] : memref<4x131072xf32, #tpu.memory_space<hbm>> -> memref<1x2048xf32, #tpu.memory_space<hbm>>
      %dma_wait3A_246 = tpu.memref_squeeze %dma_wait3A_245 : memref<1x2048xf32, #tpu.memory_space<hbm>> -> memref<2048xf32, #tpu.memory_space<hbm>>
      %dma_wait3A_247 = arith.constant 0 : i32
      %dma_wait3A_248 = tpu.memref_slice %arg10[%dma_wait3A_240, %dma_wait3A_241, %dma_wait3A_247] : memref<2x6x2048xf32, #tpu.memory_space<vmem>> -> memref<1x1x2048xf32, #tpu.memory_space<vmem>>
      %dma_wait3A_249 = tpu.memref_squeeze %dma_wait3A_248 : memref<1x1x2048xf32, #tpu.memory_space<vmem>> -> memref<2048xf32, #tpu.memory_space<vmem>>
      %dma_wait3A_250 = tpu.memref_slice %arg5[%select_n3A, %add3A_204] : memref<4x131072xf32, #tpu.memory_space<hbm>> -> memref<1x2048xf32, #tpu.memory_space<hbm>>
      %dma_wait3A_251 = tpu.memref_squeeze %dma_wait3A_250 : memref<1x2048xf32, #tpu.memory_space<hbm>> -> memref<2048xf32, #tpu.memory_space<hbm>>
      tpu.wait_dma2 semaphore(%arg11 : memref<!tpu.dma_semaphore, #tpu.memory_space<semaphore_mem>>) src(%dma_wait3A_251 : memref<2048xf32, #tpu.memory_space<hbm>>) dst(%dma_wait3A_249 : memref<2048xf32, #tpu.memory_space<vmem>>)
      %dma_wait3A_252 = arith.constant 0 : i32
      %dma_wait3A_253 = arith.constant 4 : i32
      %dma_wait3A_254 = arith.constant 0 : i32
      %dma_wait3A_255 = tpu.memref_slice %arg10[%dma_wait3A_252, %dma_wait3A_253, %dma_wait3A_254] : memref<2x6x2048xf32, #tpu.memory_space<vmem>> -> memref<1x1x2048xf32, #tpu.memory_space<vmem>>
      %dma_wait3A_256 = tpu.memref_squeeze %dma_wait3A_255 : memref<1x1x2048xf32, #tpu.memory_space<vmem>> -> memref<2048xf32, #tpu.memory_space<vmem>>
      %dma_wait3A_257 = tpu.memref_slice %arg6[%select_n3A, %add3A_204] : memref<4x131072xf32, #tpu.memory_space<hbm>> -> memref<1x2048xf32, #tpu.memory_space<hbm>>
      %dma_wait3A_258 = tpu.memref_squeeze %dma_wait3A_257 : memref<1x2048xf32, #tpu.memory_space<hbm>> -> memref<2048xf32, #tpu.memory_space<hbm>>
      %dma_wait3A_259 = arith.constant 0 : i32
      %dma_wait3A_260 = tpu.memref_slice %arg10[%dma_wait3A_252, %dma_wait3A_253, %dma_wait3A_259] : memref<2x6x2048xf32, #tpu.memory_space<vmem>> -> memref<1x1x2048xf32, #tpu.memory_space<vmem>>
      %dma_wait3A_261 = tpu.memref_squeeze %dma_wait3A_260 : memref<1x1x2048xf32, #tpu.memory_space<vmem>> -> memref<2048xf32, #tpu.memory_space<vmem>>
      %dma_wait3A_262 = tpu.memref_slice %arg6[%select_n3A, %add3A_204] : memref<4x131072xf32, #tpu.memory_space<hbm>> -> memref<1x2048xf32, #tpu.memory_space<hbm>>
      %dma_wait3A_263 = tpu.memref_squeeze %dma_wait3A_262 : memref<1x2048xf32, #tpu.memory_space<hbm>> -> memref<2048xf32, #tpu.memory_space<hbm>>
      tpu.wait_dma2 semaphore(%arg11 : memref<!tpu.dma_semaphore, #tpu.memory_space<semaphore_mem>>) src(%dma_wait3A_263 : memref<2048xf32, #tpu.memory_space<hbm>>) dst(%dma_wait3A_261 : memref<2048xf32, #tpu.memory_space<vmem>>)
      %dma_wait3A_264 = arith.constant 0 : i32
      %dma_wait3A_265 = arith.constant 5 : i32
      %dma_wait3A_266 = arith.constant 0 : i32
      %dma_wait3A_267 = tpu.memref_slice %arg10[%dma_wait3A_264, %dma_wait3A_265, %dma_wait3A_266] : memref<2x6x2048xf32, #tpu.memory_space<vmem>> -> memref<1x1x2048xf32, #tpu.memory_space<vmem>>
      %dma_wait3A_268 = tpu.memref_squeeze %dma_wait3A_267 : memref<1x1x2048xf32, #tpu.memory_space<vmem>> -> memref<2048xf32, #tpu.memory_space<vmem>>
      %dma_wait3A_269 = tpu.memref_slice %arg7[%select_n3A, %add3A_204] : memref<4x131072xf32, #tpu.memory_space<hbm>> -> memref<1x2048xf32, #tpu.memory_space<hbm>>
      %dma_wait3A_270 = tpu.memref_squeeze %dma_wait3A_269 : memref<1x2048xf32, #tpu.memory_space<hbm>> -> memref<2048xf32, #tpu.memory_space<hbm>>
      %dma_wait3A_271 = arith.constant 0 : i32
      %dma_wait3A_272 = tpu.memref_slice %arg10[%dma_wait3A_264, %dma_wait3A_265, %dma_wait3A_271] : memref<2x6x2048xf32, #tpu.memory_space<vmem>> -> memref<1x1x2048xf32, #tpu.memory_space<vmem>>
      %dma_wait3A_273 = tpu.memref_squeeze %dma_wait3A_272 : memref<1x1x2048xf32, #tpu.memory_space<vmem>> -> memref<2048xf32, #tpu.memory_space<vmem>>
      %dma_wait3A_274 = tpu.memref_slice %arg7[%select_n3A, %add3A_204] : memref<4x131072xf32, #tpu.memory_space<hbm>> -> memref<1x2048xf32, #tpu.memory_space<hbm>>
      %dma_wait3A_275 = tpu.memref_squeeze %dma_wait3A_274 : memref<1x2048xf32, #tpu.memory_space<hbm>> -> memref<2048xf32, #tpu.memory_space<hbm>>
      tpu.wait_dma2 semaphore(%arg11 : memref<!tpu.dma_semaphore, #tpu.memory_space<semaphore_mem>>) src(%dma_wait3A_275 : memref<2048xf32, #tpu.memory_space<hbm>>) dst(%dma_wait3A_273 : memref<2048xf32, #tpu.memory_space<vmem>>)
      %add3A_276 = arith.constant 1 : i32
      %add3A_277 = arith.addi %mul3A_201, %add3A_276 : i32
      %lt3A_278 = arith.constant 32 : i32
      %lt3A_279 = arith.cmpi slt, %add3A_277, %lt3A_278 : i32
      %convert_element_type3A_280 = arith.extui %lt3A_279 : i1 to i32
      %cond3A = arith.constant 0 : i32
      %cond3A_281 = arith.cmpi ne, %convert_element_type3A_280, %cond3A : i32
      scf.if %cond3A_281 {
        %add3A_374 = arith.constant 1 : i32
        %add3A_375 = arith.addi %mul3A_201, %add3A_374 : i32
        %mul3A_376 = arith.constant 2048 : i32
        %mul3A_377 = arith.muli %add3A_375, %mul3A_376 : i32
        %add3A_378 = arith.addi %mul3A_115, %mul3A_377 : i32
        %dma_start3A_379 = arith.constant 1 : i32
        %dma_start3A_380 = arith.constant 0 : i32
        %dma_start3A_381 = arith.constant 0 : i32
        %dma_start3A_382 = tpu.memref_slice %arg10[%dma_start3A_379, %dma_start3A_380, %dma_start3A_381] : memref<2x6x2048xf32, #tpu.memory_space<vmem>> -> memref<1x1x2048xf32, #tpu.memory_space<vmem>>
        %dma_start3A_383 = tpu.memref_squeeze %dma_start3A_382 : memref<1x1x2048xf32, #tpu.memory_space<vmem>> -> memref<2048xf32, #tpu.memory_space<vmem>>
        %dma_start3A_384 = tpu.memref_slice %arg2[%select_n3A, %add3A_378] : memref<4x131072xf32, #tpu.memory_space<hbm>> -> memref<1x2048xf32, #tpu.memory_space<hbm>>
        %dma_start3A_385 = tpu.memref_squeeze %dma_start3A_384 : memref<1x2048xf32, #tpu.memory_space<hbm>> -> memref<2048xf32, #tpu.memory_space<hbm>>
        %dma_start3A_386 = arith.constant 0 : i32
        %dma_start3A_387 = tpu.memref_slice %arg10[%dma_start3A_379, %dma_start3A_380, %dma_start3A_386] : memref<2x6x2048xf32, #tpu.memory_space<vmem>> -> memref<1x1x2048xf32, #tpu.memory_space<vmem>>
        %dma_start3A_388 = tpu.memref_squeeze %dma_start3A_387 : memref<1x1x2048xf32, #tpu.memory_space<vmem>> -> memref<2048xf32, #tpu.memory_space<vmem>>
        %dma_start3A_389 = tpu.memref_slice %arg2[%select_n3A, %add3A_378] : memref<4x131072xf32, #tpu.memory_space<hbm>> -> memref<1x2048xf32, #tpu.memory_space<hbm>>
        %dma_start3A_390 = tpu.memref_squeeze %dma_start3A_389 : memref<1x2048xf32, #tpu.memory_space<hbm>> -> memref<2048xf32, #tpu.memory_space<hbm>>
        tpu.enqueue_dma source(%dma_start3A_390 : memref<2048xf32, #tpu.memory_space<hbm>>) target(%dma_start3A_388 : memref<2048xf32, #tpu.memory_space<vmem>>) target_semaphore(%arg12 : memref<!tpu.dma_semaphore, #tpu.memory_space<semaphore_mem>>)
        %dma_start3A_391 = arith.constant 1 : i32
        %dma_start3A_392 = arith.constant 1 : i32
        %dma_start3A_393 = arith.constant 0 : i32
        %dma_start3A_394 = tpu.memref_slice %arg10[%dma_start3A_391, %dma_start3A_392, %dma_start3A_393] : memref<2x6x2048xf32, #tpu.memory_space<vmem>> -> memref<1x1x2048xf32, #tpu.memory_space<vmem>>
        %dma_start3A_395 = tpu.memref_squeeze %dma_start3A_394 : memref<1x1x2048xf32, #tpu.memory_space<vmem>> -> memref<2048xf32, #tpu.memory_space<vmem>>
        %dma_start3A_396 = tpu.memref_slice %arg3[%select_n3A, %add3A_378] : memref<4x131072xf32, #tpu.memory_space<hbm>> -> memref<1x2048xf32, #tpu.memory_space<hbm>>
        %dma_start3A_397 = tpu.memref_squeeze %dma_start3A_396 : memref<1x2048xf32, #tpu.memory_space<hbm>> -> memref<2048xf32, #tpu.memory_space<hbm>>
        %dma_start3A_398 = arith.constant 0 : i32
        %dma_start3A_399 = tpu.memref_slice %arg10[%dma_start3A_391, %dma_start3A_392, %dma_start3A_398] : memref<2x6x2048xf32, #tpu.memory_space<vmem>> -> memref<1x1x2048xf32, #tpu.memory_space<vmem>>
        %dma_start3A_400 = tpu.memref_squeeze %dma_start3A_399 : memref<1x1x2048xf32, #tpu.memory_space<vmem>> -> memref<2048xf32, #tpu.memory_space<vmem>>
        %dma_start3A_401 = tpu.memref_slice %arg3[%select_n3A, %add3A_378] : memref<4x131072xf32, #tpu.memory_space<hbm>> -> memref<1x2048xf32, #tpu.memory_space<hbm>>
        %dma_start3A_402 = tpu.memref_squeeze %dma_start3A_401 : memref<1x2048xf32, #tpu.memory_space<hbm>> -> memref<2048xf32, #tpu.memory_space<hbm>>
        tpu.enqueue_dma source(%dma_start3A_402 : memref<2048xf32, #tpu.memory_space<hbm>>) target(%dma_start3A_400 : memref<2048xf32, #tpu.memory_space<vmem>>) target_semaphore(%arg12 : memref<!tpu.dma_semaphore, #tpu.memory_space<semaphore_mem>>)
        %dma_start3A_403 = arith.constant 1 : i32
        %dma_start3A_404 = arith.constant 2 : i32
        %dma_start3A_405 = arith.constant 0 : i32
        %dma_start3A_406 = tpu.memref_slice %arg10[%dma_start3A_403, %dma_start3A_404, %dma_start3A_405] : memref<2x6x2048xf32, #tpu.memory_space<vmem>> -> memref<1x1x2048xf32, #tpu.memory_space<vmem>>
        %dma_start3A_407 = tpu.memref_squeeze %dma_start3A_406 : memref<1x1x2048xf32, #tpu.memory_space<vmem>> -> memref<2048xf32, #tpu.memory_space<vmem>>
        %dma_start3A_408 = tpu.memref_slice %arg4[%select_n3A, %add3A_378] : memref<4x131072xf32, #tpu.memory_space<hbm>> -> memref<1x2048xf32, #tpu.memory_space<hbm>>
        %dma_start3A_409 = tpu.memref_squeeze %dma_start3A_408 : memref<1x2048xf32, #tpu.memory_space<hbm>> -> memref<2048xf32, #tpu.memory_space<hbm>>
        %dma_start3A_410 = arith.constant 0 : i32
        %dma_start3A_411 = tpu.memref_slice %arg10[%dma_start3A_403, %dma_start3A_404, %dma_start3A_410] : memref<2x6x2048xf32, #tpu.memory_space<vmem>> -> memref<1x1x2048xf32, #tpu.memory_space<vmem>>
        %dma_start3A_412 = tpu.memref_squeeze %dma_start3A_411 : memref<1x1x2048xf32, #tpu.memory_space<vmem>> -> memref<2048xf32, #tpu.memory_space<vmem>>
        %dma_start3A_413 = tpu.memref_slice %arg4[%select_n3A, %add3A_378] : memref<4x131072xf32, #tpu.memory_space<hbm>> -> memref<1x2048xf32, #tpu.memory_space<hbm>>
        %dma_start3A_414 = tpu.memref_squeeze %dma_start3A_413 : memref<1x2048xf32, #tpu.memory_space<hbm>> -> memref<2048xf32, #tpu.memory_space<hbm>>
        tpu.enqueue_dma source(%dma_start3A_414 : memref<2048xf32, #tpu.memory_space<hbm>>) target(%dma_start3A_412 : memref<2048xf32, #tpu.memory_space<vmem>>) target_semaphore(%arg12 : memref<!tpu.dma_semaphore, #tpu.memory_space<semaphore_mem>>)
        %dma_start3A_415 = arith.constant 1 : i32
        %dma_start3A_416 = arith.constant 3 : i32
        %dma_start3A_417 = arith.constant 0 : i32
        %dma_start3A_418 = tpu.memref_slice %arg10[%dma_start3A_415, %dma_start3A_416, %dma_start3A_417] : memref<2x6x2048xf32, #tpu.memory_space<vmem>> -> memref<1x1x2048xf32, #tpu.memory_space<vmem>>
        %dma_start3A_419 = tpu.memref_squeeze %dma_start3A_418 : memref<1x1x2048xf32, #tpu.memory_space<vmem>> -> memref<2048xf32, #tpu.memory_space<vmem>>
        %dma_start3A_420 = tpu.memref_slice %arg5[%select_n3A, %add3A_378] : memref<4x131072xf32, #tpu.memory_space<hbm>> -> memref<1x2048xf32, #tpu.memory_space<hbm>>
        %dma_start3A_421 = tpu.memref_squeeze %dma_start3A_420 : memref<1x2048xf32, #tpu.memory_space<hbm>> -> memref<2048xf32, #tpu.memory_space<hbm>>
        %dma_start3A_422 = arith.constant 0 : i32
        %dma_start3A_423 = tpu.memref_slice %arg10[%dma_start3A_415, %dma_start3A_416, %dma_start3A_422] : memref<2x6x2048xf32, #tpu.memory_space<vmem>> -> memref<1x1x2048xf32, #tpu.memory_space<vmem>>
        %dma_start3A_424 = tpu.memref_squeeze %dma_start3A_423 : memref<1x1x2048xf32, #tpu.memory_space<vmem>> -> memref<2048xf32, #tpu.memory_space<vmem>>
        %dma_start3A_425 = tpu.memref_slice %arg5[%select_n3A, %add3A_378] : memref<4x131072xf32, #tpu.memory_space<hbm>> -> memref<1x2048xf32, #tpu.memory_space<hbm>>
        %dma_start3A_426 = tpu.memref_squeeze %dma_start3A_425 : memref<1x2048xf32, #tpu.memory_space<hbm>> -> memref<2048xf32, #tpu.memory_space<hbm>>
        tpu.enqueue_dma source(%dma_start3A_426 : memref<2048xf32, #tpu.memory_space<hbm>>) target(%dma_start3A_424 : memref<2048xf32, #tpu.memory_space<vmem>>) target_semaphore(%arg12 : memref<!tpu.dma_semaphore, #tpu.memory_space<semaphore_mem>>)
        %dma_start3A_427 = arith.constant 1 : i32
        %dma_start3A_428 = arith.constant 4 : i32
        %dma_start3A_429 = arith.constant 0 : i32
        %dma_start3A_430 = tpu.memref_slice %arg10[%dma_start3A_427, %dma_start3A_428, %dma_start3A_429] : memref<2x6x2048xf32, #tpu.memory_space<vmem>> -> memref<1x1x2048xf32, #tpu.memory_space<vmem>>
        %dma_start3A_431 = tpu.memref_squeeze %dma_start3A_430 : memref<1x1x2048xf32, #tpu.memory_space<vmem>> -> memref<2048xf32, #tpu.memory_space<vmem>>
        %dma_start3A_432 = tpu.memref_slice %arg6[%select_n3A, %add3A_378] : memref<4x131072xf32, #tpu.memory_space<hbm>> -> memref<1x2048xf32, #tpu.memory_space<hbm>>
        %dma_start3A_433 = tpu.memref_squeeze %dma_start3A_432 : memref<1x2048xf32, #tpu.memory_space<hbm>> -> memref<2048xf32, #tpu.memory_space<hbm>>
        %dma_start3A_434 = arith.constant 0 : i32
        %dma_start3A_435 = tpu.memref_slice %arg10[%dma_start3A_427, %dma_start3A_428, %dma_start3A_434] : memref<2x6x2048xf32, #tpu.memory_space<vmem>> -> memref<1x1x2048xf32, #tpu.memory_space<vmem>>
        %dma_start3A_436 = tpu.memref_squeeze %dma_start3A_435 : memref<1x1x2048xf32, #tpu.memory_space<vmem>> -> memref<2048xf32, #tpu.memory_space<vmem>>
        %dma_start3A_437 = tpu.memref_slice %arg6[%select_n3A, %add3A_378] : memref<4x131072xf32, #tpu.memory_space<hbm>> -> memref<1x2048xf32, #tpu.memory_space<hbm>>
        %dma_start3A_438 = tpu.memref_squeeze %dma_start3A_437 : memref<1x2048xf32, #tpu.memory_space<hbm>> -> memref<2048xf32, #tpu.memory_space<hbm>>
        tpu.enqueue_dma source(%dma_start3A_438 : memref<2048xf32, #tpu.memory_space<hbm>>) target(%dma_start3A_436 : memref<2048xf32, #tpu.memory_space<vmem>>) target_semaphore(%arg12 : memref<!tpu.dma_semaphore, #tpu.memory_space<semaphore_mem>>)
        %dma_start3A_439 = arith.constant 1 : i32
        %dma_start3A_440 = arith.constant 5 : i32
        %dma_start3A_441 = arith.constant 0 : i32
        %dma_start3A_442 = tpu.memref_slice %arg10[%dma_start3A_439, %dma_start3A_440, %dma_start3A_441] : memref<2x6x2048xf32, #tpu.memory_space<vmem>> -> memref<1x1x2048xf32, #tpu.memory_space<vmem>>
        %dma_start3A_443 = tpu.memref_squeeze %dma_start3A_442 : memref<1x1x2048xf32, #tpu.memory_space<vmem>> -> memref<2048xf32, #tpu.memory_space<vmem>>
        %dma_start3A_444 = tpu.memref_slice %arg7[%select_n3A, %add3A_378] : memref<4x131072xf32, #tpu.memory_space<hbm>> -> memref<1x2048xf32, #tpu.memory_space<hbm>>
        %dma_start3A_445 = tpu.memref_squeeze %dma_start3A_444 : memref<1x2048xf32, #tpu.memory_space<hbm>> -> memref<2048xf32, #tpu.memory_space<hbm>>
        %dma_start3A_446 = arith.constant 0 : i32
        %dma_start3A_447 = tpu.memref_slice %arg10[%dma_start3A_439, %dma_start3A_440, %dma_start3A_446] : memref<2x6x2048xf32, #tpu.memory_space<vmem>> -> memref<1x1x2048xf32, #tpu.memory_space<vmem>>
        %dma_start3A_448 = tpu.memref_squeeze %dma_start3A_447 : memref<1x1x2048xf32, #tpu.memory_space<vmem>> -> memref<2048xf32, #tpu.memory_space<vmem>>
        %dma_start3A_449 = tpu.memref_slice %arg7[%select_n3A, %add3A_378] : memref<4x131072xf32, #tpu.memory_space<hbm>> -> memref<1x2048xf32, #tpu.memory_space<hbm>>
        %dma_start3A_450 = tpu.memref_squeeze %dma_start3A_449 : memref<1x2048xf32, #tpu.memory_space<hbm>> -> memref<2048xf32, #tpu.memory_space<hbm>>
        tpu.enqueue_dma source(%dma_start3A_450 : memref<2048xf32, #tpu.memory_space<hbm>>) target(%dma_start3A_448 : memref<2048xf32, #tpu.memory_space<vmem>>) target_semaphore(%arg12 : memref<!tpu.dma_semaphore, #tpu.memory_space<semaphore_mem>>)
      } else {
      }
      %parallel_loop3A_282 = arith.constant 0 : i32
      %parallel_loop3A_283 = arith.constant 128 : i32
      %parallel_loop3A_284 = arith.constant 1 : i32
      scf.for %parallel_loop3A_374 = %parallel_loop3A_282 to %parallel_loop3A_283 step %parallel_loop3A_284  : i32 {
        %parallel_loop3A_375 = arith.constant 16 : i32
        %parallel_loop3A_376 = arith.muli %parallel_loop3A_374, %parallel_loop3A_375 : i32
        %parallel_loop3A_377 = arith.constant 0 : i32
        %parallel_loop3A_378 = arith.constant 0 : i32
        %parallel_loop3A_379 = arith.index_cast %parallel_loop3A_377 : i32 to index
        %parallel_loop3A_380 = arith.index_cast %parallel_loop3A_378 : i32 to index
        %parallel_loop3A_381 = arith.index_cast %parallel_loop3A_376 : i32 to index
        %parallel_loop3A_382 = tpu.vector_load %arg10[%parallel_loop3A_379, %parallel_loop3A_380, %parallel_loop3A_381] {strides = array<i32>} : memref<2x6x2048xf32, #tpu.memory_space<vmem>>, vector<16xf32>,
        %parallel_loop3A_383 = arith.constant 0 : i32
        %parallel_loop3A_384 = arith.constant 1 : i32
        %parallel_loop3A_385 = arith.index_cast %parallel_loop3A_383 : i32 to index
        %parallel_loop3A_386 = arith.index_cast %parallel_loop3A_384 : i32 to index
        %parallel_loop3A_387 = arith.index_cast %parallel_loop3A_376 : i32 to index
        %parallel_loop3A_388 = tpu.vector_load %arg10[%parallel_loop3A_385, %parallel_loop3A_386, %parallel_loop3A_387] {strides = array<i32>} : memref<2x6x2048xf32, #tpu.memory_space<vmem>>, vector<16xf32>,
        %parallel_loop3A_389 = arith.constant 0 : i32
        %parallel_loop3A_390 = arith.constant 2 : i32
        %parallel_loop3A_391 = arith.index_cast %parallel_loop3A_389 : i32 to index
        %parallel_loop3A_392 = arith.index_cast %parallel_loop3A_390 : i32 to index
        %parallel_loop3A_393 = arith.index_cast %parallel_loop3A_376 : i32 to index
        %parallel_loop3A_394 = tpu.vector_load %arg10[%parallel_loop3A_391, %parallel_loop3A_392, %parallel_loop3A_393] {strides = array<i32>} : memref<2x6x2048xf32, #tpu.memory_space<vmem>>, vector<16xf32>,
        %parallel_loop3A_395 = arith.constant 0 : i32
        %parallel_loop3A_396 = arith.constant 3 : i32
        %parallel_loop3A_397 = arith.index_cast %parallel_loop3A_395 : i32 to index
        %parallel_loop3A_398 = arith.index_cast %parallel_loop3A_396 : i32 to index
        %parallel_loop3A_399 = arith.index_cast %parallel_loop3A_376 : i32 to index
        %parallel_loop3A_400 = tpu.vector_load %arg10[%parallel_loop3A_397, %parallel_loop3A_398, %parallel_loop3A_399] {strides = array<i32>} : memref<2x6x2048xf32, #tpu.memory_space<vmem>>, vector<16xf32>,
        %parallel_loop3A_401 = arith.constant 0 : i32
        %parallel_loop3A_402 = arith.constant 4 : i32
        %parallel_loop3A_403 = arith.index_cast %parallel_loop3A_401 : i32 to index
        %parallel_loop3A_404 = arith.index_cast %parallel_loop3A_402 : i32 to index
        %parallel_loop3A_405 = arith.index_cast %parallel_loop3A_376 : i32 to index
        %parallel_loop3A_406 = tpu.vector_load %arg10[%parallel_loop3A_403, %parallel_loop3A_404, %parallel_loop3A_405] {strides = array<i32>} : memref<2x6x2048xf32, #tpu.memory_space<vmem>>, vector<16xf32>,
        %parallel_loop3A_407 = arith.constant 0 : i32
        %parallel_loop3A_408 = arith.constant 5 : i32
        %parallel_loop3A_409 = arith.index_cast %parallel_loop3A_407 : i32 to index
        %parallel_loop3A_410 = arith.index_cast %parallel_loop3A_408 : i32 to index
        %parallel_loop3A_411 = arith.index_cast %parallel_loop3A_376 : i32 to index
        %parallel_loop3A_412 = tpu.vector_load %arg10[%parallel_loop3A_409, %parallel_loop3A_410, %parallel_loop3A_411] {strides = array<i32>} : memref<2x6x2048xf32, #tpu.memory_space<vmem>>, vector<16xf32>,
        %parallel_loop3A_413 = arith.constant 1.000000e+00 : f32
        %parallel_loop3A_414 = vector.broadcast %parallel_loop3A_413 : f32 to vector<16xf32>
        %parallel_loop3A_415 = arith.subf %parallel_loop3A_414, %parallel_loop3A_394 : vector<16xf32>
        %parallel_loop3A_416 = arith.constant 2.560000e+02 : f32
        %parallel_loop3A_417 = vector.broadcast %parallel_loop3A_416 : f32 to vector<16xf32>
        %parallel_loop3A_418 = arith.mulf %parallel_loop3A_415, %parallel_loop3A_417 : vector<16xf32>
        %parallel_loop3A_419 = arith.mulf %parallel_loop3A_418, %parallel_loop3A_406 : vector<16xf32>
        %parallel_loop3A_420 = arith.addf %parallel_loop3A_382, %parallel_loop3A_419 : vector<16xf32>
        %parallel_loop3A_421 = arith.constant 1.024000e+03 : f32
        %parallel_loop3A_422 = vector.broadcast %parallel_loop3A_421 : f32 to vector<16xf32>
        %parallel_loop3A_423 = arith.addf %parallel_loop3A_420, %parallel_loop3A_422 : vector<16xf32>
        %parallel_loop3A_424 = arith.mulf %parallel_loop3A_418, %parallel_loop3A_412 : vector<16xf32>
        %parallel_loop3A_425 = arith.addf %parallel_loop3A_388, %parallel_loop3A_424 : vector<16xf32>
        %parallel_loop3A_426 = arith.constant 1.024000e+03 : f32
        %parallel_loop3A_427 = vector.broadcast %parallel_loop3A_426 : f32 to vector<16xf32>
        %parallel_loop3A_428 = arith.addf %parallel_loop3A_425, %parallel_loop3A_427 : vector<16xf32>
        %parallel_loop3A_429 = arith.fptosi %parallel_loop3A_423 : vector<16xf32> to vector<16xi32>
        %parallel_loop3A_430 = arith.fptosi %parallel_loop3A_428 : vector<16xf32> to vector<16xi32>
        %parallel_loop3A_431 = arith.sitofp %parallel_loop3A_429 : vector<16xi32> to vector<16xf32>
        %parallel_loop3A_432 = arith.subf %parallel_loop3A_423, %parallel_loop3A_431 : vector<16xf32>
        %parallel_loop3A_433 = arith.sitofp %parallel_loop3A_430 : vector<16xi32> to vector<16xf32>
        %parallel_loop3A_434 = arith.subf %parallel_loop3A_428, %parallel_loop3A_433 : vector<16xf32>
        %parallel_loop3A_435 = arith.constant 1024 : i32
        %parallel_loop3A_436 = vector.broadcast %parallel_loop3A_435 : i32 to vector<16xi32>
        %parallel_loop3A_437 = arith.subi %parallel_loop3A_429, %parallel_loop3A_436 : vector<16xi32>
        %parallel_loop3A_438 = arith.constant 1024 : i32
        %parallel_loop3A_439 = vector.broadcast %parallel_loop3A_438 : i32 to vector<16xi32>
        %parallel_loop3A_440 = arith.subi %parallel_loop3A_430, %parallel_loop3A_439 : vector<16xi32>
        %parallel_loop3A_441 = arith.constant 1.000000e+00 : f32
        %parallel_loop3A_442 = vector.broadcast %parallel_loop3A_441 : f32 to vector<16xf32>
        %parallel_loop3A_443 = arith.subf %parallel_loop3A_442, %parallel_loop3A_432 : vector<16xf32>
        %parallel_loop3A_444 = arith.constant 1.000000e+00 : f32
        %parallel_loop3A_445 = vector.broadcast %parallel_loop3A_444 : f32 to vector<16xf32>
        %parallel_loop3A_446 = arith.subf %parallel_loop3A_445, %parallel_loop3A_434 : vector<16xf32>
        %parallel_loop3A_447 = arith.constant 1.000000e+00 : f32
        %parallel_loop3A_448 = vector.broadcast %parallel_loop3A_447 : f32 to vector<16xf32>
        %parallel_loop3A_449 = arith.subf %parallel_loop3A_394, %parallel_loop3A_448 : vector<16xf32>
        %parallel_loop3A_450 = vector.broadcast %convert_element_type3A_193 : f32 to vector<16xf32>
        %parallel_loop3A_451 = arith.mulf %parallel_loop3A_450, %parallel_loop3A_449 : vector<16xf32>
        %parallel_loop3A_452 = arith.constant 1.000000e+00 : f32
        %parallel_loop3A_453 = vector.broadcast %parallel_loop3A_452 : f32 to vector<16xf32>
        %parallel_loop3A_454 = arith.addf %parallel_loop3A_453, %parallel_loop3A_451 : vector<16xf32>
        %parallel_loop3A_455 = arith.mulf %parallel_loop3A_454, %parallel_loop3A_446 : vector<16xf32>
        %parallel_loop3A_456 = arith.mulf %parallel_loop3A_454, %parallel_loop3A_434 : vector<16xf32>
        %parallel_loop3A_457 = arith.mulf %parallel_loop3A_443, %parallel_loop3A_455 : vector<16xf32>
        %parallel_loop3A_458 = arith.mulf %parallel_loop3A_432, %parallel_loop3A_455 : vector<16xf32>
        %parallel_loop3A_459 = arith.mulf %parallel_loop3A_443, %parallel_loop3A_456 : vector<16xf32>
        %parallel_loop3A_460 = arith.mulf %parallel_loop3A_432, %parallel_loop3A_456 : vector<16xf32>
        %parallel_loop3A_461 = vector.broadcast %sub3A_192 : f32 to vector<16xf32>
        %parallel_loop3A_462 = arith.cmpf oeq, %parallel_loop3A_400, %parallel_loop3A_461 : vector<16xf32>
        %parallel_loop3A_463 = arith.constant 1 : i32
        %parallel_loop3A_464 = vector.broadcast %parallel_loop3A_463 : i32 to vector<16xi32>
        %parallel_loop3A_465 = arith.addi %parallel_loop3A_437, %parallel_loop3A_464 : vector<16xi32>
        %parallel_loop3A_466 = arith.constant 1 : i32
        %parallel_loop3A_467 = vector.broadcast %parallel_loop3A_466 : i32 to vector<16xi32>
        %parallel_loop3A_468 = arith.addi %parallel_loop3A_440, %parallel_loop3A_467 : vector<16xi32>
        %parallel_loop3A_469 = arith.constant 255 : i32
        %parallel_loop3A_470 = vector.broadcast %parallel_loop3A_469 : i32 to vector<16xi32>
        %parallel_loop3A_471 = arith.cmpi ule, %parallel_loop3A_437, %parallel_loop3A_470 : vector<16xi32>
        %parallel_loop3A_472 = arith.andi %parallel_loop3A_471, %parallel_loop3A_462 : vector<16xi1>
        %parallel_loop3A_473 = arith.constant 255 : i32
        %parallel_loop3A_474 = vector.broadcast %parallel_loop3A_473 : i32 to vector<16xi32>
        %parallel_loop3A_475 = arith.cmpi ule, %parallel_loop3A_465, %parallel_loop3A_474 : vector<16xi32>
        %parallel_loop3A_476 = arith.andi %parallel_loop3A_475, %parallel_loop3A_462 : vector<16xi1>
        %parallel_loop3A_477 = arith.constant 255 : i32
        %parallel_loop3A_478 = vector.broadcast %parallel_loop3A_477 : i32 to vector<16xi32>
        %parallel_loop3A_479 = arith.cmpi ule, %parallel_loop3A_440, %parallel_loop3A_478 : vector<16xi32>
        %parallel_loop3A_480 = arith.constant 255 : i32
        %parallel_loop3A_481 = vector.broadcast %parallel_loop3A_480 : i32 to vector<16xi32>
        %parallel_loop3A_482 = arith.cmpi ule, %parallel_loop3A_468, %parallel_loop3A_481 : vector<16xi32>
        %parallel_loop3A_483 = arith.constant 256 : i32
        %parallel_loop3A_484 = vector.broadcast %parallel_loop3A_483 : i32 to vector<16xi32>
        %parallel_loop3A_485 = arith.muli %parallel_loop3A_440, %parallel_loop3A_484 : vector<16xi32>
        %parallel_loop3A_486 = arith.addi %parallel_loop3A_485, %parallel_loop3A_437 : vector<16xi32>
        %parallel_loop3A_487 = arith.constant 65535 : i32
        %parallel_loop3A_488 = vector.broadcast %parallel_loop3A_487 : i32 to vector<16xi32>
        %parallel_loop3A_489 = arith.andi %parallel_loop3A_486, %parallel_loop3A_488 : vector<16xi32>
        %parallel_loop3A_490 = arith.constant 1 : i32
        %parallel_loop3A_491 = vector.broadcast %parallel_loop3A_490 : i32 to vector<16xi32>
        %parallel_loop3A_492 = arith.addi %parallel_loop3A_486, %parallel_loop3A_491 : vector<16xi32>
        %parallel_loop3A_493 = arith.constant 65535 : i32
        %parallel_loop3A_494 = vector.broadcast %parallel_loop3A_493 : i32 to vector<16xi32>
        %parallel_loop3A_495 = arith.andi %parallel_loop3A_492, %parallel_loop3A_494 : vector<16xi32>
        %parallel_loop3A_496 = arith.constant 256 : i32
        %parallel_loop3A_497 = vector.broadcast %parallel_loop3A_496 : i32 to vector<16xi32>
        %parallel_loop3A_498 = arith.addi %parallel_loop3A_486, %parallel_loop3A_497 : vector<16xi32>
        %parallel_loop3A_499 = arith.constant 65535 : i32
        %parallel_loop3A_500 = vector.broadcast %parallel_loop3A_499 : i32 to vector<16xi32>
        %parallel_loop3A_501 = arith.andi %parallel_loop3A_498, %parallel_loop3A_500 : vector<16xi32>
        %parallel_loop3A_502 = arith.constant 256 : i32
        %parallel_loop3A_503 = vector.broadcast %parallel_loop3A_502 : i32 to vector<16xi32>
        %parallel_loop3A_504 = arith.addi %parallel_loop3A_486, %parallel_loop3A_503 : vector<16xi32>
        %parallel_loop3A_505 = arith.constant 1 : i32
        %parallel_loop3A_506 = vector.broadcast %parallel_loop3A_505 : i32 to vector<16xi32>
        %parallel_loop3A_507 = arith.addi %parallel_loop3A_504, %parallel_loop3A_506 : vector<16xi32>
        %parallel_loop3A_508 = arith.constant 65535 : i32
        %parallel_loop3A_509 = vector.broadcast %parallel_loop3A_508 : i32 to vector<16xi32>
        %parallel_loop3A_510 = arith.andi %parallel_loop3A_507, %parallel_loop3A_509 : vector<16xi32>
        %parallel_loop3A_511 = arith.andi %parallel_loop3A_472, %parallel_loop3A_479 : vector<16xi1>
        tpu.vector_store_idx %arg9[%parallel_loop3A_489], %parallel_loop3A_457 masked %parallel_loop3A_511 {add = true} : memref<65536xf32, #tpu.memory_space<vmem>>[vector<16xi32>], vector<16xf32>, vector<16xi1>
        %parallel_loop3A_512 = arith.andi %parallel_loop3A_476, %parallel_loop3A_479 : vector<16xi1>
        tpu.vector_store_idx %arg9[%parallel_loop3A_495], %parallel_loop3A_458 masked %parallel_loop3A_512 {add = true} : memref<65536xf32, #tpu.memory_space<vmem>>[vector<16xi32>], vector<16xf32>, vector<16xi1>
        %parallel_loop3A_513 = arith.andi %parallel_loop3A_472, %parallel_loop3A_482 : vector<16xi1>
        tpu.vector_store_idx %arg9[%parallel_loop3A_501], %parallel_loop3A_459 masked %parallel_loop3A_513 {add = true} : memref<65536xf32, #tpu.memory_space<vmem>>[vector<16xi32>], vector<16xf32>, vector<16xi1>
        %parallel_loop3A_514 = arith.andi %parallel_loop3A_476, %parallel_loop3A_482 : vector<16xi1>
        tpu.vector_store_idx %arg9[%parallel_loop3A_510], %parallel_loop3A_460 masked %parallel_loop3A_514 {add = true} : memref<65536xf32, #tpu.memory_space<vmem>>[vector<16xi32>], vector<16xf32>, vector<16xi1>
      } {sc.loop_unroll_factor = 4 : i64, sc.parallel_access}
      %mul3A_285 = arith.constant 2 : i32
      %mul3A_286 = arith.muli %scan3A_199, %mul3A_285 : i32
      %add3A_287 = arith.constant 1 : i32
      %add3A_288 = arith.addi %mul3A_286, %add3A_287 : i32
      %mul3A_289 = arith.constant 2048 : i32
      %mul3A_290 = arith.muli %add3A_288, %mul3A_289 : i32
      %add3A_291 = arith.addi %mul3A_115, %mul3A_290 : i32
      %dma_wait3A_292 = arith.constant 1 : i32
      %dma_wait3A_293 = arith.constant 0 : i32
      %dma_wait3A_294 = arith.constant 0 : i32
      %dma_wait3A_295 = tpu.memref_slice %arg10[%dma_wait3A_292, %dma_wait3A_293, %dma_wait3A_294] : memref<2x6x2048xf32, #tpu.memory_space<vmem>> -> memref<1x1x2048xf32, #tpu.memory_space<vmem>>
      %dma_wait3A_296 = tpu.memref_squeeze %dma_wait3A_295 : memref<1x1x2048xf32, #tpu.memory_space<vmem>> -> memref<2048xf32, #tpu.memory_space<vmem>>
      %dma_wait3A_297 = tpu.memref_slice %arg2[%select_n3A, %add3A_291] : memref<4x131072xf32, #tpu.memory_space<hbm>> -> memref<1x2048xf32, #tpu.memory_space<hbm>>
      %dma_wait3A_298 = tpu.memref_squeeze %dma_wait3A_297 : memref<1x2048xf32, #tpu.memory_space<hbm>> -> memref<2048xf32, #tpu.memory_space<hbm>>
      %dma_wait3A_299 = arith.constant 0 : i32
      %dma_wait3A_300 = tpu.memref_slice %arg10[%dma_wait3A_292, %dma_wait3A_293, %dma_wait3A_299] : memref<2x6x2048xf32, #tpu.memory_space<vmem>> -> memref<1x1x2048xf32, #tpu.memory_space<vmem>>
      %dma_wait3A_301 = tpu.memref_squeeze %dma_wait3A_300 : memref<1x1x2048xf32, #tpu.memory_space<vmem>> -> memref<2048xf32, #tpu.memory_space<vmem>>
      %dma_wait3A_302 = tpu.memref_slice %arg2[%select_n3A, %add3A_291] : memref<4x131072xf32, #tpu.memory_space<hbm>> -> memref<1x2048xf32, #tpu.memory_space<hbm>>
      %dma_wait3A_303 = tpu.memref_squeeze %dma_wait3A_302 : memref<1x2048xf32, #tpu.memory_space<hbm>> -> memref<2048xf32, #tpu.memory_space<hbm>>
      tpu.wait_dma2 semaphore(%arg12 : memref<!tpu.dma_semaphore, #tpu.memory_space<semaphore_mem>>) src(%dma_wait3A_303 : memref<2048xf32, #tpu.memory_space<hbm>>) dst(%dma_wait3A_301 : memref<2048xf32, #tpu.memory_space<vmem>>)
      %dma_wait3A_304 = arith.constant 1 : i32
      %dma_wait3A_305 = arith.constant 1 : i32
      %dma_wait3A_306 = arith.constant 0 : i32
      %dma_wait3A_307 = tpu.memref_slice %arg10[%dma_wait3A_304, %dma_wait3A_305, %dma_wait3A_306] : memref<2x6x2048xf32, #tpu.memory_space<vmem>> -> memref<1x1x2048xf32, #tpu.memory_space<vmem>>
      %dma_wait3A_308 = tpu.memref_squeeze %dma_wait3A_307 : memref<1x1x2048xf32, #tpu.memory_space<vmem>> -> memref<2048xf32, #tpu.memory_space<vmem>>
      %dma_wait3A_309 = tpu.memref_slice %arg3[%select_n3A, %add3A_291] : memref<4x131072xf32, #tpu.memory_space<hbm>> -> memref<1x2048xf32, #tpu.memory_space<hbm>>
      %dma_wait3A_310 = tpu.memref_squeeze %dma_wait3A_309 : memref<1x2048xf32, #tpu.memory_space<hbm>> -> memref<2048xf32, #tpu.memory_space<hbm>>
      %dma_wait3A_311 = arith.constant 0 : i32
      %dma_wait3A_312 = tpu.memref_slice %arg10[%dma_wait3A_304, %dma_wait3A_305, %dma_wait3A_311] : memref<2x6x2048xf32, #tpu.memory_space<vmem>> -> memref<1x1x2048xf32, #tpu.memory_space<vmem>>
      %dma_wait3A_313 = tpu.memref_squeeze %dma_wait3A_312 : memref<1x1x2048xf32, #tpu.memory_space<vmem>> -> memref<2048xf32, #tpu.memory_space<vmem>>
      %dma_wait3A_314 = tpu.memref_slice %arg3[%select_n3A, %add3A_291] : memref<4x131072xf32, #tpu.memory_space<hbm>> -> memref<1x2048xf32, #tpu.memory_space<hbm>>
      %dma_wait3A_315 = tpu.memref_squeeze %dma_wait3A_314 : memref<1x2048xf32, #tpu.memory_space<hbm>> -> memref<2048xf32, #tpu.memory_space<hbm>>
      tpu.wait_dma2 semaphore(%arg12 : memref<!tpu.dma_semaphore, #tpu.memory_space<semaphore_mem>>) src(%dma_wait3A_315 : memref<2048xf32, #tpu.memory_space<hbm>>) dst(%dma_wait3A_313 : memref<2048xf32, #tpu.memory_space<vmem>>)
      %dma_wait3A_316 = arith.constant 1 : i32
      %dma_wait3A_317 = arith.constant 2 : i32
      %dma_wait3A_318 = arith.constant 0 : i32
      %dma_wait3A_319 = tpu.memref_slice %arg10[%dma_wait3A_316, %dma_wait3A_317, %dma_wait3A_318] : memref<2x6x2048xf32, #tpu.memory_space<vmem>> -> memref<1x1x2048xf32, #tpu.memory_space<vmem>>
      %dma_wait3A_320 = tpu.memref_squeeze %dma_wait3A_319 : memref<1x1x2048xf32, #tpu.memory_space<vmem>> -> memref<2048xf32, #tpu.memory_space<vmem>>
      %dma_wait3A_321 = tpu.memref_slice %arg4[%select_n3A, %add3A_291] : memref<4x131072xf32, #tpu.memory_space<hbm>> -> memref<1x2048xf32, #tpu.memory_space<hbm>>
      %dma_wait3A_322 = tpu.memref_squeeze %dma_wait3A_321 : memref<1x2048xf32, #tpu.memory_space<hbm>> -> memref<2048xf32, #tpu.memory_space<hbm>>
      %dma_wait3A_323 = arith.constant 0 : i32
      %dma_wait3A_324 = tpu.memref_slice %arg10[%dma_wait3A_316, %dma_wait3A_317, %dma_wait3A_323] : memref<2x6x2048xf32, #tpu.memory_space<vmem>> -> memref<1x1x2048xf32, #tpu.memory_space<vmem>>
      %dma_wait3A_325 = tpu.memref_squeeze %dma_wait3A_324 : memref<1x1x2048xf32, #tpu.memory_space<vmem>> -> memref<2048xf32, #tpu.memory_space<vmem>>
      %dma_wait3A_326 = tpu.memref_slice %arg4[%select_n3A, %add3A_291] : memref<4x131072xf32, #tpu.memory_space<hbm>> -> memref<1x2048xf32, #tpu.memory_space<hbm>>
      %dma_wait3A_327 = tpu.memref_squeeze %dma_wait3A_326 : memref<1x2048xf32, #tpu.memory_space<hbm>> -> memref<2048xf32, #tpu.memory_space<hbm>>
      tpu.wait_dma2 semaphore(%arg12 : memref<!tpu.dma_semaphore, #tpu.memory_space<semaphore_mem>>) src(%dma_wait3A_327 : memref<2048xf32, #tpu.memory_space<hbm>>) dst(%dma_wait3A_325 : memref<2048xf32, #tpu.memory_space<vmem>>)
      %dma_wait3A_328 = arith.constant 1 : i32
      %dma_wait3A_329 = arith.constant 3 : i32
      %dma_wait3A_330 = arith.constant 0 : i32
      %dma_wait3A_331 = tpu.memref_slice %arg10[%dma_wait3A_328, %dma_wait3A_329, %dma_wait3A_330] : memref<2x6x2048xf32, #tpu.memory_space<vmem>> -> memref<1x1x2048xf32, #tpu.memory_space<vmem>>
      %dma_wait3A_332 = tpu.memref_squeeze %dma_wait3A_331 : memref<1x1x2048xf32, #tpu.memory_space<vmem>> -> memref<2048xf32, #tpu.memory_space<vmem>>
      %dma_wait3A_333 = tpu.memref_slice %arg5[%select_n3A, %add3A_291] : memref<4x131072xf32, #tpu.memory_space<hbm>> -> memref<1x2048xf32, #tpu.memory_space<hbm>>
      %dma_wait3A_334 = tpu.memref_squeeze %dma_wait3A_333 : memref<1x2048xf32, #tpu.memory_space<hbm>> -> memref<2048xf32, #tpu.memory_space<hbm>>
      %dma_wait3A_335 = arith.constant 0 : i32
      %dma_wait3A_336 = tpu.memref_slice %arg10[%dma_wait3A_328, %dma_wait3A_329, %dma_wait3A_335] : memref<2x6x2048xf32, #tpu.memory_space<vmem>> -> memref<1x1x2048xf32, #tpu.memory_space<vmem>>
      %dma_wait3A_337 = tpu.memref_squeeze %dma_wait3A_336 : memref<1x1x2048xf32, #tpu.memory_space<vmem>> -> memref<2048xf32, #tpu.memory_space<vmem>>
      %dma_wait3A_338 = tpu.memref_slice %arg5[%select_n3A, %add3A_291] : memref<4x131072xf32, #tpu.memory_space<hbm>> -> memref<1x2048xf32, #tpu.memory_space<hbm>>
      %dma_wait3A_339 = tpu.memref_squeeze %dma_wait3A_338 : memref<1x2048xf32, #tpu.memory_space<hbm>> -> memref<2048xf32, #tpu.memory_space<hbm>>
      tpu.wait_dma2 semaphore(%arg12 : memref<!tpu.dma_semaphore, #tpu.memory_space<semaphore_mem>>) src(%dma_wait3A_339 : memref<2048xf32, #tpu.memory_space<hbm>>) dst(%dma_wait3A_337 : memref<2048xf32, #tpu.memory_space<vmem>>)
      %dma_wait3A_340 = arith.constant 1 : i32
      %dma_wait3A_341 = arith.constant 4 : i32
      %dma_wait3A_342 = arith.constant 0 : i32
      %dma_wait3A_343 = tpu.memref_slice %arg10[%dma_wait3A_340, %dma_wait3A_341, %dma_wait3A_342] : memref<2x6x2048xf32, #tpu.memory_space<vmem>> -> memref<1x1x2048xf32, #tpu.memory_space<vmem>>
      %dma_wait3A_344 = tpu.memref_squeeze %dma_wait3A_343 : memref<1x1x2048xf32, #tpu.memory_space<vmem>> -> memref<2048xf32, #tpu.memory_space<vmem>>
      %dma_wait3A_345 = tpu.memref_slice %arg6[%select_n3A, %add3A_291] : memref<4x131072xf32, #tpu.memory_space<hbm>> -> memref<1x2048xf32, #tpu.memory_space<hbm>>
      %dma_wait3A_346 = tpu.memref_squeeze %dma_wait3A_345 : memref<1x2048xf32, #tpu.memory_space<hbm>> -> memref<2048xf32, #tpu.memory_space<hbm>>
      %dma_wait3A_347 = arith.constant 0 : i32
      %dma_wait3A_348 = tpu.memref_slice %arg10[%dma_wait3A_340, %dma_wait3A_341, %dma_wait3A_347] : memref<2x6x2048xf32, #tpu.memory_space<vmem>> -> memref<1x1x2048xf32, #tpu.memory_space<vmem>>
      %dma_wait3A_349 = tpu.memref_squeeze %dma_wait3A_348 : memref<1x1x2048xf32, #tpu.memory_space<vmem>> -> memref<2048xf32, #tpu.memory_space<vmem>>
      %dma_wait3A_350 = tpu.memref_slice %arg6[%select_n3A, %add3A_291] : memref<4x131072xf32, #tpu.memory_space<hbm>> -> memref<1x2048xf32, #tpu.memory_space<hbm>>
      %dma_wait3A_351 = tpu.memref_squeeze %dma_wait3A_350 : memref<1x2048xf32, #tpu.memory_space<hbm>> -> memref<2048xf32, #tpu.memory_space<hbm>>
      tpu.wait_dma2 semaphore(%arg12 : memref<!tpu.dma_semaphore, #tpu.memory_space<semaphore_mem>>) src(%dma_wait3A_351 : memref<2048xf32, #tpu.memory_space<hbm>>) dst(%dma_wait3A_349 : memref<2048xf32, #tpu.memory_space<vmem>>)
      %dma_wait3A_352 = arith.constant 1 : i32
      %dma_wait3A_353 = arith.constant 5 : i32
      %dma_wait3A_354 = arith.constant 0 : i32
      %dma_wait3A_355 = tpu.memref_slice %arg10[%dma_wait3A_352, %dma_wait3A_353, %dma_wait3A_354] : memref<2x6x2048xf32, #tpu.memory_space<vmem>> -> memref<1x1x2048xf32, #tpu.memory_space<vmem>>
      %dma_wait3A_356 = tpu.memref_squeeze %dma_wait3A_355 : memref<1x1x2048xf32, #tpu.memory_space<vmem>> -> memref<2048xf32, #tpu.memory_space<vmem>>
      %dma_wait3A_357 = tpu.memref_slice %arg7[%select_n3A, %add3A_291] : memref<4x131072xf32, #tpu.memory_space<hbm>> -> memref<1x2048xf32, #tpu.memory_space<hbm>>
      %dma_wait3A_358 = tpu.memref_squeeze %dma_wait3A_357 : memref<1x2048xf32, #tpu.memory_space<hbm>> -> memref<2048xf32, #tpu.memory_space<hbm>>
      %dma_wait3A_359 = arith.constant 0 : i32
      %dma_wait3A_360 = tpu.memref_slice %arg10[%dma_wait3A_352, %dma_wait3A_353, %dma_wait3A_359] : memref<2x6x2048xf32, #tpu.memory_space<vmem>> -> memref<1x1x2048xf32, #tpu.memory_space<vmem>>
      %dma_wait3A_361 = tpu.memref_squeeze %dma_wait3A_360 : memref<1x1x2048xf32, #tpu.memory_space<vmem>> -> memref<2048xf32, #tpu.memory_space<vmem>>
      %dma_wait3A_362 = tpu.memref_slice %arg7[%select_n3A, %add3A_291] : memref<4x131072xf32, #tpu.memory_space<hbm>> -> memref<1x2048xf32, #tpu.memory_space<hbm>>
      %dma_wait3A_363 = tpu.memref_squeeze %dma_wait3A_362 : memref<1x2048xf32, #tpu.memory_space<hbm>> -> memref<2048xf32, #tpu.memory_space<hbm>>
      tpu.wait_dma2 semaphore(%arg12 : memref<!tpu.dma_semaphore, #tpu.memory_space<semaphore_mem>>) src(%dma_wait3A_363 : memref<2048xf32, #tpu.memory_space<hbm>>) dst(%dma_wait3A_361 : memref<2048xf32, #tpu.memory_space<vmem>>)
      %add3A_364 = arith.constant 1 : i32
      %add3A_365 = arith.addi %add3A_288, %add3A_364 : i32
      %lt3A_366 = arith.constant 32 : i32
      %lt3A_367 = arith.cmpi slt, %add3A_365, %lt3A_366 : i32
      %convert_element_type3A_368 = arith.extui %lt3A_367 : i1 to i32
      %cond3A_369 = arith.constant 0 : i32
      %cond3A_370 = arith.cmpi ne, %convert_element_type3A_368, %cond3A_369 : i32
      scf.if %cond3A_370 {
        %add3A_374 = arith.constant 1 : i32
        %add3A_375 = arith.addi %add3A_288, %add3A_374 : i32
        %mul3A_376 = arith.constant 2048 : i32
        %mul3A_377 = arith.muli %add3A_375, %mul3A_376 : i32
        %add3A_378 = arith.addi %mul3A_115, %mul3A_377 : i32
        %dma_start3A_379 = arith.constant 0 : i32
        %dma_start3A_380 = arith.constant 0 : i32
        %dma_start3A_381 = arith.constant 0 : i32
        %dma_start3A_382 = tpu.memref_slice %arg10[%dma_start3A_379, %dma_start3A_380, %dma_start3A_381] : memref<2x6x2048xf32, #tpu.memory_space<vmem>> -> memref<1x1x2048xf32, #tpu.memory_space<vmem>>
        %dma_start3A_383 = tpu.memref_squeeze %dma_start3A_382 : memref<1x1x2048xf32, #tpu.memory_space<vmem>> -> memref<2048xf32, #tpu.memory_space<vmem>>
        %dma_start3A_384 = tpu.memref_slice %arg2[%select_n3A, %add3A_378] : memref<4x131072xf32, #tpu.memory_space<hbm>> -> memref<1x2048xf32, #tpu.memory_space<hbm>>
        %dma_start3A_385 = tpu.memref_squeeze %dma_start3A_384 : memref<1x2048xf32, #tpu.memory_space<hbm>> -> memref<2048xf32, #tpu.memory_space<hbm>>
        %dma_start3A_386 = arith.constant 0 : i32
        %dma_start3A_387 = tpu.memref_slice %arg10[%dma_start3A_379, %dma_start3A_380, %dma_start3A_386] : memref<2x6x2048xf32, #tpu.memory_space<vmem>> -> memref<1x1x2048xf32, #tpu.memory_space<vmem>>
        %dma_start3A_388 = tpu.memref_squeeze %dma_start3A_387 : memref<1x1x2048xf32, #tpu.memory_space<vmem>> -> memref<2048xf32, #tpu.memory_space<vmem>>
        %dma_start3A_389 = tpu.memref_slice %arg2[%select_n3A, %add3A_378] : memref<4x131072xf32, #tpu.memory_space<hbm>> -> memref<1x2048xf32, #tpu.memory_space<hbm>>
        %dma_start3A_390 = tpu.memref_squeeze %dma_start3A_389 : memref<1x2048xf32, #tpu.memory_space<hbm>> -> memref<2048xf32, #tpu.memory_space<hbm>>
        tpu.enqueue_dma source(%dma_start3A_390 : memref<2048xf32, #tpu.memory_space<hbm>>) target(%dma_start3A_388 : memref<2048xf32, #tpu.memory_space<vmem>>) target_semaphore(%arg11 : memref<!tpu.dma_semaphore, #tpu.memory_space<semaphore_mem>>)
        %dma_start3A_391 = arith.constant 0 : i32
        %dma_start3A_392 = arith.constant 1 : i32
        %dma_start3A_393 = arith.constant 0 : i32
        %dma_start3A_394 = tpu.memref_slice %arg10[%dma_start3A_391, %dma_start3A_392, %dma_start3A_393] : memref<2x6x2048xf32, #tpu.memory_space<vmem>> -> memref<1x1x2048xf32, #tpu.memory_space<vmem>>
        %dma_start3A_395 = tpu.memref_squeeze %dma_start3A_394 : memref<1x1x2048xf32, #tpu.memory_space<vmem>> -> memref<2048xf32, #tpu.memory_space<vmem>>
        %dma_start3A_396 = tpu.memref_slice %arg3[%select_n3A, %add3A_378] : memref<4x131072xf32, #tpu.memory_space<hbm>> -> memref<1x2048xf32, #tpu.memory_space<hbm>>
        %dma_start3A_397 = tpu.memref_squeeze %dma_start3A_396 : memref<1x2048xf32, #tpu.memory_space<hbm>> -> memref<2048xf32, #tpu.memory_space<hbm>>
        %dma_start3A_398 = arith.constant 0 : i32
        %dma_start3A_399 = tpu.memref_slice %arg10[%dma_start3A_391, %dma_start3A_392, %dma_start3A_398] : memref<2x6x2048xf32, #tpu.memory_space<vmem>> -> memref<1x1x2048xf32, #tpu.memory_space<vmem>>
        %dma_start3A_400 = tpu.memref_squeeze %dma_start3A_399 : memref<1x1x2048xf32, #tpu.memory_space<vmem>> -> memref<2048xf32, #tpu.memory_space<vmem>>
        %dma_start3A_401 = tpu.memref_slice %arg3[%select_n3A, %add3A_378] : memref<4x131072xf32, #tpu.memory_space<hbm>> -> memref<1x2048xf32, #tpu.memory_space<hbm>>
        %dma_start3A_402 = tpu.memref_squeeze %dma_start3A_401 : memref<1x2048xf32, #tpu.memory_space<hbm>> -> memref<2048xf32, #tpu.memory_space<hbm>>
        tpu.enqueue_dma source(%dma_start3A_402 : memref<2048xf32, #tpu.memory_space<hbm>>) target(%dma_start3A_400 : memref<2048xf32, #tpu.memory_space<vmem>>) target_semaphore(%arg11 : memref<!tpu.dma_semaphore, #tpu.memory_space<semaphore_mem>>)
        %dma_start3A_403 = arith.constant 0 : i32
        %dma_start3A_404 = arith.constant 2 : i32
        %dma_start3A_405 = arith.constant 0 : i32
        %dma_start3A_406 = tpu.memref_slice %arg10[%dma_start3A_403, %dma_start3A_404, %dma_start3A_405] : memref<2x6x2048xf32, #tpu.memory_space<vmem>> -> memref<1x1x2048xf32, #tpu.memory_space<vmem>>
        %dma_start3A_407 = tpu.memref_squeeze %dma_start3A_406 : memref<1x1x2048xf32, #tpu.memory_space<vmem>> -> memref<2048xf32, #tpu.memory_space<vmem>>
        %dma_start3A_408 = tpu.memref_slice %arg4[%select_n3A, %add3A_378] : memref<4x131072xf32, #tpu.memory_space<hbm>> -> memref<1x2048xf32, #tpu.memory_space<hbm>>
        %dma_start3A_409 = tpu.memref_squeeze %dma_start3A_408 : memref<1x2048xf32, #tpu.memory_space<hbm>> -> memref<2048xf32, #tpu.memory_space<hbm>>
        %dma_start3A_410 = arith.constant 0 : i32
        %dma_start3A_411 = tpu.memref_slice %arg10[%dma_start3A_403, %dma_start3A_404, %dma_start3A_410] : memref<2x6x2048xf32, #tpu.memory_space<vmem>> -> memref<1x1x2048xf32, #tpu.memory_space<vmem>>
        %dma_start3A_412 = tpu.memref_squeeze %dma_start3A_411 : memref<1x1x2048xf32, #tpu.memory_space<vmem>> -> memref<2048xf32, #tpu.memory_space<vmem>>
        %dma_start3A_413 = tpu.memref_slice %arg4[%select_n3A, %add3A_378] : memref<4x131072xf32, #tpu.memory_space<hbm>> -> memref<1x2048xf32, #tpu.memory_space<hbm>>
        %dma_start3A_414 = tpu.memref_squeeze %dma_start3A_413 : memref<1x2048xf32, #tpu.memory_space<hbm>> -> memref<2048xf32, #tpu.memory_space<hbm>>
        tpu.enqueue_dma source(%dma_start3A_414 : memref<2048xf32, #tpu.memory_space<hbm>>) target(%dma_start3A_412 : memref<2048xf32, #tpu.memory_space<vmem>>) target_semaphore(%arg11 : memref<!tpu.dma_semaphore, #tpu.memory_space<semaphore_mem>>)
        %dma_start3A_415 = arith.constant 0 : i32
        %dma_start3A_416 = arith.constant 3 : i32
        %dma_start3A_417 = arith.constant 0 : i32
        %dma_start3A_418 = tpu.memref_slice %arg10[%dma_start3A_415, %dma_start3A_416, %dma_start3A_417] : memref<2x6x2048xf32, #tpu.memory_space<vmem>> -> memref<1x1x2048xf32, #tpu.memory_space<vmem>>
        %dma_start3A_419 = tpu.memref_squeeze %dma_start3A_418 : memref<1x1x2048xf32, #tpu.memory_space<vmem>> -> memref<2048xf32, #tpu.memory_space<vmem>>
        %dma_start3A_420 = tpu.memref_slice %arg5[%select_n3A, %add3A_378] : memref<4x131072xf32, #tpu.memory_space<hbm>> -> memref<1x2048xf32, #tpu.memory_space<hbm>>
        %dma_start3A_421 = tpu.memref_squeeze %dma_start3A_420 : memref<1x2048xf32, #tpu.memory_space<hbm>> -> memref<2048xf32, #tpu.memory_space<hbm>>
        %dma_start3A_422 = arith.constant 0 : i32
        %dma_start3A_423 = tpu.memref_slice %arg10[%dma_start3A_415, %dma_start3A_416, %dma_start3A_422] : memref<2x6x2048xf32, #tpu.memory_space<vmem>> -> memref<1x1x2048xf32, #tpu.memory_space<vmem>>
        %dma_start3A_424 = tpu.memref_squeeze %dma_start3A_423 : memref<1x1x2048xf32, #tpu.memory_space<vmem>> -> memref<2048xf32, #tpu.memory_space<vmem>>
        %dma_start3A_425 = tpu.memref_slice %arg5[%select_n3A, %add3A_378] : memref<4x131072xf32, #tpu.memory_space<hbm>> -> memref<1x2048xf32, #tpu.memory_space<hbm>>
        %dma_start3A_426 = tpu.memref_squeeze %dma_start3A_425 : memref<1x2048xf32, #tpu.memory_space<hbm>> -> memref<2048xf32, #tpu.memory_space<hbm>>
        tpu.enqueue_dma source(%dma_start3A_426 : memref<2048xf32, #tpu.memory_space<hbm>>) target(%dma_start3A_424 : memref<2048xf32, #tpu.memory_space<vmem>>) target_semaphore(%arg11 : memref<!tpu.dma_semaphore, #tpu.memory_space<semaphore_mem>>)
        %dma_start3A_427 = arith.constant 0 : i32
        %dma_start3A_428 = arith.constant 4 : i32
        %dma_start3A_429 = arith.constant 0 : i32
        %dma_start3A_430 = tpu.memref_slice %arg10[%dma_start3A_427, %dma_start3A_428, %dma_start3A_429] : memref<2x6x2048xf32, #tpu.memory_space<vmem>> -> memref<1x1x2048xf32, #tpu.memory_space<vmem>>
        %dma_start3A_431 = tpu.memref_squeeze %dma_start3A_430 : memref<1x1x2048xf32, #tpu.memory_space<vmem>> -> memref<2048xf32, #tpu.memory_space<vmem>>
        %dma_start3A_432 = tpu.memref_slice %arg6[%select_n3A, %add3A_378] : memref<4x131072xf32, #tpu.memory_space<hbm>> -> memref<1x2048xf32, #tpu.memory_space<hbm>>
        %dma_start3A_433 = tpu.memref_squeeze %dma_start3A_432 : memref<1x2048xf32, #tpu.memory_space<hbm>> -> memref<2048xf32, #tpu.memory_space<hbm>>
        %dma_start3A_434 = arith.constant 0 : i32
        %dma_start3A_435 = tpu.memref_slice %arg10[%dma_start3A_427, %dma_start3A_428, %dma_start3A_434] : memref<2x6x2048xf32, #tpu.memory_space<vmem>> -> memref<1x1x2048xf32, #tpu.memory_space<vmem>>
        %dma_start3A_436 = tpu.memref_squeeze %dma_start3A_435 : memref<1x1x2048xf32, #tpu.memory_space<vmem>> -> memref<2048xf32, #tpu.memory_space<vmem>>
        %dma_start3A_437 = tpu.memref_slice %arg6[%select_n3A, %add3A_378] : memref<4x131072xf32, #tpu.memory_space<hbm>> -> memref<1x2048xf32, #tpu.memory_space<hbm>>
        %dma_start3A_438 = tpu.memref_squeeze %dma_start3A_437 : memref<1x2048xf32, #tpu.memory_space<hbm>> -> memref<2048xf32, #tpu.memory_space<hbm>>
        tpu.enqueue_dma source(%dma_start3A_438 : memref<2048xf32, #tpu.memory_space<hbm>>) target(%dma_start3A_436 : memref<2048xf32, #tpu.memory_space<vmem>>) target_semaphore(%arg11 : memref<!tpu.dma_semaphore, #tpu.memory_space<semaphore_mem>>)
        %dma_start3A_439 = arith.constant 0 : i32
        %dma_start3A_440 = arith.constant 5 : i32
        %dma_start3A_441 = arith.constant 0 : i32
        %dma_start3A_442 = tpu.memref_slice %arg10[%dma_start3A_439, %dma_start3A_440, %dma_start3A_441] : memref<2x6x2048xf32, #tpu.memory_space<vmem>> -> memref<1x1x2048xf32, #tpu.memory_space<vmem>>
        %dma_start3A_443 = tpu.memref_squeeze %dma_start3A_442 : memref<1x1x2048xf32, #tpu.memory_space<vmem>> -> memref<2048xf32, #tpu.memory_space<vmem>>
        %dma_start3A_444 = tpu.memref_slice %arg7[%select_n3A, %add3A_378] : memref<4x131072xf32, #tpu.memory_space<hbm>> -> memref<1x2048xf32, #tpu.memory_space<hbm>>
        %dma_start3A_445 = tpu.memref_squeeze %dma_start3A_444 : memref<1x2048xf32, #tpu.memory_space<hbm>> -> memref<2048xf32, #tpu.memory_space<hbm>>
        %dma_start3A_446 = arith.constant 0 : i32
        %dma_start3A_447 = tpu.memref_slice %arg10[%dma_start3A_439, %dma_start3A_440, %dma_start3A_446] : memref<2x6x2048xf32, #tpu.memory_space<vmem>> -> memref<1x1x2048xf32, #tpu.memory_space<vmem>>
        %dma_start3A_448 = tpu.memref_squeeze %dma_start3A_447 : memref<1x1x2048xf32, #tpu.memory_space<vmem>> -> memref<2048xf32, #tpu.memory_space<vmem>>
        %dma_start3A_449 = tpu.memref_slice %arg7[%select_n3A, %add3A_378] : memref<4x131072xf32, #tpu.memory_space<hbm>> -> memref<1x2048xf32, #tpu.memory_space<hbm>>
        %dma_start3A_450 = tpu.memref_squeeze %dma_start3A_449 : memref<1x2048xf32, #tpu.memory_space<hbm>> -> memref<2048xf32, #tpu.memory_space<hbm>>
        tpu.enqueue_dma source(%dma_start3A_450 : memref<2048xf32, #tpu.memory_space<hbm>>) target(%dma_start3A_448 : memref<2048xf32, #tpu.memory_space<vmem>>) target_semaphore(%arg11 : memref<!tpu.dma_semaphore, #tpu.memory_space<semaphore_mem>>)
      } else {
      }
      %parallel_loop3A_371 = arith.constant 0 : i32
      %parallel_loop3A_372 = arith.constant 128 : i32
      %parallel_loop3A_373 = arith.constant 1 : i32
      scf.for %parallel_loop3A_374 = %parallel_loop3A_371 to %parallel_loop3A_372 step %parallel_loop3A_373  : i32 {
        %parallel_loop3A_375 = arith.constant 16 : i32
        %parallel_loop3A_376 = arith.muli %parallel_loop3A_374, %parallel_loop3A_375 : i32
        %parallel_loop3A_377 = arith.constant 1 : i32
        %parallel_loop3A_378 = arith.constant 0 : i32
        %parallel_loop3A_379 = arith.index_cast %parallel_loop3A_377 : i32 to index
        %parallel_loop3A_380 = arith.index_cast %parallel_loop3A_378 : i32 to index
        %parallel_loop3A_381 = arith.index_cast %parallel_loop3A_376 : i32 to index
        %parallel_loop3A_382 = tpu.vector_load %arg10[%parallel_loop3A_379, %parallel_loop3A_380, %parallel_loop3A_381] {strides = array<i32>} : memref<2x6x2048xf32, #tpu.memory_space<vmem>>, vector<16xf32>,
        %parallel_loop3A_383 = arith.constant 1 : i32
        %parallel_loop3A_384 = arith.constant 1 : i32
        %parallel_loop3A_385 = arith.index_cast %parallel_loop3A_383 : i32 to index
        %parallel_loop3A_386 = arith.index_cast %parallel_loop3A_384 : i32 to index
        %parallel_loop3A_387 = arith.index_cast %parallel_loop3A_376 : i32 to index
        %parallel_loop3A_388 = tpu.vector_load %arg10[%parallel_loop3A_385, %parallel_loop3A_386, %parallel_loop3A_387] {strides = array<i32>} : memref<2x6x2048xf32, #tpu.memory_space<vmem>>, vector<16xf32>,
        %parallel_loop3A_389 = arith.constant 1 : i32
        %parallel_loop3A_390 = arith.constant 2 : i32
        %parallel_loop3A_391 = arith.index_cast %parallel_loop3A_389 : i32 to index
        %parallel_loop3A_392 = arith.index_cast %parallel_loop3A_390 : i32 to index
        %parallel_loop3A_393 = arith.index_cast %parallel_loop3A_376 : i32 to index
        %parallel_loop3A_394 = tpu.vector_load %arg10[%parallel_loop3A_391, %parallel_loop3A_392, %parallel_loop3A_393] {strides = array<i32>} : memref<2x6x2048xf32, #tpu.memory_space<vmem>>, vector<16xf32>,
        %parallel_loop3A_395 = arith.constant 1 : i32
        %parallel_loop3A_396 = arith.constant 3 : i32
        %parallel_loop3A_397 = arith.index_cast %parallel_loop3A_395 : i32 to index
        %parallel_loop3A_398 = arith.index_cast %parallel_loop3A_396 : i32 to index
        %parallel_loop3A_399 = arith.index_cast %parallel_loop3A_376 : i32 to index
        %parallel_loop3A_400 = tpu.vector_load %arg10[%parallel_loop3A_397, %parallel_loop3A_398, %parallel_loop3A_399] {strides = array<i32>} : memref<2x6x2048xf32, #tpu.memory_space<vmem>>, vector<16xf32>,
        %parallel_loop3A_401 = arith.constant 1 : i32
        %parallel_loop3A_402 = arith.constant 4 : i32
        %parallel_loop3A_403 = arith.index_cast %parallel_loop3A_401 : i32 to index
        %parallel_loop3A_404 = arith.index_cast %parallel_loop3A_402 : i32 to index
        %parallel_loop3A_405 = arith.index_cast %parallel_loop3A_376 : i32 to index
        %parallel_loop3A_406 = tpu.vector_load %arg10[%parallel_loop3A_403, %parallel_loop3A_404, %parallel_loop3A_405] {strides = array<i32>} : memref<2x6x2048xf32, #tpu.memory_space<vmem>>, vector<16xf32>,
        %parallel_loop3A_407 = arith.constant 1 : i32
        %parallel_loop3A_408 = arith.constant 5 : i32
        %parallel_loop3A_409 = arith.index_cast %parallel_loop3A_407 : i32 to index
        %parallel_loop3A_410 = arith.index_cast %parallel_loop3A_408 : i32 to index
        %parallel_loop3A_411 = arith.index_cast %parallel_loop3A_376 : i32 to index
        %parallel_loop3A_412 = tpu.vector_load %arg10[%parallel_loop3A_409, %parallel_loop3A_410, %parallel_loop3A_411] {strides = array<i32>} : memref<2x6x2048xf32, #tpu.memory_space<vmem>>, vector<16xf32>,
        %parallel_loop3A_413 = arith.constant 1.000000e+00 : f32
        %parallel_loop3A_414 = vector.broadcast %parallel_loop3A_413 : f32 to vector<16xf32>
        %parallel_loop3A_415 = arith.subf %parallel_loop3A_414, %parallel_loop3A_394 : vector<16xf32>
        %parallel_loop3A_416 = arith.constant 2.560000e+02 : f32
        %parallel_loop3A_417 = vector.broadcast %parallel_loop3A_416 : f32 to vector<16xf32>
        %parallel_loop3A_418 = arith.mulf %parallel_loop3A_415, %parallel_loop3A_417 : vector<16xf32>
        %parallel_loop3A_419 = arith.mulf %parallel_loop3A_418, %parallel_loop3A_406 : vector<16xf32>
        %parallel_loop3A_420 = arith.addf %parallel_loop3A_382, %parallel_loop3A_419 : vector<16xf32>
        %parallel_loop3A_421 = arith.constant 1.024000e+03 : f32
        %parallel_loop3A_422 = vector.broadcast %parallel_loop3A_421 : f32 to vector<16xf32>
        %parallel_loop3A_423 = arith.addf %parallel_loop3A_420, %parallel_loop3A_422 : vector<16xf32>
        %parallel_loop3A_424 = arith.mulf %parallel_loop3A_418, %parallel_loop3A_412 : vector<16xf32>
        %parallel_loop3A_425 = arith.addf %parallel_loop3A_388, %parallel_loop3A_424 : vector<16xf32>
        %parallel_loop3A_426 = arith.constant 1.024000e+03 : f32
        %parallel_loop3A_427 = vector.broadcast %parallel_loop3A_426 : f32 to vector<16xf32>
        %parallel_loop3A_428 = arith.addf %parallel_loop3A_425, %parallel_loop3A_427 : vector<16xf32>
        %parallel_loop3A_429 = arith.fptosi %parallel_loop3A_423 : vector<16xf32> to vector<16xi32>
        %parallel_loop3A_430 = arith.fptosi %parallel_loop3A_428 : vector<16xf32> to vector<16xi32>
        %parallel_loop3A_431 = arith.sitofp %parallel_loop3A_429 : vector<16xi32> to vector<16xf32>
        %parallel_loop3A_432 = arith.subf %parallel_loop3A_423, %parallel_loop3A_431 : vector<16xf32>
        %parallel_loop3A_433 = arith.sitofp %parallel_loop3A_430 : vector<16xi32> to vector<16xf32>
        %parallel_loop3A_434 = arith.subf %parallel_loop3A_428, %parallel_loop3A_433 : vector<16xf32>
        %parallel_loop3A_435 = arith.constant 1024 : i32
        %parallel_loop3A_436 = vector.broadcast %parallel_loop3A_435 : i32 to vector<16xi32>
        %parallel_loop3A_437 = arith.subi %parallel_loop3A_429, %parallel_loop3A_436 : vector<16xi32>
        %parallel_loop3A_438 = arith.constant 1024 : i32
        %parallel_loop3A_439 = vector.broadcast %parallel_loop3A_438 : i32 to vector<16xi32>
        %parallel_loop3A_440 = arith.subi %parallel_loop3A_430, %parallel_loop3A_439 : vector<16xi32>
        %parallel_loop3A_441 = arith.constant 1.000000e+00 : f32
        %parallel_loop3A_442 = vector.broadcast %parallel_loop3A_441 : f32 to vector<16xf32>
        %parallel_loop3A_443 = arith.subf %parallel_loop3A_442, %parallel_loop3A_432 : vector<16xf32>
        %parallel_loop3A_444 = arith.constant 1.000000e+00 : f32
        %parallel_loop3A_445 = vector.broadcast %parallel_loop3A_444 : f32 to vector<16xf32>
        %parallel_loop3A_446 = arith.subf %parallel_loop3A_445, %parallel_loop3A_434 : vector<16xf32>
        %parallel_loop3A_447 = arith.constant 1.000000e+00 : f32
        %parallel_loop3A_448 = vector.broadcast %parallel_loop3A_447 : f32 to vector<16xf32>
        %parallel_loop3A_449 = arith.subf %parallel_loop3A_394, %parallel_loop3A_448 : vector<16xf32>
        %parallel_loop3A_450 = vector.broadcast %convert_element_type3A_193 : f32 to vector<16xf32>
        %parallel_loop3A_451 = arith.mulf %parallel_loop3A_450, %parallel_loop3A_449 : vector<16xf32>
        %parallel_loop3A_452 = arith.constant 1.000000e+00 : f32
        %parallel_loop3A_453 = vector.broadcast %parallel_loop3A_452 : f32 to vector<16xf32>
        %parallel_loop3A_454 = arith.addf %parallel_loop3A_453, %parallel_loop3A_451 : vector<16xf32>
        %parallel_loop3A_455 = arith.mulf %parallel_loop3A_454, %parallel_loop3A_446 : vector<16xf32>
        %parallel_loop3A_456 = arith.mulf %parallel_loop3A_454, %parallel_loop3A_434 : vector<16xf32>
        %parallel_loop3A_457 = arith.mulf %parallel_loop3A_443, %parallel_loop3A_455 : vector<16xf32>
        %parallel_loop3A_458 = arith.mulf %parallel_loop3A_432, %parallel_loop3A_455 : vector<16xf32>
        %parallel_loop3A_459 = arith.mulf %parallel_loop3A_443, %parallel_loop3A_456 : vector<16xf32>
        %parallel_loop3A_460 = arith.mulf %parallel_loop3A_432, %parallel_loop3A_456 : vector<16xf32>
        %parallel_loop3A_461 = vector.broadcast %sub3A_192 : f32 to vector<16xf32>
        %parallel_loop3A_462 = arith.cmpf oeq, %parallel_loop3A_400, %parallel_loop3A_461 : vector<16xf32>
        %parallel_loop3A_463 = arith.constant 1 : i32
        %parallel_loop3A_464 = vector.broadcast %parallel_loop3A_463 : i32 to vector<16xi32>
        %parallel_loop3A_465 = arith.addi %parallel_loop3A_437, %parallel_loop3A_464 : vector<16xi32>
        %parallel_loop3A_466 = arith.constant 1 : i32
        %parallel_loop3A_467 = vector.broadcast %parallel_loop3A_466 : i32 to vector<16xi32>
        %parallel_loop3A_468 = arith.addi %parallel_loop3A_440, %parallel_loop3A_467 : vector<16xi32>
        %parallel_loop3A_469 = arith.constant 255 : i32
        %parallel_loop3A_470 = vector.broadcast %parallel_loop3A_469 : i32 to vector<16xi32>
        %parallel_loop3A_471 = arith.cmpi ule, %parallel_loop3A_437, %parallel_loop3A_470 : vector<16xi32>
        %parallel_loop3A_472 = arith.andi %parallel_loop3A_471, %parallel_loop3A_462 : vector<16xi1>
        %parallel_loop3A_473 = arith.constant 255 : i32
        %parallel_loop3A_474 = vector.broadcast %parallel_loop3A_473 : i32 to vector<16xi32>
        %parallel_loop3A_475 = arith.cmpi ule, %parallel_loop3A_465, %parallel_loop3A_474 : vector<16xi32>
        %parallel_loop3A_476 = arith.andi %parallel_loop3A_475, %parallel_loop3A_462 : vector<16xi1>
        %parallel_loop3A_477 = arith.constant 255 : i32
        %parallel_loop3A_478 = vector.broadcast %parallel_loop3A_477 : i32 to vector<16xi32>
        %parallel_loop3A_479 = arith.cmpi ule, %parallel_loop3A_440, %parallel_loop3A_478 : vector<16xi32>
        %parallel_loop3A_480 = arith.constant 255 : i32
        %parallel_loop3A_481 = vector.broadcast %parallel_loop3A_480 : i32 to vector<16xi32>
        %parallel_loop3A_482 = arith.cmpi ule, %parallel_loop3A_468, %parallel_loop3A_481 : vector<16xi32>
        %parallel_loop3A_483 = arith.constant 256 : i32
        %parallel_loop3A_484 = vector.broadcast %parallel_loop3A_483 : i32 to vector<16xi32>
        %parallel_loop3A_485 = arith.muli %parallel_loop3A_440, %parallel_loop3A_484 : vector<16xi32>
        %parallel_loop3A_486 = arith.addi %parallel_loop3A_485, %parallel_loop3A_437 : vector<16xi32>
        %parallel_loop3A_487 = arith.constant 65535 : i32
        %parallel_loop3A_488 = vector.broadcast %parallel_loop3A_487 : i32 to vector<16xi32>
        %parallel_loop3A_489 = arith.andi %parallel_loop3A_486, %parallel_loop3A_488 : vector<16xi32>
        %parallel_loop3A_490 = arith.constant 1 : i32
        %parallel_loop3A_491 = vector.broadcast %parallel_loop3A_490 : i32 to vector<16xi32>
        %parallel_loop3A_492 = arith.addi %parallel_loop3A_486, %parallel_loop3A_491 : vector<16xi32>
        %parallel_loop3A_493 = arith.constant 65535 : i32
        %parallel_loop3A_494 = vector.broadcast %parallel_loop3A_493 : i32 to vector<16xi32>
        %parallel_loop3A_495 = arith.andi %parallel_loop3A_492, %parallel_loop3A_494 : vector<16xi32>
        %parallel_loop3A_496 = arith.constant 256 : i32
        %parallel_loop3A_497 = vector.broadcast %parallel_loop3A_496 : i32 to vector<16xi32>
        %parallel_loop3A_498 = arith.addi %parallel_loop3A_486, %parallel_loop3A_497 : vector<16xi32>
        %parallel_loop3A_499 = arith.constant 65535 : i32
        %parallel_loop3A_500 = vector.broadcast %parallel_loop3A_499 : i32 to vector<16xi32>
        %parallel_loop3A_501 = arith.andi %parallel_loop3A_498, %parallel_loop3A_500 : vector<16xi32>
        %parallel_loop3A_502 = arith.constant 256 : i32
        %parallel_loop3A_503 = vector.broadcast %parallel_loop3A_502 : i32 to vector<16xi32>
        %parallel_loop3A_504 = arith.addi %parallel_loop3A_486, %parallel_loop3A_503 : vector<16xi32>
        %parallel_loop3A_505 = arith.constant 1 : i32
        %parallel_loop3A_506 = vector.broadcast %parallel_loop3A_505 : i32 to vector<16xi32>
        %parallel_loop3A_507 = arith.addi %parallel_loop3A_504, %parallel_loop3A_506 : vector<16xi32>
        %parallel_loop3A_508 = arith.constant 65535 : i32
        %parallel_loop3A_509 = vector.broadcast %parallel_loop3A_508 : i32 to vector<16xi32>
        %parallel_loop3A_510 = arith.andi %parallel_loop3A_507, %parallel_loop3A_509 : vector<16xi32>
        %parallel_loop3A_511 = arith.andi %parallel_loop3A_472, %parallel_loop3A_479 : vector<16xi1>
        tpu.vector_store_idx %arg9[%parallel_loop3A_489], %parallel_loop3A_457 masked %parallel_loop3A_511 {add = true} : memref<65536xf32, #tpu.memory_space<vmem>>[vector<16xi32>], vector<16xf32>, vector<16xi1>
        %parallel_loop3A_512 = arith.andi %parallel_loop3A_476, %parallel_loop3A_479 : vector<16xi1>
        tpu.vector_store_idx %arg9[%parallel_loop3A_495], %parallel_loop3A_458 masked %parallel_loop3A_512 {add = true} : memref<65536xf32, #tpu.memory_space<vmem>>[vector<16xi32>], vector<16xf32>, vector<16xi1>
        %parallel_loop3A_513 = arith.andi %parallel_loop3A_472, %parallel_loop3A_482 : vector<16xi1>
        tpu.vector_store_idx %arg9[%parallel_loop3A_501], %parallel_loop3A_459 masked %parallel_loop3A_513 {add = true} : memref<65536xf32, #tpu.memory_space<vmem>>[vector<16xi32>], vector<16xf32>, vector<16xi1>
        %parallel_loop3A_514 = arith.andi %parallel_loop3A_476, %parallel_loop3A_482 : vector<16xi1>
        tpu.vector_store_idx %arg9[%parallel_loop3A_510], %parallel_loop3A_460 masked %parallel_loop3A_514 {add = true} : memref<65536xf32, #tpu.memory_space<vmem>>[vector<16xi32>], vector<16xf32>, vector<16xi1>
      } {sc.loop_unroll_factor = 4 : i64, sc.parallel_access}
    }
    %scan3A_198 = arith.constant 16 : i32
    "tpu.region"() ({
      %run_scoped3A = tpu.sem_alloc : memref<!tpu.dma_semaphore, #tpu.memory_space<semaphore_mem>>
      %dma_start3A_199 = arith.constant 0 : i32
      %dma_start3A_200 = tpu.memref_slice %arg8[%add3A, %dma_start3A_199] : memref<32x65536xf32, #tpu.memory_space<hbm>> -> memref<1x65536xf32, #tpu.memory_space<hbm>>
      %dma_start3A_201 = tpu.memref_squeeze %dma_start3A_200 : memref<1x65536xf32, #tpu.memory_space<hbm>> -> memref<65536xf32, #tpu.memory_space<hbm>>
      %dma_start3A_202 = arith.constant 0 : i32
      %dma_start3A_203 = tpu.memref_slice %arg8[%add3A, %dma_start3A_202] : memref<32x65536xf32, #tpu.memory_space<hbm>> -> memref<1x65536xf32, #tpu.memory_space<hbm>>
      %dma_start3A_204 = tpu.memref_squeeze %dma_start3A_203 : memref<1x65536xf32, #tpu.memory_space<hbm>> -> memref<65536xf32, #tpu.memory_space<hbm>>
      tpu.enqueue_dma source(%arg9 : memref<65536xf32, #tpu.memory_space<vmem>>) target(%dma_start3A_204 : memref<65536xf32, #tpu.memory_space<hbm>>) target_semaphore(%run_scoped3A : memref<!tpu.dma_semaphore, #tpu.memory_space<semaphore_mem>>)
      %dma_wait3A = arith.constant 0 : i32
      %dma_wait3A_205 = tpu.memref_slice %arg8[%add3A, %dma_wait3A] : memref<32x65536xf32, #tpu.memory_space<hbm>> -> memref<1x65536xf32, #tpu.memory_space<hbm>>
      %dma_wait3A_206 = tpu.memref_squeeze %dma_wait3A_205 : memref<1x65536xf32, #tpu.memory_space<hbm>> -> memref<65536xf32, #tpu.memory_space<hbm>>
      %dma_wait3A_207 = arith.constant 0 : i32
      %dma_wait3A_208 = tpu.memref_slice %arg8[%add3A, %dma_wait3A_207] : memref<32x65536xf32, #tpu.memory_space<hbm>> -> memref<1x65536xf32, #tpu.memory_space<hbm>>
      %dma_wait3A_209 = tpu.memref_squeeze %dma_wait3A_208 : memref<1x65536xf32, #tpu.memory_space<hbm>> -> memref<65536xf32, #tpu.memory_space<hbm>>
      tpu.wait_dma2 semaphore(%run_scoped3A : memref<!tpu.dma_semaphore, #tpu.memory_space<semaphore_mem>>) src(%arg9 : memref<65536xf32, #tpu.memory_space<vmem>>) dst(%dma_wait3A_209 : memref<65536xf32, #tpu.memory_space<hbm>>)
      tpu.yield
    }) : () -> ()
    return
  }
}

module attributes {stable_mosaic.version = 14 : i64} {
  func.func @fk(%arg0: i32, %arg1: i32, %arg2: memref<1x8x8x2048xf32, #tpu.memory_space<vmem>>, %arg3: memref<8x128xf32, #tpu.memory_space<vmem>>, %arg4: memref<4xf32, #tpu.memory_space<smem>>) attributes {dimension_semantics = [#tpu.dimension_semantics<arbitrary>, #tpu.dimension_semantics<arbitrary>], iteration_bounds = array<i64: 4, 4>, scalar_prefetch = 0 : i64, scratch_operands = 1 : i64, tpu.core_type = #tpu.core_type<tc>, window_params = [{transform_indices = @transform_0, window_bounds = array<i64: 1, 8, 8, 2048>}, {transform_indices = @transform_1, window_bounds = array<i64: 8, 128>}]} {
    %get3A = arith.constant 0 : index
    %get3A_0 = arith.constant 0 : index
    %get3A_1 = arith.constant 0 : index
    %get3A_2 = arith.constant 0 : index
    %get3A_3 = vector.load %arg2[%get3A, %get3A_0, %get3A_1, %get3A_2] : memref<1x8x8x2048xf32, #tpu.memory_space<vmem>>, vector<1x8x8x2048xf32>
    %get3A_4 = vector.shape_cast %get3A_3 : vector<1x8x8x2048xf32> to vector<8x8x2048xf32>
    %slice3A = vector.extract_strided_slice %get3A_4 {offsets = [0, 0, 0], sizes = [1, 8, 2048], strides = [1, 1, 1]} : vector<8x8x2048xf32> to vector<1x8x2048xf32>
    %squeeze3A = vector.shape_cast %slice3A : vector<1x8x2048xf32> to vector<8x2048xf32>
    %slice3A_5 = vector.extract_strided_slice %get3A_4 {offsets = [1, 0, 0], sizes = [1, 8, 2048], strides = [1, 1, 1]} : vector<8x8x2048xf32> to vector<1x8x2048xf32>
    %squeeze3A_6 = vector.shape_cast %slice3A_5 : vector<1x8x2048xf32> to vector<8x2048xf32>
    %add3A = arith.addf %squeeze3A, %squeeze3A_6 : vector<8x2048xf32>
    %slice3A_7 = vector.extract_strided_slice %get3A_4 {offsets = [2, 0, 0], sizes = [1, 8, 2048], strides = [1, 1, 1]} : vector<8x8x2048xf32> to vector<1x8x2048xf32>
    %squeeze3A_8 = vector.shape_cast %slice3A_7 : vector<1x8x2048xf32> to vector<8x2048xf32>
    %slice3A_9 = vector.extract_strided_slice %get3A_4 {offsets = [3, 0, 0], sizes = [1, 8, 2048], strides = [1, 1, 1]} : vector<8x8x2048xf32> to vector<1x8x2048xf32>
    %squeeze3A_10 = vector.shape_cast %slice3A_9 : vector<1x8x2048xf32> to vector<8x2048xf32>
    %add3A_11 = arith.addf %squeeze3A_8, %squeeze3A_10 : vector<8x2048xf32>
    %slice3A_12 = vector.extract_strided_slice %get3A_4 {offsets = [4, 0, 0], sizes = [1, 8, 2048], strides = [1, 1, 1]} : vector<8x8x2048xf32> to vector<1x8x2048xf32>
    %squeeze3A_13 = vector.shape_cast %slice3A_12 : vector<1x8x2048xf32> to vector<8x2048xf32>
    %slice3A_14 = vector.extract_strided_slice %get3A_4 {offsets = [5, 0, 0], sizes = [1, 8, 2048], strides = [1, 1, 1]} : vector<8x8x2048xf32> to vector<1x8x2048xf32>
    %squeeze3A_15 = vector.shape_cast %slice3A_14 : vector<1x8x2048xf32> to vector<8x2048xf32>
    %add3A_16 = arith.addf %squeeze3A_13, %squeeze3A_15 : vector<8x2048xf32>
    %slice3A_17 = vector.extract_strided_slice %get3A_4 {offsets = [6, 0, 0], sizes = [1, 8, 2048], strides = [1, 1, 1]} : vector<8x8x2048xf32> to vector<1x8x2048xf32>
    %squeeze3A_18 = vector.shape_cast %slice3A_17 : vector<1x8x2048xf32> to vector<8x2048xf32>
    %slice3A_19 = vector.extract_strided_slice %get3A_4 {offsets = [7, 0, 0], sizes = [1, 8, 2048], strides = [1, 1, 1]} : vector<8x8x2048xf32> to vector<1x8x2048xf32>
    %squeeze3A_20 = vector.shape_cast %slice3A_19 : vector<1x8x2048xf32> to vector<8x2048xf32>
    %add3A_21 = arith.addf %squeeze3A_18, %squeeze3A_20 : vector<8x2048xf32>
    %add3A_22 = arith.constant 9.99999971E-10 : f32
    %add3A_23 = vector.broadcast %add3A_22 : f32 to vector<8x2048xf32>
    %add3A_24 = arith.addf %add3A, %add3A_23 : vector<8x2048xf32>
    %div3A = arith.divf %add3A_16, %add3A_24 : vector<8x2048xf32>
    %add3A_25 = arith.constant 9.99999971E-10 : f32
    %add3A_26 = vector.broadcast %add3A_25 : f32 to vector<8x2048xf32>
    %add3A_27 = arith.addf %add3A_11, %add3A_26 : vector<8x2048xf32>
    %div3A_28 = arith.divf %add3A_21, %add3A_27 : vector<8x2048xf32>
    %mul3A = arith.mulf %div3A, %div3A : vector<8x2048xf32>
    %reduce_sum3A = vector.shape_cast %mul3A : vector<8x2048xf32> to vector<1x8x2048xf32>
    %reduce_sum3A_29 = arith.constant dense<0.000000e+00> : vector<1xf32>
    %reduce_sum3A_30 = vector.multi_reduction <add>, %reduce_sum3A, %reduce_sum3A_29 [1, 2] : vector<1x8x2048xf32> to vector<1xf32>
    %reduce_sum3A_31 = vector.shape_cast %reduce_sum3A_30 : vector<1xf32> to vector<1x1x1xf32>
    %reduce_sum3A_32 = vector.extract %reduce_sum3A_31[0, 0, 0] : f32 from vector<1x1x1xf32>
    %mul3A_33 = arith.mulf %div3A_28, %div3A_28 : vector<8x2048xf32>
    %reduce_sum3A_34 = vector.shape_cast %mul3A_33 : vector<8x2048xf32> to vector<1x8x2048xf32>
    %reduce_sum3A_35 = arith.constant dense<0.000000e+00> : vector<1xf32>
    %reduce_sum3A_36 = vector.multi_reduction <add>, %reduce_sum3A_34, %reduce_sum3A_35 [1, 2] : vector<1x8x2048xf32> to vector<1xf32>
    %reduce_sum3A_37 = vector.shape_cast %reduce_sum3A_36 : vector<1xf32> to vector<1x1x1xf32>
    %reduce_sum3A_38 = vector.extract %reduce_sum3A_37[0, 0, 0] : f32 from vector<1x1x1xf32>
    %add3A_39 = arith.addf %reduce_sum3A_32, %reduce_sum3A_38 : f32
    %add3A_40 = arith.addf %add3A, %add3A_11 : vector<8x2048xf32>
    %gt3A = arith.constant 0.000000e+00 : f32
    %gt3A_41 = vector.broadcast %gt3A : f32 to vector<8x2048xf32>
    %gt3A_42 = arith.cmpf ogt, %add3A_40, %gt3A_41 : vector<8x2048xf32>
    %convert_element_type3A = arith.extui %gt3A_42 : vector<8x2048xi1> to vector<8x2048xi32>
    %convert_element_type3A_43 = arith.sitofp %convert_element_type3A : vector<8x2048xi32> to vector<8x2048xf32>
    %reduce_sum3A_44 = vector.shape_cast %convert_element_type3A_43 : vector<8x2048xf32> to vector<1x8x2048xf32>
    %reduce_sum3A_45 = arith.constant dense<0.000000e+00> : vector<1xf32>
    %reduce_sum3A_46 = vector.multi_reduction <add>, %reduce_sum3A_44, %reduce_sum3A_45 [1, 2] : vector<1x8x2048xf32> to vector<1xf32>
    %reduce_sum3A_47 = vector.shape_cast %reduce_sum3A_46 : vector<1xf32> to vector<1x1x1xf32>
    %reduce_sum3A_48 = vector.extract %reduce_sum3A_47[0, 0, 0] : f32 from vector<1x1x1xf32>
    %mul3A_49 = arith.constant -6.000000e-01 : f32
    %mul3A_50 = vector.broadcast %mul3A_49 : f32 to vector<8x2048xf32>
    %mul3A_51 = arith.mulf %add3A, %mul3A_50 : vector<8x2048xf32>
    %exp3A = math.exp %mul3A_51 : vector<8x2048xf32>
    %reduce_sum3A_52 = vector.shape_cast %exp3A : vector<8x2048xf32> to vector<1x8x2048xf32>
    %reduce_sum3A_53 = arith.constant dense<0.000000e+00> : vector<1xf32>
    %reduce_sum3A_54 = vector.multi_reduction <add>, %reduce_sum3A_52, %reduce_sum3A_53 [1, 2] : vector<1x8x2048xf32> to vector<1xf32>
    %reduce_sum3A_55 = vector.shape_cast %reduce_sum3A_54 : vector<1xf32> to vector<1x1x1xf32>
    %reduce_sum3A_56 = vector.extract %reduce_sum3A_55[0, 0, 0] : f32 from vector<1x1x1xf32>
    %mul3A_57 = arith.constant -6.000000e-01 : f32
    %mul3A_58 = vector.broadcast %mul3A_57 : f32 to vector<8x2048xf32>
    %mul3A_59 = arith.mulf %add3A_11, %mul3A_58 : vector<8x2048xf32>
    %exp3A_60 = math.exp %mul3A_59 : vector<8x2048xf32>
    %reduce_sum3A_61 = vector.shape_cast %exp3A_60 : vector<8x2048xf32> to vector<1x8x2048xf32>
    %reduce_sum3A_62 = arith.constant dense<0.000000e+00> : vector<1xf32>
    %reduce_sum3A_63 = vector.multi_reduction <add>, %reduce_sum3A_61, %reduce_sum3A_62 [1, 2] : vector<1x8x2048xf32> to vector<1xf32>
    %reduce_sum3A_64 = vector.shape_cast %reduce_sum3A_63 : vector<1xf32> to vector<1x1x1xf32>
    %reduce_sum3A_65 = vector.extract %reduce_sum3A_64[0, 0, 0] : f32 from vector<1x1x1xf32>
    %eq3A = arith.constant 0 : i32
    %eq3A_66 = arith.cmpi eq, %arg1, %eq3A : i32
    %convert_element_type3A_67 = arith.extui %eq3A_66 : i1 to i32
    %cond3A = arith.constant 0 : i32
    %cond3A_68 = arith.cmpi ne, %convert_element_type3A_67, %cond3A : i32
    scf.if %cond3A_68 {
      %swap3A_94 = arith.constant 0 : index
      %swap3A_95 = memref.load %arg4[%swap3A_94] : memref<4xf32, #tpu.memory_space<smem>>
      memref.store %add3A_39, %arg4[%swap3A_94] : memref<4xf32, #tpu.memory_space<smem>>
      %swap3A_96 = arith.constant 1 : index
      %swap3A_97 = memref.load %arg4[%swap3A_96] : memref<4xf32, #tpu.memory_space<smem>>
      memref.store %reduce_sum3A_48, %arg4[%swap3A_96] : memref<4xf32, #tpu.memory_space<smem>>
      %swap3A_98 = arith.constant 2 : index
      %swap3A_99 = memref.load %arg4[%swap3A_98] : memref<4xf32, #tpu.memory_space<smem>>
      memref.store %reduce_sum3A_56, %arg4[%swap3A_98] : memref<4xf32, #tpu.memory_space<smem>>
      %swap3A_100 = arith.constant 3 : index
      %swap3A_101 = memref.load %arg4[%swap3A_100] : memref<4xf32, #tpu.memory_space<smem>>
      memref.store %reduce_sum3A_65, %arg4[%swap3A_100] : memref<4xf32, #tpu.memory_space<smem>>
    } else {
    }
    %gt3A_69 = arith.constant 0 : i32
    %gt3A_70 = arith.cmpi sgt, %arg1, %gt3A_69 : i32
    %convert_element_type3A_71 = arith.extui %gt3A_70 : i1 to i32
    %cond3A_72 = arith.constant 0 : i32
    %cond3A_73 = arith.cmpi ne, %convert_element_type3A_71, %cond3A_72 : i32
    scf.if %cond3A_73 {
      %get3A_94 = arith.constant 0 : index
      %get3A_95 = memref.load %arg4[%get3A_94] : memref<4xf32, #tpu.memory_space<smem>>
      %add3A_96 = arith.addf %get3A_95, %add3A_39 : f32
      %swap3A_97 = arith.constant 0 : index
      %swap3A_98 = memref.load %arg4[%swap3A_97] : memref<4xf32, #tpu.memory_space<smem>>
      memref.store %add3A_96, %arg4[%swap3A_97] : memref<4xf32, #tpu.memory_space<smem>>
      %get3A_99 = arith.constant 1 : index
      %get3A_100 = memref.load %arg4[%get3A_99] : memref<4xf32, #tpu.memory_space<smem>>
      %add3A_101 = arith.addf %get3A_100, %reduce_sum3A_48 : f32
      %swap3A_102 = arith.constant 1 : index
      %swap3A_103 = memref.load %arg4[%swap3A_102] : memref<4xf32, #tpu.memory_space<smem>>
      memref.store %add3A_101, %arg4[%swap3A_102] : memref<4xf32, #tpu.memory_space<smem>>
      %get3A_104 = arith.constant 2 : index
      %get3A_105 = memref.load %arg4[%get3A_104] : memref<4xf32, #tpu.memory_space<smem>>
      %add3A_106 = arith.addf %get3A_105, %reduce_sum3A_56 : f32
      %swap3A_107 = arith.constant 2 : index
      %swap3A_108 = memref.load %arg4[%swap3A_107] : memref<4xf32, #tpu.memory_space<smem>>
      memref.store %add3A_106, %arg4[%swap3A_107] : memref<4xf32, #tpu.memory_space<smem>>
      %get3A_109 = arith.constant 3 : index
      %get3A_110 = memref.load %arg4[%get3A_109] : memref<4xf32, #tpu.memory_space<smem>>
      %add3A_111 = arith.addf %get3A_110, %reduce_sum3A_65 : f32
      %swap3A_112 = arith.constant 3 : index
      %swap3A_113 = memref.load %arg4[%swap3A_112] : memref<4xf32, #tpu.memory_space<smem>>
      memref.store %add3A_111, %arg4[%swap3A_112] : memref<4xf32, #tpu.memory_space<smem>>
    } else {
    }
    %get3A_74 = arith.constant 0 : index
    %get3A_75 = memref.load %arg4[%get3A_74] : memref<4xf32, #tpu.memory_space<smem>>
    %get3A_76 = arith.constant 1 : index
    %get3A_77 = memref.load %arg4[%get3A_76] : memref<4xf32, #tpu.memory_space<smem>>
    %add3A_78 = arith.constant 9.99999971E-10 : f32
    %add3A_79 = arith.addf %get3A_77, %add3A_78 : f32
    %div3A_80 = arith.divf %get3A_75, %add3A_79 : f32
    %get3A_81 = arith.constant 2 : index
    %get3A_82 = memref.load %arg4[%get3A_81] : memref<4xf32, #tpu.memory_space<smem>>
    %div3A_83 = arith.constant 6.553600e+04 : f32
    %div3A_84 = arith.divf %div3A_83, %get3A_82 : f32
    %add3A_85 = arith.addf %div3A_80, %div3A_84 : f32
    %get3A_86 = arith.constant 3 : index
    %get3A_87 = memref.load %arg4[%get3A_86] : memref<4xf32, #tpu.memory_space<smem>>
    %div3A_88 = arith.constant 6.553600e+04 : f32
    %div3A_89 = arith.divf %div3A_88, %get3A_87 : f32
    %add3A_90 = arith.addf %add3A_85, %div3A_89 : f32
    %sub3A = arith.constant 2.000000e+00 : f32
    %sub3A_91 = arith.subf %add3A_90, %sub3A : f32
    %broadcast_in_dim3A = vector.broadcast %sub3A_91 : f32 to vector<8x128xf32>
    %swap3A = arith.constant 0 : index
    %swap3A_92 = arith.constant 0 : index
    %swap3A_93 = vector.load %arg3[%swap3A, %swap3A_92] : memref<8x128xf32, #tpu.memory_space<vmem>>, vector<8x128xf32>
    tpu.vector_store %arg3[%swap3A, %swap3A_92], %broadcast_in_dim3A {strides = array<i32>} : memref<8x128xf32, #tpu.memory_space<vmem>>, vector<8x128xf32>,
    return
  }
  func.func @transform_0(%arg0: i32, %arg1: i32) -> (i32, i32, i32, i32) {
    %c0_i32 = arith.constant 0 : i32
    %c0_i32_0 = arith.constant 0 : i32
    %c0_i32_1 = arith.constant 0 : i32
    return %arg0, %c0_i32, %c0_i32_0, %arg1 : i32, i32, i32, i32
  }
  func.func @transform_1(%arg0: i32, %arg1: i32) -> (i32, i32) {
    %c0_i32 = arith.constant 0 : i32
    %c0_i32_0 = arith.constant 0 : i32
    return %arg0, %c0_i32 : i32, i32
  }
}

</mosaic_0001>

<sc_bundles>
// kernel: kernel.4.cloned.1.call-start
scs
__scs_entry_jumppad:
0x0: {  	(pc) =	sbr.rel $0x88, $3  }
0x1: {  	(tag) =	ssettag $0x0;
	lr =	simm.s32 $0x1  }
0x2: {  	[smem:$0x3F9F] =	sst lr;
	_ =	strace $0xD0000000  }
0x3: {  	_ = 	snop  }
0x4: {  	_ = 	snop  }
0x5: {  	_ = 	snop  }
0x6: {  	_ = 	snop  }
0x7: {  	_ = 	snop  }
__scs_overlays_trampoline_lowered:
0x8: {  	[smem:$0x3FAE] =	sst s0  }
0x9: {  	[smem:$0x3FAF] =	sst s1  }
0xa: {  	[smem:$0x3FB0] =	sst s2  }
0xb: {  	[smem:$0x3FB1] =	sst s3  }
0xc: {  	[smem:$0x3FB2] =	sst s4  }
0xd: {  	[smem:$0x3FB3] =	sst s5  }
0xe: {  	[smem:$0x3FB4] =	sst s6  }
0xf: {  	[smem:$0x3FB5] =	sst s7  }
0x10: {  	[smem:$0x3FB6] =	sst s8  }
0x11: {  	[smem:$0x3FB7] =	sst s9;
	s0 =	simm.s32 @!p0 $0x0  }
0x12: {  	s1 =	sld [smem:$0x3F9D];
	s0 =	simm.s32 @p0 $0x1  }
0x13: {  	[smem:$0x3FB8] =	sst s0;
	s0 =	simm.s32 @!p1 $0x0  }
0x14: {  	s2 =	sld [smem:$0x3F9C];
	s0 =	simm.s32 @p1 $0x1  }
0x15: {  	[smem:$0x3FB9] =	sst s0;
	s0 =	simm.s32 @!p2 $0x0  }
0x16: {  	s3 =	sld [smem:$0x3FDB];
	s0 =	simm.s32 @p2 $0x1  }
0x17: {  	s4 =	simm.s32 $0x1BF5;
	[smem:$0x3FBB] =	sst s0  }
0x18: {  	s0 =	sld [smem:$0x3F9E];
	_ =	swait.ge [sflag:s4], $0x0  }
0x19: {  	s7 =	sld [smem:$0x3F9F]  }
0x1a: {  	s8 =	sadd.s32 $0xFFFFE003, lr  }
0x1b: {  	s9 =	sadd.s32 $0xFFFFFEF7, lr;
	s5 =	simm.s32 $0xFFFFFFFF;
	p2 =	slt.u32 s8, $0xFFFFF086  }
0x1c: {  	p1 =	slt.u32 s9, $0xF7A;
	s5 =	simm.s32 @!p2 $0x0  }
0x1d: {  	s5 =	simm.s32 @p1 $0x1;
	p0 =	seq.s32 s7, s2  }
0x1e: {  	s7 =	smul.u32 @!p0 $0xF7A, s2;
	p2 =	seq.s32 @!p0 s5, $0x0  }
0x1f: {  	s9 =	smul.u32 $0xF7A, s1;
	s8 =	simm.s32 @!p0 $0x1BF5;
	p2 =	por !p2, p0  }
0x20: {  	[sflag:s8] =	ssyncset.s32 @!p0 $0xFFFFF086;
	s6 =	sadd.s32 @!p0 s3, s7;
	s7 =	simm.s32 @!p0 $0x108  }
0x21: {  	s3 =	sadd.s32 s3, s9;
	s6 =	sadd.s32 @!p0 $0x88, s6;
	s7 =	simm.s32 @p2 $0x1082  }
0x22: {  	[simem:s7], [sflag:s8] =	dma.local @!p0 [hbm:s6], $0xF7A  }
0x23: {  	s9 =	sor.u32 $0xD0000000, s2;
	s6 =	simm.s32 $0x108;
	_ =	swait.ge @!p0 [sflag:s8], $0x0  }
0x24: {  	s3 =	sadd.s32 $0x88, s3;
	s6 =	simm.s32 @!p1 $0x1082;
	[sflag:s4] =	ssyncset.s32 $0xFFFFF086  }
0x25: {  	[simem:s6], [sflag:s4] =	dma.local [hbm:s3], $0xF7A  }
0x26: {  	[smem:$0x3F9F] =	sst s1;
	(tag) =	ssettag s2;
	_ =	strace s9  }
0x27: {  	s1 =	sld [smem:$0x3FAF]  }
0x28: {  	s2 =	sld [smem:$0x3FB0]  }
0x29: {  	s4 =	sld [smem:$0x3FB2]  }
0x2a: {  	p0 =	seq.s32 s5, $0x0;
	s5 =	sld [smem:$0x3FB3]  }
0x2b: {  	s6 =	sld [smem:$0x3FB4]  }
0x2c: {  	s7 =	sld [smem:$0x3FB5]  }
0x2d: {  	s3 =	simm.s32 $0x108;
	s8 =	sld [smem:$0x3FB6]  }
0x2e: {  	s3 =	simm.s32 @!p0 $0x1082;
	s9 =	sld [smem:$0x3FB7]  }
0x2f: {  	lr =	sadd.s32 s0, s3;
	s0 =	sld [smem:$0x3FAE]  }
0x30: {  	s3 =	sld [smem:$0x3FB1]  }
0x31: {  	[smem:$0x3FBA] =	sst s10  }
0x32: {  	s10 =	sld [smem:$0x3FB8];
	_ =	sdelay $0x3  }
0x33: {  	p0 =	seq.s32 s10, $0x1;
	s10 =	sld [smem:$0x3FBA];
	_ =	sdelay $0x3  }
0x34: {  	[smem:$0x3FBA] =	sst s10  }
0x35: {  	s10 =	sld [smem:$0x3FB9];
	_ =	sdelay $0x3  }
0x36: {  	p1 =	seq.s32 s10, $0x1;
	s10 =	sld [smem:$0x3FBA];
	_ =	sdelay $0x3  }
0x37: {  	[smem:$0x3FBA] =	sst s10  }
0x38: {  	s10 =	sld [smem:$0x3FBB]  }
0x39: {  	_ = 	snop;
	(pc) =	sbr.ind lr, $3  }
0x3a: {  	_ = 	snop  }
0x3b: {  	_ = 	snop  }
0x3c: {  	p2 =	seq.s32 s10, $0x1;
	s10 =	sld [smem:$0x3FBA]  }
0x3d: {  	_ =	shalt  }
0x3e: {  	_ =	shalt  }
0x3f: {  	_ =	shalt  }
0x40: {  	_ =	shalt  }
0x41: {  	_ =	shalt  }
0x42: {  	_ =	shalt  }
0x43: {  	_ =	shalt  }
0x44: {  	_ =	shalt  }
0x45: {  	_ =	shalt  }
0x46: {  	_ =	shalt  }
0x47: {  	_ =	shalt  }
0x48: {  	_ =	shalt  }
0x49: {  	_ =	shalt  }
0x4a: {  	_ =	shalt  }
0x4b: {  	_ =	shalt  }
0x4c: {  	_ =	shalt  }
0x4d: {  	_ =	shalt  }
0x4e: {  	_ =	shalt  }
0x4f: {  	_ =	shalt  }
0x50: {  	_ =	shalt  }
0x51: {  	_ =	shalt  }
0x52: {  	_ =	shalt  }
0x53: {  	_ =	shalt  }
0x54: {  	_ =	shalt  }
0x55: {  	_ =	shalt  }
0x56: {  	_ =	shalt  }
0x57: {  	_ =	shalt  }
0x58: {  	_ =	shalt  }
0x59: {  	_ =	shalt  }
0x5a: {  	_ =	shalt  }
0x5b: {  	_ =	shalt  }
0x5c: {  	_ =	shalt  }
0x5d: {  	_ =	shalt  }
0x5e: {  	_ =	shalt  }
0x5f: {  	_ =	shalt  }
0x60: {  	_ =	shalt  }
0x61: {  	_ =	shalt  }
0x62: {  	_ =	shalt  }
0x63: {  	_ =	shalt  }
0x64: {  	_ =	shalt  }
0x65: {  	_ =	shalt  }
0x66: {  	_ =	shalt  }
0x67: {  	_ =	shalt  }
0x68: {  	_ =	shalt  }
0x69: {  	_ =	shalt  }
0x6a: {  	_ =	shalt  }
0x6b: {  	_ =	shalt  }
0x6c: {  	_ =	shalt  }
0x6d: {  	_ =	shalt  }
0x6e: {  	_ =	shalt  }
0x6f: {  	_ =	shalt  }
0x70: {  	_ =	shalt  }
0x71: {  	_ =	shalt  }
0x72: {  	_ =	shalt  }
0x73: {  	_ =	shalt  }
0x74: {  	_ =	shalt  }
0x75: {  	_ =	shalt  }
0x76: {  	_ =	shalt  }
0x77: {  	_ =	shalt  }
0x78: {  	_ =	shalt  }
0x79: {  	_ =	shalt  }
0x7a: {  	_ =	shalt  }
0x7b: {  	_ =	shalt  }
0x7c: {  	_ =	shalt  }
0x7d: {  	_ =	shalt  }
0x7e: {  	_ =	shalt  }
0x7f: {  	_ =	shalt  }
0x80: {  	_ =	shalt  }
0x81: {  	_ =	shalt  }
0x82: {  	_ =	shalt  }
0x83: {  	_ =	shalt  }
0x84: {  	_ =	shalt  }
0x85: {  	_ =	shalt  }
0x86: {  	_ =	shalt  }
0x87: {  	_ =	shalt  }
.Lfunc_end0:
.L_simem_size_0:
called_computation_lowered:
.L_overlay_start_0:
0x88: {  	s2 =	sld [smem:$0x3FD9]  }
0x89: {  	s3 =	sld [smem:$0x3FFE];
	_ =	sdelay $0x1  }
0x8a: {  	s1 =	srdreg.scid  }
0x8b: {  	s0 =	sand.u32 $0x1, s1  }
0x8c: {  	s16 =	sshll.u32 s0, $0xA;
	s2 =	sadd.s32 s3, s2  }
0x8d: {  	s2 =	sadd.s32 s2, s16  }
0x8e: {  	[smem:$0x3FC6] =	sst s2  }
0x8f: {  	_ = 	snop  }
0x90: {  	(tm) =	ssettm $0x1  }
0x91: {  	s17 =	sld [smem:$0x3FFB];
	_ =	sdelay $0x3  }
0x92: {  	_ =	strace s17  }
0x93: {  	s2 =	sld [smem:$0x3FFC];
	_ =	sdelay $0x3  }
0x94: {  	_ =	strace s2  }
0x95: {  	s2 =	sld [smem:$0x3FFD];
	_ =	sdelay $0x3  }
0x96: {  	_ =	strace s2  }
0x97: {  	_ =	strace $0x8FFFFFFF  }
0x98: {  	s18 =	sld [smem:$0x3FDB];
	_ =	sdelay $0x1  }
0x99: {  	s19 =	simm.s32 $_scs_section_size  }
0x9a: {  	s4 =	simm.s32 $_size__tile_overlayer_lowered;
	s5 =	simm.s32 $_tile_overlayer_lowered  }
0x9b: {  	s22 =	simm.s32 $0x1BFF;
	s21 =	sshll.u32 s5, $0x1;
	s2 =	sadd.s32 s19, s18  }
0x9c: {  	s6 =	simm.s32 $0x0;
	s20 =	sshll.u32 s4, $0x1;
	s4 =	sadd.s32 s21, s2  }
0x9d: {  	[timem:s6], [sflag:s22] =	dma.local [hbm:s4], s20  }
0x9e: {  	_ =	swait.ge [sflag:s22], s20  }
0x9f: {  	s3 =	ssub.s32 $0x0, s20;
	[sflag:s22] =	ssyncset.done $0x0  }
0xa0: {  	[sflag:s22] =	ssyncadd.s32 s3;
	_ =	sdelay $0x1  }
0xa1: {  	s23 =	simm.s32 $0x1B8B  }
0xa2: {  	_ =	swait.ge [sflag:s23], $0x1  }
0xa3: {  	[sflag:s23] =	ssyncset.done $0x0  }
0xa4: {  	s25 =	simm.s32 $0x1B8E;
	s24 =	sld [smem:$0x3FFE];
	[sflag:s23] =	ssyncadd.s32 $0xFFFFFFFF  }
0xa5: {  	s26 =	simm.s32 $execute0_lowered;
	[smem:$0x3FD2] =	sst s25  }
0xa6: {  	s4 =	sshll.u32 s26, $0x1;
	_ =	strace $0x80000046;
	[dreg:$0x1] =	wrdreg $0xFFFFFFFF  }
0xa7: {  	s28 =	simm.s32 $_size_execute0_lowered;
	s2 =	sadd.s32 s2, s4;
	[dreg:$0x0] =	wrdreg $0x0  }
0xa8: {  	s4 =	sshll.u32 s28, $0x1;
	[dreg:$0x2] =	wrdreg s2  }
0xa9: {  	[dreg:$0x3] =	wrdreg s4  }
0xaa: {  	[dreg:$0x4] =	wrdreg $0xC0  }
0xab: {  	_ =	task [dreg:s6], $0x5FFFF  }
0xac: {  	[dreg:$0x1] =	wrdreg $0xFFFFFFFF  }
0xad: {  	[dreg:$0x0] =	wrdreg $0x60  }
0xae: {  	[dreg:$0x2] =	wrdreg s24  }
0xaf: {  	[dreg:$0x3] =	wrdreg $0x9  }
0xb0: {  	_ =	task.clear_ibuf [dreg:s6], $0x4FFFF;
	_ =	strace $0x90000046  }
0xb1: {  	s29 =	simm.s32 $0x9;
	_ =	strace $0x80000048  }
0xb2: {  	_ =	swait.ge [sflag:s29], $0x1  }
0xb3: {  	[sflag:s29] =	ssyncadd.s32 $0xFFFFFFFF  }
0xb4: {  	_ =	strace $0x90000048  }
0xb5: {  	_ =	sfence  }
0xb6: {  	s30 =	sld [smem:$0x0];
	_ =	sdelay $0x2  }
0xb7: {  	s31 =	sshll.u32 s1, $0xD;
	s1 =	sshrl.u32 s1, $0x2  }
0xb8: {  	s3 =	sand.u32 $0x4000, s31;
	s1 =	sadd.s32 s1, s30  }
0xb9: {  	s0 =	sor.u32 s3, s0;
	s1 =	sshll.u32 s1, $0x11  }
0xba: {  	s0 =	sor.u32 s1, s0  }
0xbb: {  	s0 =	sadd.s32 $0x8F2B, s0  }
0xbc: {  	[sflag:s0] =	ssyncadd.remote.s32 $0x1  }
0xbd: {  	_ =	sfence.sel $0xFFFF  }
0xbe: {  	[dreg:$0x0] =	wrdreg $0xFFFFFFFF;
	(pc) =	sbr.abs _section_cstart, $3  }
0xbf: {  	[dreg:$0x1] =	wrdreg $0xFFFFFFFF  }
0xc0: {  	_ =	task.clear_ibuf [dreg:s6], $0x2FFFF;
	_ =	strace $0x9FFFFFFF  }
0xc1: {  	(tm) =	ssettm $0x7FFFFFFF  }
tec
execute0_lowered:
.L_overlay_start_1:
0x0: {  	(tag) =	ssettag $0x1  }
0x1: {  	s0 =	rddreg [dreg:$0x0];
	s1 =	simm.s32 $0x0;
	s13 =	stileid.u32  }
0x2: {  	s2 =	srdreg.scid;
	[smem:$0x7FF] =	sst s1  }
0x3: {  	s3 =	sadd.s32 $0x50C00, s0;
	s4 =	sadd.s32 $0x40C00, s0;
	s5 =	sadd.s32 $0x30C00, s0  }
0x4: {  	s6 =	sadd.s32 $0x20C00, s0;
	s7 =	sadd.s32 $0x10C00, s0;
	s9 =	sshll.u32 s13, $0xE  }
0x5: {  	s2 =	sand.u32 $0x1, s2;
	s8 =	sadd.s32 $0xC00, s0;
	s11 =	sshll.u32 s13, $0x1  }
0x6: {  	s28 =	sshrl.u32 s13, $0x1;
	s29 =	sand.u32 $0x1, s13;
	s13 =	sshll.u32 s13, $0x5  }
0x7: {  	s9 =	sand.u32 $0x30000, s9;
	s10 =	ssub.s32 $0x2, s2;
	s11 =	sor.u32 s2, s11  }
0x8: {  	p1 =	seq.s32 s2, $0x1;
	s2 =	sshll.u32 s2, $0x12;
	s30 =	sand.u32 $0x180, s13  }
0x9: {  	s0 =	sadd.s32 s9, s0;
	s26 =	sshrl.u32 s10, $0x1;
	s9 =	sor.u32 s2, s30  }
0xa: {  	_ =	strace $0x80000047;
	s10 =	ssub.s32 s10, s26;
	s21 =	sor.u32 $0x4000, s9  }
0xb: {  	s2 =	sshrl.u32 s9, $0x3;
	[dreg:$0x8] =	wrdreg s21;
	s22 =	smax.u32 s10, $0x1  }
0xc: {  	s14 =	sadd.s32 s3, s2;
	[dreg:$0xa] =	wrdreg s22  }
0xd: {  	s15 =	sadd.s32 s4, s2;
	[dreg:$0x2] =	wrdreg s14  }
0xe: {  	p0 =	seq.s32 s11, $0x0;
	s16 =	sadd.s32 s5, s2;
	[dreg:$0x3] =	wrdreg s15  }
0xf: {  	s11 =	sshll.u32 s11, $0x4;
	s17 =	sadd.s32 s6, s2;
	[dreg:$0x4] =	wrdreg s16  }
0x10: {  	s20 =	sand.u32 $0x70, s11;
	s18 =	sadd.s32 s7, s2;
	[dreg:$0x5] =	wrdreg s17  }
0x11: {  	s19 =	sadd.s32 s8, s2;
	s0 =	sadd.s32 s20, s0;
	[dreg:$0x6] =	wrdreg s18  }
0x12: {  	s0 =	sadd.s32 $0x60C00, s0;
	[dreg:$0x7] =	wrdreg s19  }
0x13: {  	s23 =	sadd.s32 $0x40, s14;
	[dreg:$0x9] =	wrdreg s0  }
0x14: {  	s24 =	sadd.s32 $0x80, s14;
	[dreg:$0xb] =	wrdreg s23  }
0x15: {  	s25 =	sadd.s32 $0xC0, s14;
	[dreg:$0xc] =	wrdreg s24  }
0x16: {  	s12 =	sand.u32 $0x1, s28;
	s26 =	sadd.s32 $0x100, s14;
	[dreg:$0xd] =	wrdreg s25  }
0x17: {  	p0 =	por !p0, !p1;
	s28 =	sadd.s32 $0x140, s14;
	[dreg:$0xe] =	wrdreg s26  }
0x18: {  	p1 =	seq.s32 s29, $0x1;
	s29 =	sadd.s32 $0x180, s14;
	[dreg:$0xf] =	wrdreg s28  }
0x19: {  	s30 =	sadd.s32 $0x1C0, s14;
	[dreg:$0x10] =	wrdreg s29  }
0x1a: {  	s2 =	sadd.s32 $0x240, s14;
	[dreg:$0x11] =	wrdreg s30  }
0x1b: {  	p2 =	por !p0, !p0;
	s10 =	sadd.s32 $0x280, s14;
	[dreg:$0x13] =	wrdreg s2  }
0x1c: {  	p3 =	por !p1, !p1;
	s11 =	sadd.s32 $0x2C0, s14;
	[dreg:$0x14] =	wrdreg s10  }
0x1d: {  	p0 =	seq.s32 s12, $0x1;
	s20 =	sadd.s32 $0x300, s14;
	[dreg:$0x15] =	wrdreg s11  }
0x1e: {  	s12 =	simm.s32 $0x3F800000;
	s21 =	sadd.s32 $0x340, s14;
	[dreg:$0x16] =	wrdreg s20  }
0x1f: {  	p3 =	por @!p2 p1, p1;
	s22 =	sadd.s32 $0x380, s14;
	[dreg:$0x17] =	wrdreg s21  }
0x20: {  	s12 =	simm.s32 @!p3 $0x0;
	[dreg:$0x18] =	wrdreg s22  }
0x21: {  	s23 =	sadd.s32 $0x3C0, s14;
	s31 =	sadd.f32 s12, s12  }
0x22: {  	s24 =	sadd.s32 $0x40, s15;
	[dreg:$0x19] =	wrdreg s23  }
0x23: {  	s25 =	sadd.s32 $0x80, s15;
	[dreg:$0x1a] =	wrdreg s24  }
0x24: {  	s26 =	sadd.s32 $0xC0, s15;
	[dreg:$0x1b] =	wrdreg s25  }
0x25: {  	s28 =	sadd.s32 $0x100, s15;
	[dreg:$0x1c] =	wrdreg s26  }
0x26: {  	s29 =	sadd.s32 $0x140, s15;
	[dreg:$0x1d] =	wrdreg s28  }
0x27: {  	s30 =	sadd.s32 $0x180, s15;
	[dreg:$0x1e] =	wrdreg s29  }
0x28: {  	s2 =	sadd.s32 $0x200, s15;
	[dreg:$0x1f] =	wrdreg s30  }
0x29: {  	s10 =	sadd.s32 $0x240, s15;
	[smem:$0x7BA] =	sst s2  }
0x2a: {  	s11 =	sadd.s32 $0x280, s15;
	[smem:$0x7BB] =	sst s10  }
0x2b: {  	s20 =	sadd.s32 $0x300, s15;
	[smem:$0x7BC] =	sst s11  }
0x2c: {  	s21 =	sadd.s32 $0x340, s15;
	[smem:$0x7BE] =	sst s20  }
0x2d: {  	s22 =	sadd.s32 $0x380, s15;
	[smem:$0x7BF] =	sst s21  }
0x2e: {  	[smem:$0x7C0] =	sst s22;
	s23 =	sadd.s32 $0x3C0, s15  }
0x2f: {  	s24 =	sadd.s32 $0x40, s16;
	[smem:$0x7C1] =	sst s23  }
0x30: {  	s25 =	sadd.s32 $0x80, s16;
	[smem:$0x7C2] =	sst s24  }
0x31: {  	s26 =	sadd.s32 $0xC0, s16;
	[smem:$0x7C3] =	sst s25  }
0x32: {  	s28 =	sadd.s32 $0x100, s16;
	[smem:$0x7C4] =	sst s26  }
0x33: {  	s29 =	sadd.s32 $0x140, s16;
	[smem:$0x7C5] =	sst s28  }
0x34: {  	s30 =	sadd.s32 $0x180, s16;
	[smem:$0x7C6] =	sst s29  }
0x35: {  	s2 =	sadd.s32 $0x200, s16;
	[smem:$0x7C7] =	sst s30  }
0x36: {  	s10 =	sadd.s32 $0x240, s16;
	[smem:$0x7C9] =	sst s2  }
0x37: {  	s11 =	sadd.s32 $0x280, s16;
	[smem:$0x7CA] =	sst s10  }
0x38: {  	s20 =	sadd.s32 $0x340, s16;
	[smem:$0x7CB] =	sst s11  }
0x39: {  	s21 =	sadd.s32 $0x380, s16;
	[smem:$0x7CE] =	sst s20  }
0x3a: {  	s22 =	sadd.s32 $0x3C0, s16;
	[smem:$0x7CF] =	sst s21  }
0x3b: {  	[smem:$0x7D0] =	sst s22  }
0x3c: {  	s23 =	sadd.s32 $0x40, s17;
	s13 =	ssub.f32 $1.000000000e+00, s31  }
0x3d: {  	s24 =	sadd.s32 $0x80, s17;
	[smem:$0x7D1] =	sst s23  }
0x3e: {  	s25 =	sadd.s32 $0xC0, s17;
	[smem:$0x7D2] =	sst s24  }
0x3f: {  	s26 =	sadd.s32 $0x100, s17;
	[smem:$0x7D3] =	sst s25  }
0x40: {  	s28 =	sadd.s32 $0x140, s17;
	[smem:$0x7D4] =	sst s26  }
0x41: {  	s29 =	sadd.s32 $0x180, s17;
	[smem:$0x7D5] =	sst s28  }
0x42: {  	s30 =	sadd.s32 $0x1C0, s17;
	[smem:$0x7D6] =	sst s29  }
0x43: {  	s2 =	sadd.s32 $0x240, s17;
	[smem:$0x7D7] =	sst s30  }
0x44: {  	s10 =	sadd.s32 $0x280, s17;
	[smem:$0x7D9] =	sst s2  }
0x45: {  	s11 =	sadd.s32 $0x2C0, s17;
	[smem:$0x7DA] =	sst s10  }
0x46: {  	s20 =	sadd.s32 $0x40, s18;
	[smem:$0x7DB] =	sst s11  }
0x47: {  	s21 =	sadd.s32 $0x80, s18;
	[smem:$0x7E0] =	sst s20  }
0x48: {  	s22 =	sadd.s32 $0xC0, s18;
	[smem:$0x7E1] =	sst s21  }
0x49: {  	s31 =	sadd.s32 $0x200, s14;
	[smem:$0x7E2] =	sst s22  }
0x4a: {  	s14 =	sadd.s32 $0x2C0, s15;
	[dreg:$0x12] =	wrdreg s31  }
0x4b: {  	s23 =	sadd.s32 $0x100, s18;
	[smem:$0x7BD] =	sst s14  }
0x4c: {  	s24 =	sadd.s32 $0x140, s18;
	[smem:$0x7E3] =	sst s23  }
0x4d: {  	s25 =	sadd.s32 $0x180, s18;
	[smem:$0x7E4] =	sst s24  }
0x4e: {  	s26 =	sadd.s32 $0x1C0, s18;
	[smem:$0x7E5] =	sst s25  }
0x4f: {  	s28 =	sadd.s32 $0x200, s18;
	[smem:$0x7E6] =	sst s26  }
0x50: {  	s29 =	sadd.s32 $0x240, s18;
	[smem:$0x7E7] =	sst s28  }
0x51: {  	s30 =	sadd.s32 $0x280, s18;
	[smem:$0x7E8] =	sst s29  }
0x52: {  	s2 =	sadd.s32 $0x300, s18;
	[smem:$0x7E9] =	sst s30  }
0x53: {  	s10 =	sadd.s32 $0x340, s18;
	[smem:$0x7EB] =	sst s2  }
0x54: {  	s11 =	sadd.s32 $0x380, s18;
	[smem:$0x7EC] =	sst s10  }
0x55: {  	s20 =	sadd.s32 $0x140, s19;
	[smem:$0x7ED] =	sst s11  }
0x56: {  	s21 =	sadd.s32 $0x180, s19;
	[smem:$0x7F3] =	sst s20  }
0x57: {  	s22 =	sadd.s32 $0x1C0, s19;
	[smem:$0x7F4] =	sst s21  }
0x58: {  	s31 =	sadd.s32 $0x1C0, s15;
	[smem:$0x7F5] =	sst s22  }
0x59: {  	s14 =	sadd.s32 $0x2C0, s16;
	[smem:$0x7B9] =	sst s31  }
0x5a: {  	s15 =	sadd.s32 $0x300, s16;
	[smem:$0x7CC] =	sst s14  }
0x5b: {  	s23 =	sadd.s32 $0x200, s19;
	[smem:$0x7CD] =	sst s15  }
0x5c: {  	s24 =	sadd.s32 $0x240, s19;
	[smem:$0x7F6] =	sst s23  }
0x5d: {  	s25 =	sadd.s32 $0x280, s19;
	[smem:$0x7F7] =	sst s24  }
0x5e: {  	s26 =	sadd.s32 $0x2C0, s19;
	[smem:$0x7F8] =	sst s25  }
0x5f: {  	s28 =	sadd.s32 $0x300, s19;
	[smem:$0x7F9] =	sst s26  }
0x60: {  	s29 =	sadd.s32 $0x340, s19;
	[smem:$0x7FA] =	sst s28  }
0x61: {  	s30 =	sadd.s32 $0x380, s19;
	[smem:$0x7FB] =	sst s29  }
0x62: {  	s31 =	sadd.s32 $0x1C0, s16;
	[smem:$0x7FC] =	sst s30  }
0x63: {  	s14 =	sadd.s32 $0x300, s17;
	[smem:$0x7C8] =	sst s31  }
0x64: {  	s15 =	sadd.s32 $0x340, s17;
	[smem:$0x7DC] =	sst s14  }
0x65: {  	s16 =	sadd.s32 $0x380, s17;
	[smem:$0x7DD] =	sst s15  }
0x66: {  	s31 =	sadd.s32 $0x200, s17;
	[smem:$0x7DE] =	sst s16  }
0x67: {  	s17 =	sadd.s32 $0x3C0, s17;
	[smem:$0x7D8] =	sst s31  }
0x68: {  	s14 =	sadd.s32 $0x3C0, s18;
	[smem:$0x7DF] =	sst s17  }
0x69: {  	s15 =	sadd.s32 $0x40, s19;
	[smem:$0x7EE] =	sst s14  }
0x6a: {  	s16 =	sadd.s32 $0x80, s19;
	[smem:$0x7EF] =	sst s15  }
0x6b: {  	s12 =	simm.f32 $1.000000000e+00;
	s31 =	sadd.s32 $0x2C0, s18;
	[smem:$0x7F0] =	sst s16  }
0x6c: {  	s12 =	simm.s32 @!p0 $0x0;
	s17 =	sadd.s32 $0xC0, s19;
	[smem:$0x7EA] =	sst s31  }
0x6d: {  	v0 =	vmov s12;
	s12 =	simm.s32 $0x0;
	s18 =	sadd.s32 $0x100, s19;
	[smem:$0x7F1] =	sst s17  }
0x6e: {  	s21 =	simm.s32 $0x1;
	[smem:$0x7F2] =	sst s18;
	s31 =	sadd.s32 $0x3C0, s19  }
0x6f: {  	v2 =	vimm.f32 $0.0e+00;
	s11 =	simm.s32 $0x2;
	s10 =	simm.s32 $0x0;
	v1 =	vmov s13;
	[smem:$0x7FD] =	sst s31  }
.LBB2_1:
0x70: {  	s0 =	simm.s32 $0x40  }
0x71: {  	[tilespmem:s0+$0xFFFFFFC0] =	vst v2  }
0x72: {  	[tilespmem:s0+$0x30] =	vst v2  }
0x73: {  	[tilespmem:s0+$0x20] =	vst v2  }
0x74: {  	[tilespmem:s0+$0x10] =	vst v2  }
0x75: {  	[tilespmem:s0+$0x0] =	vst v2  }
0x76: {  	[tilespmem:s0+$0xFFFFFFF0] =	vst v2  }
0x77: {  	s2 =	simm.s32 $0x0;
	[tilespmem:s0+$0xFFFFFFE0] =	vst v2  }
.LBB2_2:
0x78: {  	s2 =	sadd.s32 $0x8, s2;
	[tilespmem:s0+$0xFFFFFFD0] =	vst v2;
	s0 =	sadd.s32 $0x80, s0  }
0x79: {  	[tilespmem:s0+$0xFFFFFFC0] =	vst v2;
	p0 =	slt.u32 s2, $0xFF8  }
0x7a: {  	[tilespmem:s0+$0x30] =	vst v2  }
.Ltmp0:
0x7b: {  	[tilespmem:s0+$0x20] =	vst v2;
	(pc) =	sbr.rel @p0 .LBB2_2-.Ltmp0, $4  }
0x7c: {  	[tilespmem:s0+$0x10] =	vst v2  }
0x7d: {  	[tilespmem:s0+$0x0] =	vst v2  }
0x7e: {  	[tilespmem:s0+$0xFFFFFFF0] =	vst v2  }
0x7f: {  	[tilespmem:s0+$0xFFFFFFE0] =	vst v2  }
0x80: {  	[smem:$0x7B8] =	sst s10  }
0x81: {  	[tilespmem:s0+$0xFFFFFFD0] =	vst v2  }
0x82: {  	s0 =	rddreg [dreg:$0x2]  }
0x83: {  	s2 =	simm.s32 $0x10000;
	s20 =	rddreg [dreg:$0xb]  }
0x84: {  	[tilespmem:s2], [sflag:$0x1] =	stream.linear.gather [hbm4b:s0+s12], $0x80, $0x38;
	[tilespmem:$0x18000] =	vst v63  }
0x85: {  	s22 =	simm.s32 $0x10400;
	s23 =	rddreg [dreg:$0xc]  }
0x86: {  	[tilespmem:s22], [sflag:$0x1] =	stream.linear.gather [hbm4b:s20+s12], $0x80, $0x38;
	[tilespmem:$0x18000] =	vst v63  }
0x87: {  	s24 =	simm.s32 $0x10800;
	s25 =	rddreg [dreg:$0xd]  }
0x88: {  	[tilespmem:s24], [sflag:$0x1] =	stream.linear.gather [hbm4b:s23+s12], $0x80, $0x38;
	[tilespmem:$0x18000] =	vst v63  }
0x89: {  	s26 =	simm.s32 $0x10C00;
	s28 =	rddreg [dreg:$0xe]  }
0x8a: {  	[tilespmem:s26], [sflag:$0x1] =	stream.linear.gather [hbm4b:s25+s12], $0x80, $0x38;
	[tilespmem:$0x18000] =	vst v63  }
0x8b: {  	s29 =	simm.s32 $0x11000;
	s30 =	rddreg [dreg:$0xf]  }
0x8c: {  	[tilespmem:s29], [sflag:$0x1] =	stream.linear.gather [hbm4b:s28+s12], $0x80, $0x38;
	[tilespmem:$0x18000] =	vst v63  }
0x8d: {  	s31 =	simm.s32 $0x11400;
	s10 =	rddreg [dreg:$0x10]  }
0x8e: {  	[tilespmem:s31], [sflag:$0x1] =	stream.linear.gather [hbm4b:s30+s12], $0x80, $0x38;
	[tilespmem:$0x18000] =	vst v63  }
0x8f: {  	s13 =	simm.s32 $0x11800;
	s14 =	rddreg [dreg:$0x11]  }
0x90: {  	[tilespmem:s13], [sflag:$0x1] =	stream.linear.gather [hbm4b:s10+s12], $0x80, $0x38;
	[tilespmem:$0x18000] =	vst v63  }
0x91: {  	s15 =	simm.s32 $0x11C00;
	s16 =	rddreg [dreg:$0x12]  }
0x92: {  	[tilespmem:s15], [sflag:$0x1] =	stream.linear.gather [hbm4b:s14+s12], $0x80, $0x38;
	[tilespmem:$0x18000] =	vst v63  }
0x93: {  	s17 =	simm.s32 $0x12000;
	s18 =	rddreg [dreg:$0x13]  }
0x94: {  	[tilespmem:s17], [sflag:$0x1] =	stream.linear.gather [hbm4b:s16+s12], $0x80, $0x38;
	[tilespmem:$0x18000] =	vst v63  }
0x95: {  	s19 =	simm.s32 $0x12400;
	s20 =	rddreg [dreg:$0x14]  }
0x96: {  	[tilespmem:s19], [sflag:$0x1] =	stream.linear.gather [hbm4b:s18+s12], $0x80, $0x38;
	[tilespmem:$0x18000] =	vst v63  }
0x97: {  	s22 =	simm.s32 $0x12800;
	s23 =	rddreg [dreg:$0x15]  }
0x98: {  	[tilespmem:s22], [sflag:$0x1] =	stream.linear.gather [hbm4b:s20+s12], $0x80, $0x38;
	[tilespmem:$0x18000] =	vst v63  }
0x99: {  	s24 =	simm.s32 $0x12C00;
	s25 =	rddreg [dreg:$0x16]  }
0x9a: {  	[tilespmem:s24], [sflag:$0x1] =	stream.linear.gather [hbm4b:s23+s12], $0x80, $0x38;
	[tilespmem:$0x18000] =	vst v63  }
0x9b: {  	s26 =	simm.s32 $0x13000;
	s28 =	rddreg [dreg:$0x17]  }
0x9c: {  	[tilespmem:s26], [sflag:$0x1] =	stream.linear.gather [hbm4b:s25+s12], $0x80, $0x38;
	[tilespmem:$0x18000] =	vst v63  }
0x9d: {  	s29 =	simm.s32 $0x13400;
	s30 =	rddreg [dreg:$0x18]  }
0x9e: {  	[tilespmem:s29], [sflag:$0x1] =	stream.linear.gather [hbm4b:s28+s12], $0x80, $0x38;
	[tilespmem:$0x18000] =	vst v63  }
0x9f: {  	s31 =	simm.s32 $0x13800;
	s10 =	rddreg [dreg:$0x19]  }
0xa0: {  	[tilespmem:s31], [sflag:$0x1] =	stream.linear.gather [hbm4b:s30+s12], $0x80, $0x38;
	[tilespmem:$0x18000] =	vst v63  }
0xa1: {  	s13 =	simm.s32 $0x13C00;
	s14 =	rddreg [dreg:$0x3]  }
0xa2: {  	[tilespmem:s13], [sflag:$0x1] =	stream.linear.gather [hbm4b:s10+s12], $0x80, $0x38;
	[tilespmem:$0x18000] =	vst v63  }
0xa3: {  	s15 =	simm.s32 $0x10080;
	s16 =	rddreg [dreg:$0x1a]  }
0xa4: {  	[tilespmem:s15], [sflag:$0x1] =	stream.linear.gather [hbm4b:s14+s12], $0x80, $0x38;
	[tilespmem:$0x18000] =	vst v63  }
0xa5: {  	s17 =	simm.s32 $0x10480;
	s18 =	rddreg [dreg:$0x1b]  }
0xa6: {  	[tilespmem:s17], [sflag:$0x1] =	stream.linear.gather [hbm4b:s16+s12], $0x80, $0x38;
	[tilespmem:$0x18000] =	vst v63  }
0xa7: {  	s19 =	simm.s32 $0x10880;
	s20 =	rddreg [dreg:$0x1c]  }
0xa8: {  	[tilespmem:s19], [sflag:$0x1] =	stream.linear.gather [hbm4b:s18+s12], $0x80, $0x38;
	[tilespmem:$0x18000] =	vst v63  }
0xa9: {  	s22 =	simm.s32 $0x10C80;
	s23 =	rddreg [dreg:$0x1d]  }
0xaa: {  	[tilespmem:s22], [sflag:$0x1] =	stream.linear.gather [hbm4b:s20+s12], $0x80, $0x38;
	[tilespmem:$0x18000] =	vst v63  }
0xab: {  	s24 =	simm.s32 $0x11080;
	s25 =	rddreg [dreg:$0x1e]  }
0xac: {  	[tilespmem:s24], [sflag:$0x1] =	stream.linear.gather [hbm4b:s23+s12], $0x80, $0x38;
	[tilespmem:$0x18000] =	vst v63  }
0xad: {  	s26 =	simm.s32 $0x11480;
	s28 =	rddreg [dreg:$0x1f]  }
0xae: {  	[tilespmem:s26], [sflag:$0x1] =	stream.linear.gather [hbm4b:s25+s12], $0x80, $0x38;
	[tilespmem:$0x18000] =	vst v63  }
0xaf: {  	s29 =	simm.s32 $0x11880;
	s30 =	sld [smem:$0x7B9]  }
0xb0: {  	[tilespmem:s29], [sflag:$0x1] =	stream.linear.gather [hbm4b:s28+s12], $0x80, $0x38;
	[tilespmem:$0x18000] =	vst v63  }
0xb1: {  	s31 =	simm.s32 $0x11C80;
	s10 =	sld [smem:$0x7BA]  }
0xb2: {  	[tilespmem:s31], [sflag:$0x1] =	stream.linear.gather [hbm4b:s30+s12], $0x80, $0x38;
	[tilespmem:$0x18000] =	vst v63  }
0xb3: {  	s13 =	simm.s32 $0x12080;
	s14 =	sld [smem:$0x7BB]  }
0xb4: {  	[tilespmem:s13], [sflag:$0x1] =	stream.linear.gather [hbm4b:s10+s12], $0x80, $0x38;
	[tilespmem:$0x18000] =	vst v63  }
0xb5: {  	s15 =	simm.s32 $0x12480;
	s16 =	sld [smem:$0x7BC]  }
0xb6: {  	[tilespmem:s15], [sflag:$0x1] =	stream.linear.gather [hbm4b:s14+s12], $0x80, $0x38;
	[tilespmem:$0x18000] =	vst v63  }
0xb7: {  	s17 =	simm.s32 $0x12880;
	s18 =	sld [smem:$0x7BD]  }
0xb8: {  	[tilespmem:s17], [sflag:$0x1] =	stream.linear.gather [hbm4b:s16+s12], $0x80, $0x38;
	[tilespmem:$0x18000] =	vst v63  }
0xb9: {  	s19 =	simm.s32 $0x12C80;
	s20 =	sld [smem:$0x7BE]  }
0xba: {  	[tilespmem:s19], [sflag:$0x1] =	stream.linear.gather [hbm4b:s18+s12], $0x80, $0x38;
	[tilespmem:$0x18000] =	vst v63  }
0xbb: {  	s22 =	simm.s32 $0x13080;
	s23 =	sld [smem:$0x7BF]  }
0xbc: {  	[tilespmem:s22], [sflag:$0x1] =	stream.linear.gather [hbm4b:s20+s12], $0x80, $0x38;
	[tilespmem:$0x18000] =	vst v63  }
0xbd: {  	s24 =	simm.s32 $0x13480;
	s25 =	sld [smem:$0x7C0]  }
0xbe: {  	[tilespmem:s24], [sflag:$0x1] =	stream.linear.gather [hbm4b:s23+s12], $0x80, $0x38;
	[tilespmem:$0x18000] =	vst v63  }
0xbf: {  	s26 =	simm.s32 $0x13880;
	s28 =	sld [smem:$0x7C1]  }
0xc0: {  	[tilespmem:s26], [sflag:$0x1] =	stream.linear.gather [hbm4b:s25+s12], $0x80, $0x38;
	[tilespmem:$0x18000] =	vst v63  }
0xc1: {  	s29 =	simm.s32 $0x13C80;
	s30 =	rddreg [dreg:$0x4]  }
0xc2: {  	[tilespmem:s29], [sflag:$0x1] =	stream.linear.gather [hbm4b:s28+s12], $0x80, $0x38;
	[tilespmem:$0x18000] =	vst v63  }
0xc3: {  	s31 =	simm.s32 $0x10100;
	s10 =	sld [smem:$0x7C2]  }
0xc4: {  	[tilespmem:s31], [sflag:$0x1] =	stream.linear.gather [hbm4b:s30+s12], $0x80, $0x38;
	[tilespmem:$0x18000] =	vst v63  }
0xc5: {  	s13 =	simm.s32 $0x10500;
	s14 =	sld [smem:$0x7C3]  }
0xc6: {  	[tilespmem:s13], [sflag:$0x1] =	stream.linear.gather [hbm4b:s10+s12], $0x80, $0x38;
	[tilespmem:$0x18000] =	vst v63  }
0xc7: {  	s15 =	simm.s32 $0x10900;
	s16 =	sld [smem:$0x7C4]  }
0xc8: {  	[tilespmem:s15], [sflag:$0x1] =	stream.linear.gather [hbm4b:s14+s12], $0x80, $0x38;
	[tilespmem:$0x18000] =	vst v63  }
0xc9: {  	s17 =	simm.s32 $0x10D00;
	s18 =	sld [smem:$0x7C5]  }
0xca: {  	[tilespmem:s17], [sflag:$0x1] =	stream.linear.gather [hbm4b:s16+s12], $0x80, $0x38;
	[tilespmem:$0x18000] =	vst v63  }
0xcb: {  	s19 =	simm.s32 $0x11100;
	s20 =	sld [smem:$0x7C6]  }
0xcc: {  	[tilespmem:s19], [sflag:$0x1] =	stream.linear.gather [hbm4b:s18+s12], $0x80, $0x38;
	[tilespmem:$0x18000] =	vst v63  }
0xcd: {  	s22 =	simm.s32 $0x11500;
	s23 =	sld [smem:$0x7C7]  }
0xce: {  	[tilespmem:s22], [sflag:$0x1] =	stream.linear.gather [hbm4b:s20+s12], $0x80, $0x38;
	[tilespmem:$0x18000] =	vst v63  }
0xcf: {  	s24 =	simm.s32 $0x11900;
	s25 =	sld [smem:$0x7C8]  }
0xd0: {  	[tilespmem:s24], [sflag:$0x1] =	stream.linear.gather [hbm4b:s23+s12], $0x80, $0x38;
	[tilespmem:$0x18000] =	vst v63  }
0xd1: {  	s26 =	simm.s32 $0x11D00;
	s28 =	sld [smem:$0x7C9]  }
0xd2: {  	[tilespmem:s26], [sflag:$0x1] =	stream.linear.gather [hbm4b:s25+s12], $0x80, $0x38;
	[tilespmem:$0x18000] =	vst v63  }
0xd3: {  	s29 =	simm.s32 $0x12100;
	s30 =	sld [smem:$0x7CA]  }
0xd4: {  	[tilespmem:s29], [sflag:$0x1] =	stream.linear.gather [hbm4b:s28+s12], $0x80, $0x38;
	[tilespmem:$0x18000] =	vst v63  }
0xd5: {  	s31 =	simm.s32 $0x12500;
	s10 =	sld [smem:$0x7CB]  }
0xd6: {  	[tilespmem:s31], [sflag:$0x1] =	stream.linear.gather [hbm4b:s30+s12], $0x80, $0x38;
	[tilespmem:$0x18000] =	vst v63  }
0xd7: {  	s13 =	simm.s32 $0x12900;
	s14 =	sld [smem:$0x7CC]  }
0xd8: {  	[tilespmem:s13], [sflag:$0x1] =	stream.linear.gather [hbm4b:s10+s12], $0x80, $0x38;
	[tilespmem:$0x18000] =	vst v63  }
0xd9: {  	s15 =	simm.s32 $0x12D00;
	s16 =	sld [smem:$0x7CD]  }
0xda: {  	[tilespmem:s15], [sflag:$0x1] =	stream.linear.gather [hbm4b:s14+s12], $0x80, $0x38;
	[tilespmem:$0x18000] =	vst v63  }
0xdb: {  	s17 =	simm.s32 $0x13100;
	s18 =	sld [smem:$0x7CE]  }
0xdc: {  	[tilespmem:s17], [sflag:$0x1] =	stream.linear.gather [hbm4b:s16+s12], $0x80, $0x38;
	[tilespmem:$0x18000] =	vst v63  }
0xdd: {  	s19 =	simm.s32 $0x13500;
	s20 =	sld [smem:$0x7CF]  }
0xde: {  	[tilespmem:s19], [sflag:$0x1] =	stream.linear.gather [hbm4b:s18+s12], $0x80, $0x38;
	[tilespmem:$0x18000] =	vst v63  }
0xdf: {  	s22 =	simm.s32 $0x13900;
	s23 =	sld [smem:$0x7D0]  }
0xe0: {  	[tilespmem:s22], [sflag:$0x1] =	stream.linear.gather [hbm4b:s20+s12], $0x80, $0x38;
	[tilespmem:$0x18000] =	vst v63  }
0xe1: {  	s24 =	simm.s32 $0x13D00;
	s25 =	rddreg [dreg:$0x5]  }
0xe2: {  	[tilespmem:s24], [sflag:$0x1] =	stream.linear.gather [hbm4b:s23+s12], $0x80, $0x38;
	[tilespmem:$0x18000] =	vst v63  }
0xe3: {  	s26 =	simm.s32 $0x10180;
	s28 =	sld [smem:$0x7D1]  }
0xe4: {  	[tilespmem:s26], [sflag:$0x1] =	stream.linear.gather [hbm4b:s25+s12], $0x80, $0x38;
	[tilespmem:$0x18000] =	vst v63  }
0xe5: {  	s29 =	simm.s32 $0x10580;
	s30 =	sld [smem:$0x7D2]  }
0xe6: {  	[tilespmem:s29], [sflag:$0x1] =	stream.linear.gather [hbm4b:s28+s12], $0x80, $0x38;
	[tilespmem:$0x18000] =	vst v63  }
0xe7: {  	s31 =	simm.s32 $0x10980;
	s10 =	sld [smem:$0x7D3]  }
0xe8: {  	[tilespmem:s31], [sflag:$0x1] =	stream.linear.gather [hbm4b:s30+s12], $0x80, $0x38;
	[tilespmem:$0x18000] =	vst v63  }
0xe9: {  	s13 =	simm.s32 $0x10D80;
	s14 =	sld [smem:$0x7D4]  }
0xea: {  	[tilespmem:s13], [sflag:$0x1] =	stream.linear.gather [hbm4b:s10+s12], $0x80, $0x38;
	[tilespmem:$0x18000] =	vst v63  }
0xeb: {  	s15 =	simm.s32 $0x11180;
	s16 =	sld [smem:$0x7D5]  }
0xec: {  	[tilespmem:s15], [sflag:$0x1] =	stream.linear.gather [hbm4b:s14+s12], $0x80, $0x38;
	[tilespmem:$0x18000] =	vst v63  }
0xed: {  	s17 =	simm.s32 $0x11580;
	s18 =	sld [smem:$0x7D6]  }
0xee: {  	[tilespmem:s17], [sflag:$0x1] =	stream.linear.gather [hbm4b:s16+s12], $0x80, $0x38;
	[tilespmem:$0x18000] =	vst v63  }
0xef: {  	s19 =	simm.s32 $0x11980;
	s20 =	sld [smem:$0x7D7]  }
0xf0: {  	[tilespmem:s19], [sflag:$0x1] =	stream.linear.gather [hbm4b:s18+s12], $0x80, $0x38;
	[tilespmem:$0x18000] =	vst v63  }
0xf1: {  	s22 =	simm.s32 $0x11D80;
	s23 =	sld [smem:$0x7D8]  }
0xf2: {  	[tilespmem:s22], [sflag:$0x1] =	stream.linear.gather [hbm4b:s20+s12], $0x80, $0x38;
	[tilespmem:$0x18000] =	vst v63  }
0xf3: {  	s24 =	simm.s32 $0x12180;
	s25 =	sld [smem:$0x7D9]  }
0xf4: {  	[tilespmem:s24], [sflag:$0x1] =	stream.linear.gather [hbm4b:s23+s12], $0x80, $0x38;
	[tilespmem:$0x18000] =	vst v63  }
0xf5: {  	s26 =	simm.s32 $0x12580;
	s28 =	sld [smem:$0x7DA]  }
0xf6: {  	[tilespmem:s26], [sflag:$0x1] =	stream.linear.gather [hbm4b:s25+s12], $0x80, $0x38;
	[tilespmem:$0x18000] =	vst v63  }
0xf7: {  	s29 =	simm.s32 $0x12980;
	s30 =	sld [smem:$0x7DB]  }
0xf8: {  	[tilespmem:s29], [sflag:$0x1] =	stream.linear.gather [hbm4b:s28+s12], $0x80, $0x38;
	[tilespmem:$0x18000] =	vst v63  }
0xf9: {  	s31 =	simm.s32 $0x12D80;
	s10 =	sld [smem:$0x7DC]  }
0xfa: {  	[tilespmem:s31], [sflag:$0x1] =	stream.linear.gather [hbm4b:s30+s12], $0x80, $0x38;
	[tilespmem:$0x18000] =	vst v63  }
0xfb: {  	s13 =	simm.s32 $0x13180;
	s14 =	sld [smem:$0x7DD]  }
0xfc: {  	[tilespmem:s13], [sflag:$0x1] =	stream.linear.gather [hbm4b:s10+s12], $0x80, $0x38;
	[tilespmem:$0x18000] =	vst v63  }
0xfd: {  	s15 =	simm.s32 $0x13580;
	s16 =	sld [smem:$0x7DE]  }
0xfe: {  	[tilespmem:s15], [sflag:$0x1] =	stream.linear.gather [hbm4b:s14+s12], $0x80, $0x38;
	[tilespmem:$0x18000] =	vst v63  }
0xff: {  	s17 =	simm.s32 $0x13980;
	s18 =	sld [smem:$0x7DF]  }
0x100: {  	[tilespmem:s17], [sflag:$0x1] =	stream.linear.gather [hbm4b:s16+s12], $0x80, $0x38;
	[tilespmem:$0x18000] =	vst v63  }
0x101: {  	s19 =	simm.s32 $0x13D80;
	s20 =	rddreg [dreg:$0x6]  }
0x102: {  	[tilespmem:s19], [sflag:$0x1] =	stream.linear.gather [hbm4b:s18+s12], $0x80, $0x38;
	[tilespmem:$0x18000] =	vst v63  }
0x103: {  	s22 =	simm.s32 $0x10200;
	s23 =	sld [smem:$0x7E0]  }
0x104: {  	[tilespmem:s22], [sflag:$0x1] =	stream.linear.gather [hbm4b:s20+s12], $0x80, $0x38;
	[tilespmem:$0x18000] =	vst v63  }
0x105: {  	s24 =	simm.s32 $0x10600;
	s25 =	sld [smem:$0x7E1]  }
0x106: {  	[tilespmem:s24], [sflag:$0x1] =	stream.linear.gather [hbm4b:s23+s12], $0x80, $0x38;
	[tilespmem:$0x18000] =	vst v63  }
0x107: {  	s26 =	simm.s32 $0x10A00;
	s28 =	sld [smem:$0x7E2]  }
0x108: {  	[tilespmem:s26], [sflag:$0x1] =	stream.linear.gather [hbm4b:s25+s12], $0x80, $0x38;
	[tilespmem:$0x18000] =	vst v63  }
0x109: {  	s29 =	simm.s32 $0x10E00;
	s30 =	sld [smem:$0x7E3]  }
0x10a: {  	[tilespmem:s29], [sflag:$0x1] =	stream.linear.gather [hbm4b:s28+s12], $0x80, $0x38;
	[tilespmem:$0x18000] =	vst v63  }
0x10b: {  	s31 =	simm.s32 $0x11200;
	s10 =	sld [smem:$0x7E4]  }
0x10c: {  	[tilespmem:s31], [sflag:$0x1] =	stream.linear.gather [hbm4b:s30+s12], $0x80, $0x38;
	[tilespmem:$0x18000] =	vst v63  }
0x10d: {  	s13 =	simm.s32 $0x11600;
	s14 =	sld [smem:$0x7E5]  }
0x10e: {  	[tilespmem:s13], [sflag:$0x1] =	stream.linear.gather [hbm4b:s10+s12], $0x80, $0x38;
	[tilespmem:$0x18000] =	vst v63  }
0x10f: {  	s15 =	simm.s32 $0x11A00;
	s16 =	sld [smem:$0x7E6]  }
0x110: {  	[tilespmem:s15], [sflag:$0x1] =	stream.linear.gather [hbm4b:s14+s12], $0x80, $0x38;
	[tilespmem:$0x18000] =	vst v63  }
0x111: {  	s17 =	simm.s32 $0x11E00;
	s18 =	sld [smem:$0x7E7]  }
0x112: {  	[tilespmem:s17], [sflag:$0x1] =	stream.linear.gather [hbm4b:s16+s12], $0x80, $0x38;
	[tilespmem:$0x18000] =	vst v63  }
0x113: {  	s19 =	simm.s32 $0x12200;
	s20 =	sld [smem:$0x7E8]  }
0x114: {  	[tilespmem:s19], [sflag:$0x1] =	stream.linear.gather [hbm4b:s18+s12], $0x80, $0x38;
	[tilespmem:$0x18000] =	vst v63  }
0x115: {  	s22 =	simm.s32 $0x12600;
	s23 =	sld [smem:$0x7E9]  }
0x116: {  	[tilespmem:s22], [sflag:$0x1] =	stream.linear.gather [hbm4b:s20+s12], $0x80, $0x38;
	[tilespmem:$0x18000] =	vst v63  }
0x117: {  	s24 =	simm.s32 $0x12A00;
	s25 =	sld [smem:$0x7EA]  }
0x118: {  	[tilespmem:s24], [sflag:$0x1] =	stream.linear.gather [hbm4b:s23+s12], $0x80, $0x38;
	[tilespmem:$0x18000] =	vst v63  }
0x119: {  	s26 =	simm.s32 $0x12E00;
	s28 =	sld [smem:$0x7EB]  }
0x11a: {  	[tilespmem:s26], [sflag:$0x1] =	stream.linear.gather [hbm4b:s25+s12], $0x80, $0x38;
	[tilespmem:$0x18000] =	vst v63  }
0x11b: {  	s29 =	simm.s32 $0x13200;
	s30 =	sld [smem:$0x7EC]  }
0x11c: {  	[tilespmem:s29], [sflag:$0x1] =	stream.linear.gather [hbm4b:s28+s12], $0x80, $0x38;
	[tilespmem:$0x18000] =	vst v63  }
0x11d: {  	s31 =	simm.s32 $0x13600;
	s10 =	sld [smem:$0x7ED]  }
0x11e: {  	[tilespmem:s31], [sflag:$0x1] =	stream.linear.gather [hbm4b:s30+s12], $0x80, $0x38;
	[tilespmem:$0x18000] =	vst v63  }
0x11f: {  	s13 =	simm.s32 $0x13A00;
	s14 =	sld [smem:$0x7EE]  }
0x120: {  	[tilespmem:s13], [sflag:$0x1] =	stream.linear.gather [hbm4b:s10+s12], $0x80, $0x38;
	[tilespmem:$0x18000] =	vst v63  }
0x121: {  	s15 =	simm.s32 $0x13E00;
	s16 =	rddreg [dreg:$0x7]  }
0x122: {  	[tilespmem:s15], [sflag:$0x1] =	stream.linear.gather [hbm4b:s14+s12], $0x80, $0x38;
	[tilespmem:$0x18000] =	vst v63  }
0x123: {  	s17 =	simm.s32 $0x10280;
	s18 =	sld [smem:$0x7EF]  }
0x124: {  	[tilespmem:s17], [sflag:$0x1] =	stream.linear.gather [hbm4b:s16+s12], $0x80, $0x38;
	[tilespmem:$0x18000] =	vst v63  }
0x125: {  	s19 =	simm.s32 $0x10680;
	s20 =	sld [smem:$0x7F0]  }
0x126: {  	[tilespmem:s19], [sflag:$0x1] =	stream.linear.gather [hbm4b:s18+s12], $0x80, $0x38;
	[tilespmem:$0x18000] =	vst v63  }
0x127: {  	s22 =	simm.s32 $0x10A80;
	s23 =	sld [smem:$0x7F1]  }
0x128: {  	[tilespmem:s22], [sflag:$0x1] =	stream.linear.gather [hbm4b:s20+s12], $0x80, $0x38;
	[tilespmem:$0x18000] =	vst v63  }
0x129: {  	s24 =	simm.s32 $0x10E80;
	s25 =	sld [smem:$0x7F2]  }
0x12a: {  	[tilespmem:s24], [sflag:$0x1] =	stream.linear.gather [hbm4b:s23+s12], $0x80, $0x38;
	[tilespmem:$0x18000] =	vst v63  }
0x12b: {  	s26 =	simm.s32 $0x11280;
	s28 =	sld [smem:$0x7F3]  }
0x12c: {  	[tilespmem:s26], [sflag:$0x1] =	stream.linear.gather [hbm4b:s25+s12], $0x80, $0x38;
	[tilespmem:$0x18000] =	vst v63  }
0x12d: {  	s29 =	simm.s32 $0x11680;
	s30 =	sld [smem:$0x7F4]  }
0x12e: {  	[tilespmem:s29], [sflag:$0x1] =	stream.linear.gather [hbm4b:s28+s12], $0x80, $0x38;
	[tilespmem:$0x18000] =	vst v63  }
0x12f: {  	s31 =	simm.s32 $0x11A80;
	s10 =	sld [smem:$0x7F5]  }
0x130: {  	[tilespmem:s31], [sflag:$0x1] =	stream.linear.gather [hbm4b:s30+s12], $0x80, $0x38;
	[tilespmem:$0x18000] =	vst v63  }
0x131: {  	s13 =	simm.s32 $0x11E80;
	s14 =	sld [smem:$0x7F6]  }
0x132: {  	[tilespmem:s13], [sflag:$0x1] =	stream.linear.gather [hbm4b:s10+s12], $0x80, $0x38;
	[tilespmem:$0x18000] =	vst v63  }
0x133: {  	s15 =	simm.s32 $0x12280;
	s16 =	sld [smem:$0x7F7]  }
0x134: {  	[tilespmem:s15], [sflag:$0x1] =	stream.linear.gather [hbm4b:s14+s12], $0x80, $0x38;
	[tilespmem:$0x18000] =	vst v63  }
0x135: {  	s17 =	simm.s32 $0x12680;
	s18 =	sld [smem:$0x7F8]  }
0x136: {  	[tilespmem:s17], [sflag:$0x1] =	stream.linear.gather [hbm4b:s16+s12], $0x80, $0x38;
	[tilespmem:$0x18000] =	vst v63  }
0x137: {  	s19 =	simm.s32 $0x12A80;
	s20 =	sld [smem:$0x7F9]  }
0x138: {  	[tilespmem:s19], [sflag:$0x1] =	stream.linear.gather [hbm4b:s18+s12], $0x80, $0x38;
	[tilespmem:$0x18000] =	vst v63  }
0x139: {  	s22 =	simm.s32 $0x12E80;
	s23 =	sld [smem:$0x7FA]  }
0x13a: {  	[tilespmem:s22], [sflag:$0x1] =	stream.linear.gather [hbm4b:s20+s12], $0x80, $0x38;
	[tilespmem:$0x18000] =	vst v63  }
0x13b: {  	s24 =	simm.s32 $0x13280;
	s25 =	sld [smem:$0x7FB]  }
0x13c: {  	[tilespmem:s24], [sflag:$0x1] =	stream.linear.gather [hbm4b:s23+s12], $0x80, $0x38;
	[tilespmem:$0x18000] =	vst v63  }
0x13d: {  	s26 =	simm.s32 $0x13680;
	s28 =	sld [smem:$0x7FC]  }
0x13e: {  	[tilespmem:s26], [sflag:$0x1] =	stream.linear.gather [hbm4b:s25+s12], $0x80, $0x38;
	[tilespmem:$0x18000] =	vst v63  }
0x13f: {  	s29 =	simm.s32 $0x13A80;
	s30 =	sld [smem:$0x7FD]  }
0x140: {  	[tilespmem:s29], [sflag:$0x1] =	stream.linear.gather [hbm4b:s28+s12], $0x80, $0x38;
	[tilespmem:$0x18000] =	vst v63  }
0x141: {  	s31 =	simm.s32 $0x13E80;
	s13 =	simm.s32 $0x0  }
0x142: {  	[tilespmem:s31], [sflag:$0x1] =	stream.linear.gather [hbm4b:s30+s12], $0x80, $0x38;
	[tilespmem:$0x18000] =	vst v63  }
.LBB2_4:
0x143: {  	_ =	swait.ge [sflag:s21], $0x800  }
0x144: {  	[sflag:s21] =	ssyncset.done $0x0  }
0x145: {  	[sflag:s21] =	ssyncadd.s32 $0xFFFFF800  }
0x146: {  	_ =	swait.ge [sflag:s21], $0x800  }
0x147: {  	[sflag:s21] =	ssyncset.done $0x0  }
0x148: {  	[sflag:s21] =	ssyncadd.s32 $0xFFFFF800  }
0x149: {  	_ =	swait.ge [sflag:s21], $0x800  }
0x14a: {  	[sflag:s21] =	ssyncset.done $0x0  }
0x14b: {  	[sflag:s21] =	ssyncadd.s32 $0xFFFFF800  }
0x14c: {  	_ =	swait.ge [sflag:s21], $0x800  }
0x14d: {  	[sflag:s21] =	ssyncset.done $0x0  }
0x14e: {  	[sflag:s21] =	ssyncadd.s32 $0xFFFFF800  }
0x14f: {  	_ =	swait.ge [sflag:s21], $0x800  }
0x150: {  	s14 =	sshll.u32 s13, $0xE;
	[sflag:s21] =	ssyncset.done $0x0  }
0x151: {  	s0 =	sor.u32 s14, s9;
	[sflag:s21] =	ssyncadd.s32 $0xFFFFF800  }
0x152: {  	s0 =	sshrl.u32 s0, $0x3;
	_ =	swait.ge [sflag:s21], $0x800  }
0x153: {  	s15 =	sor.u32 $0x400, s0;
	[sflag:s21] =	ssyncset.done $0x0  }
0x154: {  	s2 =	simm.s32 $0x14000;
	s0 =	sadd.s32 s3, s15;
	[sflag:s21] =	ssyncadd.s32 $0xFFFFF800  }
0x155: {  	[tilespmem:s2], [sflag:$0x2] =	stream.linear.gather [hbm4b:s0+s12], $0x80, $0x38;
	[tilespmem:$0x18000] =	vst v63  }
0x156: {  	s10 =	simm.s32 $0x14400;
	s26 =	sadd.s32 $0x40, s0  }
0x157: {  	[tilespmem:s10], [sflag:$0x2] =	stream.linear.gather [hbm4b:s26+s12], $0x80, $0x38;
	[tilespmem:$0x18000] =	vst v63  }
0x158: {  	s29 =	simm.s32 $0x14800;
	s28 =	sadd.s32 $0x80, s0  }
0x159: {  	[tilespmem:s29], [sflag:$0x2] =	stream.linear.gather [hbm4b:s28+s12], $0x80, $0x38;
	[tilespmem:$0x18000] =	vst v63  }
0x15a: {  	s17 =	simm.s32 $0x14C00;
	s16 =	sadd.s32 $0xC0, s0  }
0x15b: {  	[tilespmem:s17], [sflag:$0x2] =	stream.linear.gather [hbm4b:s16+s12], $0x80, $0x38;
	[tilespmem:$0x18000] =	vst v63  }
0x15c: {  	s19 =	simm.s32 $0x15000;
	s18 =	sadd.s32 $0x100, s0  }
0x15d: {  	[tilespmem:s19], [sflag:$0x2] =	stream.linear.gather [hbm4b:s18+s12], $0x80, $0x38;
	[tilespmem:$0x18000] =	vst v63  }
0x15e: {  	s22 =	simm.s32 $0x15400;
	s20 =	sadd.s32 $0x140, s0  }
0x15f: {  	[tilespmem:s22], [sflag:$0x2] =	stream.linear.gather [hbm4b:s20+s12], $0x80, $0x38;
	[tilespmem:$0x18000] =	vst v63  }
0x160: {  	s24 =	simm.s32 $0x15800;
	s23 =	sadd.s32 $0x180, s0  }
0x161: {  	[tilespmem:s24], [sflag:$0x2] =	stream.linear.gather [hbm4b:s23+s12], $0x80, $0x38;
	[tilespmem:$0x18000] =	vst v63  }
0x162: {  	s25 =	sadd.s32 $0x1C0, s0;
	s26 =	simm.s32 $0x15C00  }
0x163: {  	[tilespmem:s26], [sflag:$0x2] =	stream.linear.gather [hbm4b:s25+s12], $0x80, $0x38;
	[tilespmem:$0x18000] =	vst v63  }
0x164: {  	s28 =	sadd.s32 $0x200, s0;
	s29 =	simm.s32 $0x16000  }
0x165: {  	[tilespmem:s29], [sflag:$0x2] =	stream.linear.gather [hbm4b:s28+s12], $0x80, $0x38;
	[tilespmem:$0x18000] =	vst v63  }
0x166: {  	s16 =	sadd.s32 $0x240, s0;
	s17 =	simm.s32 $0x16400  }
0x167: {  	[tilespmem:s17], [sflag:$0x2] =	stream.linear.gather [hbm4b:s16+s12], $0x80, $0x38;
	[tilespmem:$0x18000] =	vst v63  }
0x168: {  	s18 =	sadd.s32 $0x280, s0;
	s19 =	simm.s32 $0x16800  }
0x169: {  	[tilespmem:s19], [sflag:$0x2] =	stream.linear.gather [hbm4b:s18+s12], $0x80, $0x38;
	[tilespmem:$0x18000] =	vst v63  }
0x16a: {  	s20 =	sadd.s32 $0x2C0, s0;
	s22 =	simm.s32 $0x16C00  }
0x16b: {  	[tilespmem:s22], [sflag:$0x2] =	stream.linear.gather [hbm4b:s20+s12], $0x80, $0x38;
	[tilespmem:$0x18000] =	vst v63  }
0x16c: {  	s23 =	sadd.s32 $0x300, s0;
	s24 =	simm.s32 $0x17000  }
0x16d: {  	[tilespmem:s24], [sflag:$0x2] =	stream.linear.gather [hbm4b:s23+s12], $0x80, $0x38;
	[tilespmem:$0x18000] =	vst v63  }
0x16e: {  	s25 =	sadd.s32 $0x340, s0;
	s26 =	simm.s32 $0x17400  }
0x16f: {  	[tilespmem:s26], [sflag:$0x2] =	stream.linear.gather [hbm4b:s25+s12], $0x80, $0x38;
	[tilespmem:$0x18000] =	vst v63  }
0x170: {  	s28 =	sadd.s32 $0x380, s0;
	s29 =	simm.s32 $0x17800  }
0x171: {  	[tilespmem:s29], [sflag:$0x2] =	stream.linear.gather [hbm4b:s28+s12], $0x80, $0x38;
	[tilespmem:$0x18000] =	vst v63  }
0x172: {  	s0 =	sadd.s32 $0x3C0, s0;
	s16 =	simm.s32 $0x17C00  }
0x173: {  	[tilespmem:s16], [sflag:$0x2] =	stream.linear.gather [hbm4b:s0+s12], $0x80, $0x38;
	[tilespmem:$0x18000] =	vst v63  }
0x174: {  	s17 =	simm.s32 $0x14080;
	s0 =	sadd.s32 s4, s15  }
0x175: {  	[tilespmem:s17], [sflag:$0x2] =	stream.linear.gather [hbm4b:s0+s12], $0x80, $0x38;
	[tilespmem:$0x18000] =	vst v63  }
0x176: {  	s19 =	simm.s32 $0x14480;
	s18 =	sadd.s32 $0x40, s0  }
0x177: {  	[tilespmem:s19], [sflag:$0x2] =	stream.linear.gather [hbm4b:s18+s12], $0x80, $0x38;
	[tilespmem:$0x18000] =	vst v63  }
0x178: {  	s22 =	simm.s32 $0x14880;
	s20 =	sadd.s32 $0x80, s0  }
0x179: {  	[tilespmem:s22], [sflag:$0x2] =	stream.linear.gather [hbm4b:s20+s12], $0x80, $0x38;
	[tilespmem:$0x18000] =	vst v63  }
0x17a: {  	s24 =	simm.s32 $0x14C80;
	s23 =	sadd.s32 $0xC0, s0  }
0x17b: {  	[tilespmem:s24], [sflag:$0x2] =	stream.linear.gather [hbm4b:s23+s12], $0x80, $0x38;
	[tilespmem:$0x18000] =	vst v63  }
0x17c: {  	s26 =	simm.s32 $0x15080;
	s25 =	sadd.s32 $0x100, s0  }
0x17d: {  	[tilespmem:s26], [sflag:$0x2] =	stream.linear.gather [hbm4b:s25+s12], $0x80, $0x38;
	[tilespmem:$0x18000] =	vst v63  }
0x17e: {  	s29 =	simm.s32 $0x15480;
	s28 =	sadd.s32 $0x140, s0  }
0x17f: {  	[tilespmem:s29], [sflag:$0x2] =	stream.linear.gather [hbm4b:s28+s12], $0x80, $0x38;
	[tilespmem:$0x18000] =	vst v63  }
0x180: {  	s16 =	sadd.s32 $0x180, s0;
	s17 =	simm.s32 $0x15880  }
0x181: {  	[tilespmem:s17], [sflag:$0x2] =	stream.linear.gather [hbm4b:s16+s12], $0x80, $0x38;
	[tilespmem:$0x18000] =	vst v63  }
0x182: {  	s18 =	sadd.s32 $0x1C0, s0;
	s19 =	simm.s32 $0x15C80  }
0x183: {  	[tilespmem:s19], [sflag:$0x2] =	stream.linear.gather [hbm4b:s18+s12], $0x80, $0x38;
	[tilespmem:$0x18000] =	vst v63  }
0x184: {  	s20 =	sadd.s32 $0x200, s0;
	s22 =	simm.s32 $0x16080  }
0x185: {  	[tilespmem:s22], [sflag:$0x2] =	stream.linear.gather [hbm4b:s20+s12], $0x80, $0x38;
	[tilespmem:$0x18000] =	vst v63  }
0x186: {  	s23 =	sadd.s32 $0x240, s0;
	s24 =	simm.s32 $0x16480  }
0x187: {  	[tilespmem:s24], [sflag:$0x2] =	stream.linear.gather [hbm4b:s23+s12], $0x80, $0x38;
	[tilespmem:$0x18000] =	vst v63  }
0x188: {  	s25 =	sadd.s32 $0x280, s0;
	s26 =	simm.s32 $0x16880  }
0x189: {  	[tilespmem:s26], [sflag:$0x2] =	stream.linear.gather [hbm4b:s25+s12], $0x80, $0x38;
	[tilespmem:$0x18000] =	vst v63  }
0x18a: {  	s28 =	sadd.s32 $0x2C0, s0;
	s29 =	simm.s32 $0x16C80  }
0x18b: {  	[tilespmem:s29], [sflag:$0x2] =	stream.linear.gather [hbm4b:s28+s12], $0x80, $0x38;
	[tilespmem:$0x18000] =	vst v63  }
0x18c: {  	s16 =	sadd.s32 $0x300, s0;
	s17 =	simm.s32 $0x17080  }
0x18d: {  	[tilespmem:s17], [sflag:$0x2] =	stream.linear.gather [hbm4b:s16+s12], $0x80, $0x38;
	[tilespmem:$0x18000] =	vst v63  }
0x18e: {  	s18 =	sadd.s32 $0x340, s0;
	s19 =	simm.s32 $0x17480  }
0x18f: {  	[tilespmem:s19], [sflag:$0x2] =	stream.linear.gather [hbm4b:s18+s12], $0x80, $0x38;
	[tilespmem:$0x18000] =	vst v63  }
0x190: {  	s20 =	sadd.s32 $0x380, s0;
	s22 =	simm.s32 $0x17880  }
0x191: {  	[tilespmem:s22], [sflag:$0x2] =	stream.linear.gather [hbm4b:s20+s12], $0x80, $0x38;
	[tilespmem:$0x18000] =	vst v63  }
0x192: {  	s0 =	sadd.s32 $0x3C0, s0;
	s23 =	simm.s32 $0x17C80  }
0x193: {  	[tilespmem:s23], [sflag:$0x2] =	stream.linear.gather [hbm4b:s0+s12], $0x80, $0x38;
	[tilespmem:$0x18000] =	vst v63  }
0x194: {  	s24 =	simm.s32 $0x14100;
	s0 =	sadd.s32 s5, s15  }
0x195: {  	[tilespmem:s24], [sflag:$0x2] =	stream.linear.gather [hbm4b:s0+s12], $0x80, $0x38;
	[tilespmem:$0x18000] =	vst v63  }
0x196: {  	s26 =	simm.s32 $0x14500;
	s25 =	sadd.s32 $0x40, s0  }
0x197: {  	[tilespmem:s26], [sflag:$0x2] =	stream.linear.gather [hbm4b:s25+s12], $0x80, $0x38;
	[tilespmem:$0x18000] =	vst v63  }
0x198: {  	s29 =	simm.s32 $0x14900;
	s28 =	sadd.s32 $0x80, s0  }
0x199: {  	[tilespmem:s29], [sflag:$0x2] =	stream.linear.gather [hbm4b:s28+s12], $0x80, $0x38;
	[tilespmem:$0x18000] =	vst v63  }
0x19a: {  	s17 =	simm.s32 $0x14D00;
	s16 =	sadd.s32 $0xC0, s0  }
0x19b: {  	[tilespmem:s17], [sflag:$0x2] =	stream.linear.gather [hbm4b:s16+s12], $0x80, $0x38;
	[tilespmem:$0x18000] =	vst v63  }
0x19c: {  	s19 =	simm.s32 $0x15100;
	s18 =	sadd.s32 $0x100, s0  }
0x19d: {  	[tilespmem:s19], [sflag:$0x2] =	stream.linear.gather [hbm4b:s18+s12], $0x80, $0x38;
	[tilespmem:$0x18000] =	vst v63  }
0x19e: {  	s22 =	simm.s32 $0x15500;
	s20 =	sadd.s32 $0x140, s0  }
0x19f: {  	[tilespmem:s22], [sflag:$0x2] =	stream.linear.gather [hbm4b:s20+s12], $0x80, $0x38;
	[tilespmem:$0x18000] =	vst v63  }
0x1a0: {  	s23 =	sadd.s32 $0x180, s0;
	s24 =	simm.s32 $0x15900  }
0x1a1: {  	[tilespmem:s24], [sflag:$0x2] =	stream.linear.gather [hbm4b:s23+s12], $0x80, $0x38;
	[tilespmem:$0x18000] =	vst v63  }
0x1a2: {  	s25 =	sadd.s32 $0x1C0, s0;
	s26 =	simm.s32 $0x15D00  }
0x1a3: {  	[tilespmem:s26], [sflag:$0x2] =	stream.linear.gather [hbm4b:s25+s12], $0x80, $0x38;
	[tilespmem:$0x18000] =	vst v63  }
0x1a4: {  	s28 =	sadd.s32 $0x200, s0;
	s29 =	simm.s32 $0x16100  }
0x1a5: {  	[tilespmem:s29], [sflag:$0x2] =	stream.linear.gather [hbm4b:s28+s12], $0x80, $0x38;
	[tilespmem:$0x18000] =	vst v63  }
0x1a6: {  	s10 =	sadd.s32 $0x240, s0;
	s16 =	simm.s32 $0x16500  }
0x1a7: {  	[tilespmem:s16], [sflag:$0x2] =	stream.linear.gather [hbm4b:s10+s12], $0x80, $0x38;
	[tilespmem:$0x18000] =	vst v63  }
0x1a8: {  	s17 =	sadd.s32 $0x280, s0;
	s18 =	simm.s32 $0x16900  }
0x1a9: {  	[tilespmem:s18], [sflag:$0x2] =	stream.linear.gather [hbm4b:s17+s12], $0x80, $0x38;
	[tilespmem:$0x18000] =	vst v63  }
0x1aa: {  	s19 =	sadd.s32 $0x2C0, s0;
	s20 =	simm.s32 $0x16D00  }
0x1ab: {  	[tilespmem:s20], [sflag:$0x2] =	stream.linear.gather [hbm4b:s19+s12], $0x80, $0x38;
	[tilespmem:$0x18000] =	vst v63  }
0x1ac: {  	s22 =	sadd.s32 $0x300, s0;
	s23 =	simm.s32 $0x17100  }
0x1ad: {  	[tilespmem:s23], [sflag:$0x2] =	stream.linear.gather [hbm4b:s22+s12], $0x80, $0x38;
	[tilespmem:$0x18000] =	vst v63  }
0x1ae: {  	s24 =	sadd.s32 $0x340, s0;
	s25 =	simm.s32 $0x17500  }
0x1af: {  	[tilespmem:s25], [sflag:$0x2] =	stream.linear.gather [hbm4b:s24+s12], $0x80, $0x38;
	[tilespmem:$0x18000] =	vst v63  }
0x1b0: {  	s26 =	sadd.s32 $0x380, s0;
	s28 =	simm.s32 $0x17900  }
0x1b1: {  	[tilespmem:s28], [sflag:$0x2] =	stream.linear.gather [hbm4b:s26+s12], $0x80, $0x38;
	[tilespmem:$0x18000] =	vst v63  }
0x1b2: {  	s0 =	sadd.s32 $0x3C0, s0;
	s29 =	simm.s32 $0x17D00  }
0x1b3: {  	[tilespmem:s29], [sflag:$0x2] =	stream.linear.gather [hbm4b:s0+s12], $0x80, $0x38;
	[tilespmem:$0x18000] =	vst v63  }
0x1b4: {  	s10 =	simm.s32 $0x14180;
	s0 =	sadd.s32 s6, s15  }
0x1b5: {  	[tilespmem:s10], [sflag:$0x2] =	stream.linear.gather [hbm4b:s0+s12], $0x80, $0x38;
	[tilespmem:$0x18000] =	vst v63  }
0x1b6: {  	s17 =	simm.s32 $0x14580;
	s16 =	sadd.s32 $0x40, s0  }
0x1b7: {  	[tilespmem:s17], [sflag:$0x2] =	stream.linear.gather [hbm4b:s16+s12], $0x80, $0x38;
	[tilespmem:$0x18000] =	vst v63  }
0x1b8: {  	s19 =	simm.s32 $0x14980;
	s18 =	sadd.s32 $0x80, s0  }
0x1b9: {  	[tilespmem:s19], [sflag:$0x2] =	stream.linear.gather [hbm4b:s18+s12], $0x80, $0x38;
	[tilespmem:$0x18000] =	vst v63  }
0x1ba: {  	s22 =	simm.s32 $0x14D80;
	s20 =	sadd.s32 $0xC0, s0  }
0x1bb: {  	[tilespmem:s22], [sflag:$0x2] =	stream.linear.gather [hbm4b:s20+s12], $0x80, $0x38;
	[tilespmem:$0x18000] =	vst v63  }
0x1bc: {  	s24 =	simm.s32 $0x15180;
	s23 =	sadd.s32 $0x100, s0  }
0x1bd: {  	[tilespmem:s24], [sflag:$0x2] =	stream.linear.gather [hbm4b:s23+s12], $0x80, $0x38;
	[tilespmem:$0x18000] =	vst v63  }
0x1be: {  	s26 =	simm.s32 $0x15580;
	s25 =	sadd.s32 $0x140, s0  }
0x1bf: {  	[tilespmem:s26], [sflag:$0x2] =	stream.linear.gather [hbm4b:s25+s12], $0x80, $0x38;
	[tilespmem:$0x18000] =	vst v63  }
0x1c0: {  	s29 =	simm.s32 $0x15980;
	s28 =	sadd.s32 $0x180, s0  }
0x1c1: {  	[tilespmem:s29], [sflag:$0x2] =	stream.linear.gather [hbm4b:s28+s12], $0x80, $0x38;
	[tilespmem:$0x18000] =	vst v63  }
0x1c2: {  	s16 =	sadd.s32 $0x1C0, s0;
	s17 =	simm.s32 $0x15D80  }
0x1c3: {  	[tilespmem:s17], [sflag:$0x2] =	stream.linear.gather [hbm4b:s16+s12], $0x80, $0x38;
	[tilespmem:$0x18000] =	vst v63  }
0x1c4: {  	s18 =	sadd.s32 $0x200, s0;
	s19 =	simm.s32 $0x16180  }
0x1c5: {  	[tilespmem:s19], [sflag:$0x2] =	stream.linear.gather [hbm4b:s18+s12], $0x80, $0x38;
	[tilespmem:$0x18000] =	vst v63  }
0x1c6: {  	s20 =	sadd.s32 $0x240, s0;
	s22 =	simm.s32 $0x16580  }
0x1c7: {  	[tilespmem:s22], [sflag:$0x2] =	stream.linear.gather [hbm4b:s20+s12], $0x80, $0x38;
	[tilespmem:$0x18000] =	vst v63  }
0x1c8: {  	s23 =	sadd.s32 $0x280, s0;
	s24 =	simm.s32 $0x16980  }
0x1c9: {  	[tilespmem:s24], [sflag:$0x2] =	stream.linear.gather [hbm4b:s23+s12], $0x80, $0x38;
	[tilespmem:$0x18000] =	vst v63  }
0x1ca: {  	s25 =	sadd.s32 $0x2C0, s0;
	s26 =	simm.s32 $0x16D80  }
0x1cb: {  	[tilespmem:s26], [sflag:$0x2] =	stream.linear.gather [hbm4b:s25+s12], $0x80, $0x38;
	[tilespmem:$0x18000] =	vst v63  }
0x1cc: {  	s28 =	sadd.s32 $0x300, s0;
	s29 =	simm.s32 $0x17180  }
0x1cd: {  	[tilespmem:s29], [sflag:$0x2] =	stream.linear.gather [hbm4b:s28+s12], $0x80, $0x38;
	[tilespmem:$0x18000] =	vst v63  }
0x1ce: {  	s16 =	sadd.s32 $0x340, s0;
	s17 =	simm.s32 $0x17580  }
0x1cf: {  	[tilespmem:s17], [sflag:$0x2] =	stream.linear.gather [hbm4b:s16+s12], $0x80, $0x38;
	[tilespmem:$0x18000] =	vst v63  }
0x1d0: {  	s18 =	sadd.s32 $0x380, s0;
	s19 =	simm.s32 $0x17980  }
0x1d1: {  	[tilespmem:s19], [sflag:$0x2] =	stream.linear.gather [hbm4b:s18+s12], $0x80, $0x38;
	[tilespmem:$0x18000] =	vst v63  }
0x1d2: {  	s0 =	sadd.s32 $0x3C0, s0;
	s20 =	simm.s32 $0x17D80  }
0x1d3: {  	[tilespmem:s20], [sflag:$0x2] =	stream.linear.gather [hbm4b:s0+s12], $0x80, $0x38;
	[tilespmem:$0x18000] =	vst v63  }
0x1d4: {  	s22 =	simm.s32 $0x14200;
	s0 =	sadd.s32 s7, s15  }
0x1d5: {  	[tilespmem:s22], [sflag:$0x2] =	stream.linear.gather [hbm4b:s0+s12], $0x80, $0x38;
	[tilespmem:$0x18000] =	vst v63  }
0x1d6: {  	s24 =	simm.s32 $0x14600;
	s23 =	sadd.s32 $0x40, s0  }
0x1d7: {  	[tilespmem:s24], [sflag:$0x2] =	stream.linear.gather [hbm4b:s23+s12], $0x80, $0x38;
	[tilespmem:$0x18000] =	vst v63  }
0x1d8: {  	s26 =	simm.s32 $0x14A00;
	s25 =	sadd.s32 $0x80, s0  }
0x1d9: {  	[tilespmem:s26], [sflag:$0x2] =	stream.linear.gather [hbm4b:s25+s12], $0x80, $0x38;
	[tilespmem:$0x18000] =	vst v63  }
0x1da: {  	s29 =	simm.s32 $0x14E00;
	s28 =	sadd.s32 $0xC0, s0  }
0x1db: {  	[tilespmem:s29], [sflag:$0x2] =	stream.linear.gather [hbm4b:s28+s12], $0x80, $0x38;
	[tilespmem:$0x18000] =	vst v63  }
0x1dc: {  	s17 =	simm.s32 $0x15200;
	s16 =	sadd.s32 $0x100, s0  }
0x1dd: {  	[tilespmem:s17], [sflag:$0x2] =	stream.linear.gather [hbm4b:s16+s12], $0x80, $0x38;
	[tilespmem:$0x18000] =	vst v63  }
0x1de: {  	s19 =	simm.s32 $0x15600;
	s18 =	sadd.s32 $0x140, s0  }
0x1df: {  	[tilespmem:s19], [sflag:$0x2] =	stream.linear.gather [hbm4b:s18+s12], $0x80, $0x38;
	[tilespmem:$0x18000] =	vst v63  }
0x1e0: {  	s20 =	sadd.s32 $0x180, s0;
	s22 =	simm.s32 $0x15A00  }
0x1e1: {  	[tilespmem:s22], [sflag:$0x2] =	stream.linear.gather [hbm4b:s20+s12], $0x80, $0x38;
	[tilespmem:$0x18000] =	vst v63  }
0x1e2: {  	s23 =	sadd.s32 $0x1C0, s0;
	s24 =	simm.s32 $0x15E00  }
0x1e3: {  	[tilespmem:s24], [sflag:$0x2] =	stream.linear.gather [hbm4b:s23+s12], $0x80, $0x38;
	[tilespmem:$0x18000] =	vst v63  }
0x1e4: {  	s25 =	sadd.s32 $0x200, s0;
	s26 =	simm.s32 $0x16200  }
0x1e5: {  	[tilespmem:s26], [sflag:$0x2] =	stream.linear.gather [hbm4b:s25+s12], $0x80, $0x38;
	[tilespmem:$0x18000] =	vst v63  }
0x1e6: {  	s28 =	sadd.s32 $0x240, s0;
	s29 =	simm.s32 $0x16600  }
0x1e7: {  	[tilespmem:s29], [sflag:$0x2] =	stream.linear.gather [hbm4b:s28+s12], $0x80, $0x38;
	[tilespmem:$0x18000] =	vst v63  }
0x1e8: {  	s16 =	sadd.s32 $0x280, s0;
	s17 =	simm.s32 $0x16A00  }
0x1e9: {  	[tilespmem:s17], [sflag:$0x2] =	stream.linear.gather [hbm4b:s16+s12], $0x80, $0x38;
	[tilespmem:$0x18000] =	vst v63  }
0x1ea: {  	s18 =	sadd.s32 $0x2C0, s0;
	s19 =	simm.s32 $0x16E00  }
0x1eb: {  	[tilespmem:s19], [sflag:$0x2] =	stream.linear.gather [hbm4b:s18+s12], $0x80, $0x38;
	[tilespmem:$0x18000] =	vst v63  }
0x1ec: {  	s20 =	sadd.s32 $0x300, s0;
	s22 =	simm.s32 $0x17200  }
0x1ed: {  	[tilespmem:s22], [sflag:$0x2] =	stream.linear.gather [hbm4b:s20+s12], $0x80, $0x38;
	[tilespmem:$0x18000] =	vst v63  }
0x1ee: {  	s23 =	sadd.s32 $0x340, s0;
	s24 =	simm.s32 $0x17600  }
0x1ef: {  	[tilespmem:s24], [sflag:$0x2] =	stream.linear.gather [hbm4b:s23+s12], $0x80, $0x38;
	[tilespmem:$0x18000] =	vst v63  }
0x1f0: {  	s25 =	sadd.s32 $0x380, s0;
	s26 =	simm.s32 $0x17A00  }
0x1f1: {  	[tilespmem:s26], [sflag:$0x2] =	stream.linear.gather [hbm4b:s25+s12], $0x80, $0x38;
	[tilespmem:$0x18000] =	vst v63  }
0x1f2: {  	s0 =	sadd.s32 $0x3C0, s0;
	s28 =	simm.s32 $0x17E00  }
0x1f3: {  	[tilespmem:s28], [sflag:$0x2] =	stream.linear.gather [hbm4b:s0+s12], $0x80, $0x38;
	[tilespmem:$0x18000] =	vst v63  }
0x1f4: {  	s29 =	simm.s32 $0x14280;
	s0 =	sadd.s32 s8, s15  }
0x1f5: {  	[tilespmem:s29], [sflag:$0x2] =	stream.linear.gather [hbm4b:s0+s12], $0x80, $0x38;
	[tilespmem:$0x18000] =	vst v63  }
0x1f6: {  	s15 =	simm.s32 $0x14680;
	s10 =	sadd.s32 $0x40, s0  }
0x1f7: {  	[tilespmem:s15], [sflag:$0x2] =	stream.linear.gather [hbm4b:s10+s12], $0x80, $0x38;
	[tilespmem:$0x18000] =	vst v63  }
0x1f8: {  	s17 =	simm.s32 $0x14A80;
	s16 =	sadd.s32 $0x80, s0  }
0x1f9: {  	[tilespmem:s17], [sflag:$0x2] =	stream.linear.gather [hbm4b:s16+s12], $0x80, $0x38;
	[tilespmem:$0x18000] =	vst v63  }
0x1fa: {  	s19 =	simm.s32 $0x14E80;
	s18 =	sadd.s32 $0xC0, s0  }
0x1fb: {  	[tilespmem:s19], [sflag:$0x2] =	stream.linear.gather [hbm4b:s18+s12], $0x80, $0x38;
	[tilespmem:$0x18000] =	vst v63  }
0x1fc: {  	s22 =	simm.s32 $0x15280;
	s20 =	sadd.s32 $0x100, s0  }
0x1fd: {  	[tilespmem:s22], [sflag:$0x2] =	stream.linear.gather [hbm4b:s20+s12], $0x80, $0x38;
	[tilespmem:$0x18000] =	vst v63  }
0x1fe: {  	s24 =	simm.s32 $0x15680;
	s23 =	sadd.s32 $0x140, s0  }
0x1ff: {  	[tilespmem:s24], [sflag:$0x2] =	stream.linear.gather [hbm4b:s23+s12], $0x80, $0x38;
	[tilespmem:$0x18000] =	vst v63  }
0x200: {  	s26 =	simm.s32 $0x15A80;
	s25 =	sadd.s32 $0x180, s0  }
0x201: {  	[tilespmem:s26], [sflag:$0x2] =	stream.linear.gather [hbm4b:s25+s12], $0x80, $0x38;
	[tilespmem:$0x18000] =	vst v63  }
0x202: {  	s28 =	sadd.s32 $0x1C0, s0;
	s29 =	simm.s32 $0x15E80  }
0x203: {  	[tilespmem:s29], [sflag:$0x2] =	stream.linear.gather [hbm4b:s28+s12], $0x80, $0x38;
	[tilespmem:$0x18000] =	vst v63  }
0x204: {  	s10 =	sadd.s32 $0x200, s0;
	s15 =	simm.s32 $0x16280  }
0x205: {  	[tilespmem:s15], [sflag:$0x2] =	stream.linear.gather [hbm4b:s10+s12], $0x80, $0x38;
	[tilespmem:$0x18000] =	vst v63  }
0x206: {  	s16 =	sadd.s32 $0x240, s0;
	s17 =	simm.s32 $0x16680  }
0x207: {  	[tilespmem:s17], [sflag:$0x2] =	stream.linear.gather [hbm4b:s16+s12], $0x80, $0x38;
	[tilespmem:$0x18000] =	vst v63  }
0x208: {  	p0 =	por $0x0, $0x0;
	s18 =	sadd.s32 $0x280, s0;
	s19 =	simm.s32 $0x16A80  }
0x209: {  	[tilespmem:s19], [sflag:$0x2] =	stream.linear.gather [hbm4b:s18+s12], $0x80, $0x38;
	[tilespmem:$0x18000] =	vst v63  }
0x20a: {  	s20 =	sadd.s32 $0x2C0, s0;
	s22 =	simm.s32 $0x16E80;
	s23 =	sadd.s32 $0x300, s0  }
0x20b: {  	[tilespmem:s22], [sflag:$0x2] =	stream.linear.gather [hbm4b:s20+s12], $0x80, $0x38;
	[tilespmem:$0x18000] =	vst v63  }
0x20c: {  	s24 =	simm.s32 $0x17280;
	s25 =	sadd.s32 $0x340, s0;
	s26 =	simm.s32 $0x17680  }
0x20d: {  	[tilespmem:s24], [sflag:$0x2] =	stream.linear.gather [hbm4b:s23+s12], $0x80, $0x38;
	[tilespmem:$0x18000] =	vst v63  }
0x20e: {  	s28 =	sadd.s32 $0x380, s0;
	s29 =	simm.s32 $0x17A80;
	s0 =	sadd.s32 $0x3C0, s0  }
0x20f: {  	[tilespmem:s26], [sflag:$0x2] =	stream.linear.gather [hbm4b:s25+s12], $0x80, $0x38;
	[tilespmem:$0x18000] =	vst v63  }
0x210: {  	s16 =	sand.u32 $0x40, s12;
	s17 =	simm.s32 $0x1;
	s18 =	sand.u32 $0x3C00, s12  }
0x211: {  	[tilespmem:s29], [sflag:$0x2] =	stream.linear.gather [hbm4b:s28+s12], $0x80, $0x38;
	[tilespmem:$0x18000] =	vst v63  }
0x212: {  	s15 =	simm.s32 $0x17E80;
	s17 =	simm.s32 @!p0 $0x0;
	s19 =	sor.u32 s16, s18  }
0x213: {  	[tilespmem:s15], [sflag:$0x2] =	stream.linear.gather [hbm4b:s0+s12], $0x80, $0x38;
	[tilespmem:$0x18000] =	vst v63  }
0x214: {  	s20 =	sshll.u32 s17, $0x6;
	v3 =	vld [tilespmem:s19+$0x10130]  }
0x215: {  	s0 =	sadd.s32 $0x0, s20;
	v4 =	vld [tilespmem:s19+$0x10100]  }
0x216: {  	v5 =	vld [tilespmem:s19+$0x10110];
	s22 =	sadd.s32 $0x30, s0  }
0x217: {  	v6 =	vld [tilespmem:s19+$0x10120];
	s23 =	sor.u32 $0x200, s22  }
0x218: {  	s2 =	sor.u32 $0x280, s22;
	v7 =	vld [tilespmem:s23+$0x10000]  }
0x219: {  	v8 =	vld [tilespmem:s2+$0x10000];
	v9 =	vsub.f32 $1.000000000e+00, v3  }
0x21a: {  	v10 =	vld [tilespmem:s19+$0x10030];
	s25 =	sadd.s32 $0x20, s0;
	v11 =	vsub.f32 $1.000000000e+00, v4  }
0x21b: {  	v12 =	vld [tilespmem:s19+$0x100B0];
	s26 =	sor.u32 $0x280, s25;
	v4 =	vadd.f32 $-1.000000000e+00, v4;
	v14 =	vsub.f32 $1.000000000e+00, v5;
	v9 =	vmul.f32 $2.560000000e+02, v9  }
0x21c: {  	s24 =	sadd.s32 $0x10, s0;
	v16 =	vld [tilespmem:s26+$0x10000];
	v5 =	vadd.f32 $-1.000000000e+00, v5;
	v15 =	vsub.f32 $1.000000000e+00, v6;
	v11 =	vmul.f32 $2.560000000e+02, v11  }
0x21d: {  	v24 =	vld [tilespmem:s19+$0x100A0];
	s18 =	sor.u32 $0x280, s24;
	v6 =	vadd.f32 $-1.000000000e+00, v6;
	v4 =	vmul.f32 v4, v0;
	v7 =	vmul.f32 v7, v9  }
0x21e: {  	s28 =	sor.u32 $0x280, s0;
	s0 =	sor.u32 $0x200, s0;
	v13 =	vld [tilespmem:s18+$0x10000];
	v3 =	vadd.f32 $-1.000000000e+00, v3;
	v5 =	vmul.f32 v5, v0;
	v8 =	vmul.f32 v8, v9  }
0x21f: {  	v27 =	vld [tilespmem:s0+$0x10000];
	v9 =	vmul.f32 $2.560000000e+02, v14;
	v14 =	vmul.f32 $2.560000000e+02, v15;
	v7 =	vadd.f32 v7, v10  }
0x220: {  	v6 =	vmul.f32 v6, v0;
	v4 =	vadd.f32 $1.000000000e+00, v4;
	v10 =	vld [tilespmem:s28+$0x10000];
	v8 =	vadd.f32 v8, v12  }
0x221: {  	v5 =	vadd.f32 $1.000000000e+00, v5;
	v12 =	vld [tilespmem:s19+$0x101B0];
	v15 =	vmul.f32 v16, v14;
	v7 =	vadd.f32 $1.024000000e+03, v7  }
0x222: {  	v3 =	vmul.f32 v3, v0;
	v6 =	vadd.f32 $1.000000000e+00, v6;
	v8 =	vadd.f32 $1.024000000e+03, v8  }
0x223: {  	v13 =	vmul.f32 v13, v9;
	v15 =	vadd.f32 v15, v24;
	v16 =	vtrunc.f32 v7  }
0x224: {  	v3 =	vadd.f32 $1.000000000e+00, v3;
	v17 =	vtrunc.f32 v8;
	v16 =	vcvt.f32.s32 v16  }
0x225: {  	v15 =	vadd.f32 $1.024000000e+03, v15;
	v10 =	vmul.f32 v10, v11;
	v17 =	vcvt.f32.s32 v17  }
0x226: {  	vm0 =	veq.f32 v12, v1;
	v11 =	vmul.f32 v27, v11;
	v12 =	vcvt.s32.f32 v16  }
0x227: {  	v18 =	vand.u32 $0x7F, v16;
	v19 =	vadd.s32 $0xFFFFFC00, v16;
	v20 =	vadd.s32 $0xFFFFFC00, v17  }
0x228: {  	v21 =	vadd.s32 $0xFFFFFC01, v17;
	v17 =	vcvt.s32.f32 v17;
	v16 =	vadd.s32 $0xFFFFFC01, v16  }
0x229: {  	vm1 =	vlt.u32 v20, $0x100;
	vm2 =	vlt.u32 v19, $0x100;
	vm3 =	vlt.u32 v16, $0x100  }
0x22a: {  	s2 =	sor.u32 $0x200, s24;
	vm6 =	vlt.u32 v21, $0x100;
	v7 =	vsub.f32 v7, v12;
	v12 =	vshll.u32 v20, $0x8  }
0x22b: {  	v16 =	vld [tilespmem:s2+$0x10000];
	vm2 =	vmand vm0, vm2;
	v8 =	vsub.f32 v8, v17;
	vm0 =	vmand vm0, vm3  }
0x22c: {  	v21 =	vld [tilespmem:s19+$0x10090];
	v12 =	vadd.s32 v19, v12;
	vm4 =	vmand vm2, vm1;
	vm5 =	vmand vm0, vm1  }
0x22d: {  	s29 =	sor.u32 $0x200, s25;
	v17 =	vld [tilespmem:s19+$0x10080];
	v19 =	vadd.s32 $0x1, v12;
	v22 =	vand.u32 $0xFF80, v12;
	v23 =	vsub.f32 $1.000000000e+00, v8  }
0x22e: {  	v20 =	vld [tilespmem:s29+$0x10000];
	v25 =	vsub.f32 $1.000000000e+00, v7;
	v26 =	vadd.s32 $0x100, v12;
	v12 =	vadd.s32 $0x101, v12  }
0x22f: {  	v31 =	vor.u32 v18, v22;
	v32 =	vand.u32 $0xFFFF, v19;
	v22 =	vmul.f32 v23, v3  }
0x230: {  	v19 =	vld [tilespmem:s19+$0x10020];
	v34 =	vand.u32 $0xFFFF, v12;
	v23 =	vand.u32 $0xFF80, v26;
	v3 =	vmul.f32 v8, v3  }
0x231: {  	v26 =	vld [tilespmem:s19+$0x10000];
	v12 =	vadd.f32 v13, v21;
	v33 =	vor.u32 v18, v23;
	v13 =	vmul.f32 v22, v7  }
0x232: {  	v18 =	vld [tilespmem:s19+$0x10010];
	v10 =	vadd.f32 v10, v17;
	v35 =	vmul.f32 v3, v25;
	v7 =	vmul.f32 v3, v7  }
0x233: {  	v3 =	vmul.f32 v16, v9;
	v9 =	vadd.f32 $1.024000000e+03, v12;
	v12 =	vmul.f32 v20, v14  }
0x234: {  	vm1 =	vmand vm2, vm6;
	vm6 =	vmand vm0, vm6;
	v10 =	vadd.f32 $1.024000000e+03, v10  }
0x235: {  	v8 =	vmul.f32 v22, v25;
	v16 =	vtrunc.f32 v9;
	v12 =	vadd.f32 v12, v19  }
0x236: {  	v11 =	vadd.f32 v11, v26;
	v14 =	vtrunc.f32 v10;
	v16 =	vcvt.f32.s32 v16  }
0x237: {  	v3 =	vadd.f32 v3, v18;
	v19 =	vcvt.f32.s32 v14;
	v14 =	vtrunc.f32 v15  }
0x238: {  	v12 =	vadd.f32 $1.024000000e+03, v12;
	v11 =	vadd.f32 $1.024000000e+03, v11;
	v20 =	vcvt.f32.s32 v14  }
0x239: {  	v36 =	vadd.s32 $0xFFFFFC00, v16;
	v22 =	vcvt.s32.f32 v16;
	v47 =	vadd.s32 $0xFFFFFC01, v16  }
0x23a: {  	[tilespmem:v31+s1+$0x0] =	vst.idx.add.f32.msk vm4, v8;
	v3 =	vadd.f32 $1.024000000e+03, v3;
	v23 =	vadd.s32 $0xFFFFFC00, v19;
	v21 =	vtrunc.f32 v12  }
0x23b: {  	[tilespmem:v32+s1+$0x0] =	vst.idx.add.f32.msk vm5, v13;
	v18 =	vcvt.s32.f32 v19;
	v28 =	vshll.u32 v36, $0x8;
	v46 =	vadd.s32 $0xFFFFFC01, v19  }
0x23c: {  	[tilespmem:v33+s1+$0x0] =	vst.idx.add.f32.msk vm1, v35;
	vm4 =	vlt.u32 v36, $0x100;
	vm1 =	vlt.u32 v47, $0x100;
	v17 =	vtrunc.f32 v11  }
0x23d: {  	v37 =	vadd.s32 $0xFFFFFC00, v20;
	v24 =	vshll.u32 v23, $0x8;
	v25 =	vcvt.s32.f32 v20  }
0x23e: {  	v9 =	vsub.f32 v9, v22;
	v20 =	vadd.s32 $0xFFFFFC01, v20;
	v14 =	vtrunc.f32 v3  }
0x23f: {  	v17 =	vcvt.f32.s32 v17;
	v10 =	vsub.f32 v10, v18;
	vm5 =	vlt.u32 v37, $0x100  }
0x240: {  	v18 =	vcvt.f32.s32 v14;
	v14 =	vcvt.f32.s32 v21;
	v15 =	vsub.f32 v15, v25  }
0x241: {  	v27 =	vsub.f32 $1.000000000e+00, v9;
	v9 =	vmul.f32 v9, v5;
	v21 =	vcvt.s32.f32 v17  }
0x242: {  	v22 =	vsub.f32 $1.000000000e+00, v10;
	v10 =	vmul.f32 v10, v4;
	v25 =	vcvt.s32.f32 v18  }
0x243: {  	v26 =	vcvt.s32.f32 v14;
	v29 =	vsub.f32 $1.000000000e+00, v15;
	v27 =	vmul.f32 v27, v5  }
0x244: {  	v30 =	vadd.s32 $0xFFFFFC01, v18;
	v44 =	vmul.f32 v15, v6;
	v21 =	vsub.f32 v11, v21  }
0x245: {  	v11 =	vadd.s32 $0xFFFFFC00, v17;
	v22 =	vmul.f32 v22, v4;
	v4 =	vadd.s32 $0xFFFFFC01, v14  }
0x246: {  	vm9 =	vlt.u32 v30, $0x100;
	v38 =	vsub.f32 v3, v25;
	v3 =	vshll.u32 v37, $0x8  }
0x247: {  	v25 =	vadd.s32 $0xFFFFFC00, v18;
	v39 =	vsub.f32 v12, v26;
	v24 =	vadd.s32 v11, v24  }
0x248: {  	v12 =	vadd.s32 $0xFFFFFC00, v14;
	v29 =	vmul.f32 v29, v6;
	v26 =	vadd.s32 $0xFFFFFC01, v17  }
0x249: {  	vm0 =	vlt.u32 v11, $0x100;
	vm11 =	vlt.u32 v4, $0x100;
	v28 =	vadd.s32 v25, v28  }
0x24a: {  	v40 =	vadd.s32 v12, v3;
	v41 =	vsub.f32 $1.000000000e+00, v21;
	v6 =	vadd.s32 $0x100, v24  }
0x24b: {  	vm2 =	vlt.u32 v26, $0x100;
	vm3 =	vlt.u32 v25, $0x100;
	vm10 =	vlt.u32 v12, $0x100  }
0x24c: {  	v3 =	vld [tilespmem:s19+$0x10180];
	v11 =	vmul.f32 v22, v21;
	v30 =	vand.u32 $0xFF80, v24;
	v42 =	vsub.f32 $1.000000000e+00, v38  }
0x24d: {  	[tilespmem:v34+s1+$0x0] =	vst.idx.add.f32.msk vm6, v7;
	v43 =	vsub.f32 $1.000000000e+00, v39;
	v15 =	vadd.s32 $0x100, v28;
	v45 =	vadd.s32 $0x100, v40  }
0x24e: {  	v5 =	vld [tilespmem:s19+$0x10190];
	v26 =	vand.u32 $0xFF80, v6;
	v19 =	vadd.s32 $0x1, v40;
	v7 =	vmul.f32 v44, v39  }
0x24f: {  	v13 =	vadd.s32 $0x101, v40;
	v12 =	vmul.f32 v22, v41;
	v16 =	vmul.f32 v10, v41  }
0x250: {  	v25 =	vld [tilespmem:s19+$0x101A0];
	v22 =	vand.u32 $0xFF80, v45;
	v6 =	vmul.f32 v27, v42;
	v4 =	vmul.f32 v29, v43  }
0x251: {  	v8 =	vmul.f32 v44, v43;
	vm8 =	veq.f32 v3, v1;
	v3 =	vmul.f32 v29, v39  }
0x252: {  	v29 =	vadd.s32 $0x1, v24;
	vm7 =	vmand vm8, vm0;
	vm8 =	vmand vm8, vm2  }
0x253: {  	vm0 =	veq.f32 v5, v1;
	v5 =	vmul.f32 v27, v38;
	v27 =	vadd.s32 $0x101, v24  }
0x254: {  	v24 =	vadd.s32 $0x1, v28;
	vm12 =	vmand vm0, vm3;
	vm3 =	vmand vm0, vm9  }
0x255: {  	vm0 =	veq.f32 v25, v1;
	v25 =	vand.u32 $0xFF80, v15;
	v15 =	vmul.f32 v10, v21  }
0x256: {  	v21 =	vadd.s32 $0x101, v28;
	v28 =	vand.u32 $0xFF80, v28;
	v10 =	vmul.f32 v9, v42  }
0x257: {  	v9 =	vmul.f32 v9, v38;
	vm9 =	vlt.u32 v46, $0x100;
	vm2 =	vmand vm0, vm10  }
0x258: {  	s30 =	simm.s32 $0x200;
	s31 =	simm.s32 $0x40;
	s15 =	simm.s32 $0x0;
	vm0 =	vmand vm0, vm11;
	vm11 =	vlt.u32 v23, $0x100;
	v23 =	vand.u32 $0xFF80, v40  }
.LBB2_5:
0x259: {  	s0 =	sand.u32 $0x40, s31;
	v31 =	vand.u32 $0x7F, v17;
	v18 =	vand.u32 $0x7F, v18  }
0x25a: {  	s2 =	sand.u32 $0x3C00, s30;
	vm13 =	vlt.u32 v20, $0x100;
	p0 =	por !p0, !p0;
	s17 =	simm.s32 $0x1;
	v20 =	vand.u32 $0x7F, v14;
	vm10 =	vmand vm7, vm11  }
0x25b: {  	vm11 =	vmand vm8, vm11;
	vm7 =	vmand vm7, vm9;
	vm9 =	vmand vm8, vm9;
	s17 =	simm.s32 @!p0 $0x0;
	s0 =	sor.u32 s0, s2  }
0x25c: {  	vm6 =	vmand vm12, vm4;
	vm8 =	vmand vm3, vm4;
	v17 =	vor.u32 v18, v25;
	s28 =	sshll.u32 s17, $0x6;
	v25 =	vld [tilespmem:s0+$0x10130]  }
0x25d: {  	vm4 =	vmand vm12, vm1;
	vm1 =	vmand vm3, vm1;
	v14 =	vor.u32 v20, v22;
	v22 =	vld [tilespmem:s0+$0x10100];
	s2 =	sadd.s32 s28, s30  }
0x25e: {  	v26 =	vor.u32 v31, v26;
	v30 =	vor.u32 v31, v30;
	v31 =	vand.u32 $0xFFFF, v29;
	v33 =	vld [tilespmem:s0+$0x10110];
	s19 =	sadd.s32 $0x30, s2  }
0x25f: {  	v29 =	vand.u32 $0xFFFF, v27;
	v32 =	vor.u32 v18, v28;
	v18 =	vimm.s32 $0x0;
	v27 =	vld [tilespmem:s0+$0x10120];
	s22 =	sor.u32 $0x200, s19  }
0x260: {  	v28 =	vand.u32 $0xFFFF, v24;
	v18 =	vsel vm1, $0xFFFFFFFF, v18;
	s19 =	sor.u32 $0x280, s19;
	v24 =	vld [tilespmem:s22+$0x10000]  }
0x261: {  	[tilespmem:$0x1FFF0] =	vst v18;
	v18 =	vand.u32 $0xFFFF, v21;
	v21 =	vld [tilespmem:s19+$0x10000];
	v34 =	vsub.f32 $1.000000000e+00, v25  }
0x262: {  	v35 =	vld [tilespmem:s0+$0x10030]  }
0x263: {  	v23 =	vor.u32 v20, v23;
	v37 =	vld [tilespmem:s0+$0x100B0];
	s29 =	sadd.s32 $0x10, s2;
	v20 =	vsub.f32 $1.000000000e+00, v22;
	v34 =	vmul.f32 $2.560000000e+02, v34  }
0x264: {  	s20 =	sor.u32 $0x280, s29;
	v22 =	vadd.f32 $-1.000000000e+00, v22;
	v36 =	vsub.f32 $1.000000000e+00, v33  }
0x265: {  	v39 =	vsub.f32 $1.000000000e+00, v27;
	v38 =	vmul.f32 $2.560000000e+02, v20;
	v20 =	vld [tilespmem:s20+$0x10000];
	v24 =	vmul.f32 v24, v34  }
0x266: {  	v40 =	vadd.f32 $-1.000000000e+00, v27;
	v27 =	vand.u32 $0xFFFF, v19;
	v19 =	vmul.f32 v21, v34  }
0x267: {  	vm3 =	vmand vm2, vm5;
	v57 =	vld [tilespmem:s0+$0x101B0];
	v33 =	vadd.f32 $-1.000000000e+00, v33;
	v24 =	vadd.f32 v24, v35  }
0x268: {  	v46 =	vld [tilespmem:s0+$0x10080];
	v36 =	vmul.f32 $2.560000000e+02, v36;
	v21 =	vmul.f32 v22, v0;
	v37 =	vadd.f32 v19, v37  }
0x269: {  	v47 =	vld [tilespmem:s0+$0x10090];
	v22 =	vmul.f32 v33, v0;
	v44 =	vadd.f32 $1.024000000e+03, v24;
	v24 =	vadd.f32 $-1.000000000e+00, v25  }
0x26a: {  	vm5 =	vmand vm0, vm5;
	v60 =	vld [tilespmem:s0+$0x100A0];
	v58 =	vmul.f32 v20, v36;
	v37 =	vadd.f32 $1.024000000e+03, v37  }
0x26b: {  	v61 =	vld [tilespmem:s0+$0x10000];
	v20 =	vadd.f32 $1.000000000e+00, v22;
	v22 =	vtrunc.f32 v44;
	v24 =	vmul.f32 v24, v0  }
0x26c: {  	vm2 =	vmand vm2, vm13;
	v51 =	vld [tilespmem:s0+$0x10010];
	v25 =	vtrunc.f32 v37;
	v22 =	vcvt.f32.s32 v22  }
0x26d: {  	vm1 =	vmand vm0, vm13;
	v54 =	vld [tilespmem:s0+$0x10020];
	s23 =	sor.u32 $0x280, s2;
	vm12 =	veq.f32 v57, v1;
	v25 =	vcvt.f32.s32 v25  }
0x26e: {  	s18 =	sadd.s32 $0x20, s2;
	s2 =	sor.u32 $0x200, s2;
	v42 =	vld [tilespmem:s23+$0x10000];
	v49 =	vadd.f32 $1.000000000e+00, v24;
	v48 =	vcvt.s32.f32 v22;
	v50 =	vand.u32 $0x7F, v22  }
0x26f: {  	s16 =	sor.u32 $0x280, s18;
	v45 =	vld [tilespmem:s2+$0x10000];
	v52 =	vadd.s32 $0xFFFFFC00, v22;
	v53 =	vadd.s32 $0xFFFFFC00, v25;
	v24 =	vadd.s32 $0xFFFFFC01, v25  }
0x270: {  	s18 =	sor.u32 $0x200, s18;
	v41 =	vld [tilespmem:s16+$0x10000];
	v55 =	vcvt.s32.f32 v25;
	v25 =	vadd.s32 $0xFFFFFC01, v22;
	vm15 =	vlt.u32 v53, $0x100  }
0x271: {  	s17 =	sor.u32 $0x200, s29;
	v43 =	vld [tilespmem:s18+$0x10000];
	vm13 =	vlt.u32 v52, $0x100;
	vm0 =	vlt.u32 v25, $0x100;
	vm14 =	vlt.u32 v24, $0x100  }
0x272: {  	v34 =	vld [tilespmem:s17+$0x10000];
	v62 =	vshll.u32 v53, $0x8;
	v44 =	vsub.f32 v44, v48;
	vm13 =	vmand vm12, vm13  }
0x273: {  	v22 =	vld [tilespmem:s0+$0x10180];
	v37 =	vsub.f32 v37, v55;
	vm12 =	vmand vm12, vm0;
	v48 =	vadd.s32 v52, v62  }
0x274: {  	[tilespmem:v30+s1+$0x0] =	vst.idx.add.f32.msk vm10, v12;
	v52 =	vadd.s32 $0x1, v48;
	vm0 =	vmand vm13, vm15;
	v63 =	vand.u32 $0xFF80, v48  }
0x275: {  	v24 =	vld [tilespmem:s0+$0x10190];
	vm15 =	vmand vm12, vm15;
	vm10 =	vmand vm13, vm14;
	v12 =	vsub.f32 $1.000000000e+00, v37  }
0x276: {  	[tilespmem:v31+s1+$0x0] =	vst.idx.add.f32.msk vm11, v11;
	v31 =	vadd.s32 $0x100, v48;
	v11 =	vsub.f32 $1.000000000e+00, v44;
	v30 =	vor.u32 v50, v63  }
0x277: {  	[tilespmem:v26+s1+$0x0] =	vst.idx.add.f32.msk vm7, v16;
	v16 =	vand.u32 $0xFFFF, v52;
	v26 =	vand.u32 $0xFF80, v31;
	v12 =	vmul.f32 v12, v49  }
0x278: {  	v59 =	vmul.f32 v42, v38;
	[tilespmem:v32+s1+$0x0] =	vst.idx.add.f32.msk vm6, v6;
	v26 =	vor.u32 v50, v26  }
0x279: {  	[tilespmem:v29+s1+$0x0] =	vst.idx.add.f32.msk vm9, v15;
	v6 =	vmul.f32 v37, v49;
	v29 =	vmul.f32 v12, v11  }
0x27a: {  	[tilespmem:v28+s1+$0x0] =	vst.idx.add.f32.msk vm8, v5;
	v5 =	vadd.f32 v59, v46;
	v12 =	vmul.f32 v12, v44  }
0x27b: {  	v11 =	vmul.f32 v6, v11;
	[tilespmem:v30+s1+$0x0] =	vst.idx.add.f32.msk vm0, v29;
	v29 =	vmul.f32 v45, v38  }
0x27c: {  	v5 =	vadd.f32 $1.024000000e+03, v5;
	[tilespmem:v16+s1+$0x0] =	vst.idx.add.f32.msk vm15, v12  }
0x27d: {  	[tilespmem:v26+s1+$0x0] =	vst.idx.add.f32.msk vm10, v11;
	v11 =	vadd.f32 v29, v61  }
0x27e: {  	v39 =	vmul.f32 $2.560000000e+02, v39;
	v15 =	vadd.s32 $0x101, v48;
	[tilespmem:v17+s1+$0x0] =	vst.idx.add.f32.msk vm4, v10;
	v26 =	vtrunc.f32 v5  }
0x27f: {  	vm7 =	vmand vm12, vm14;
	v10 =	vadd.f32 $1.024000000e+03, v11;
	v11 =	vcvt.f32.s32 v26;
	v26 =	vld [tilespmem:$0x1FFF0]  }
0x280: {  	v56 =	vmul.f32 v40, v0;
	v41 =	vmul.f32 v41, v39;
	v25 =	vld [tilespmem:s0+$0x101A0];
	v15 =	vand.u32 $0xFFFF, v15  }
0x281: {  	v13 =	vand.u32 $0xFFFF, v13;
	v19 =	vadd.f32 $1.000000000e+00, v21;
	[tilespmem:v23+s1+$0x0] =	vst.idx.add.f32.msk vm3, v4;
	v28 =	vadd.f32 v58, v47  }
0x282: {  	v21 =	vadd.f32 $1.000000000e+00, v56;
	[tilespmem:v27+s1+$0x0] =	vst.idx.add.f32.msk vm5, v3;
	v31 =	vadd.f32 v41, v60;
	vm6 =	veq.f32 v22, v1  }
0x283: {  	vm9 =	veq.f32 v24, v1;
	v6 =	vmul.f32 v6, v44;
	v12 =	vmul.f32 v34, v36  }
0x284: {  	[tilespmem:v14+s1+$0x0] =	vst.idx.add.f32.msk vm2, v8;
	v16 =	vadd.f32 $1.024000000e+03, v28;
	v8 =	vcvt.s32.f32 v11;
	vm0 =	vnez.u8 v26  }
0x285: {  	v28 =	vmul.f32 v43, v39;
	v29 =	vadd.f32 $1.024000000e+03, v31;
	[tilespmem:v15+s1+$0x0] =	vst.idx.add.f32.msk vm7, v6;
	v6 =	vadd.f32 v12, v51  }
0x286: {  	vm10 =	veq.f32 v25, v1;
	v12 =	vtrunc.f32 v16;
	v5 =	vsub.f32 v5, v8  }
0x287: {  	v15 =	vadd.f32 v28, v54;
	v17 =	vtrunc.f32 v29;
	v6 =	vadd.f32 $1.024000000e+03, v6  }
0x288: {  	[tilespmem:v13+s1+$0x0] =	vst.idx.add.f32.msk vm1, v7;
	v4 =	vtrunc.f32 v10;
	v31 =	vadd.s32 $0xFFFFFC00, v11;
	v13 =	vsub.f32 $1.000000000e+00, v5  }
0x289: {  	v62 =	vadd.s32 $0xFFFFFC01, v11;
	v3 =	vtrunc.f32 v6;
	v59 =	vmul.f32 v5, v19  }
0x28a: {  	vm11 =	vlt.u32 v31, $0x100;
	v13 =	vmul.f32 v13, v19;
	[tilespmem:v18+s1+$0x0] =	vst.idx.add.f32.msk vm0, v9;
	v9 =	vcvt.f32.s32 v12  }
0x28b: {  	v12 =	vadd.f32 $1.024000000e+03, v15;
	v15 =	vcvt.f32.s32 v17;
	v17 =	vcvt.f32.s32 v4  }
0x28c: {  	v4 =	vshll.u32 v31, $0x8;
	v18 =	vcvt.f32.s32 v3;
	v52 =	vadd.s32 $0xFFFFFC00, v9  }
0x28d: {  	v23 =	vtrunc.f32 v12;
	v26 =	vcvt.s32.f32 v9;
	v53 =	vadd.s32 $0xFFFFFC00, v15  }
0x28e: {  	v7 =	vcvt.s32.f32 v15;
	v3 =	vcvt.s32.f32 v17;
	v63 =	vadd.s32 $0xFFFFFC01, v9  }
0x28f: {  	v14 =	vcvt.f32.s32 v23;
	v27 =	vshll.u32 v52, $0x8;
	v8 =	vsub.f32 v16, v26  }
0x290: {  	v7 =	vsub.f32 v29, v7;
	v16 =	vcvt.s32.f32 v18;
	v10 =	vsub.f32 v10, v3  }
0x291: {  	v3 =	vshll.u32 v53, $0x8;
	v23 =	vcvt.s32.f32 v14;
	v26 =	vsub.f32 $1.000000000e+00, v8  }
0x292: {  	v28 =	vsub.f32 $1.000000000e+00, v7;
	v54 =	vsub.f32 v6, v16;
	v6 =	vadd.s32 $0xFFFFFC00, v17  }
0x293: {  	v16 =	vadd.s32 $0xFFFFFC00, v18;
	v58 =	vsub.f32 $1.000000000e+00, v10;
	v8 =	vmul.f32 v8, v20  }
0x294: {  	v7 =	vmul.f32 v7, v21;
	v11 =	vmul.f32 v13, v10;
	v55 =	vsub.f32 v12, v23  }
0x295: {  	v23 =	vadd.s32 v6, v4;
	v4 =	vadd.s32 $0xFFFFFC00, v14;
	v56 =	vadd.s32 v16, v27  }
0x296: {  	v12 =	vadd.s32 $0xFFFFFC01, v17;
	vm2 =	vlt.u32 v6, $0x100;
	vm4 =	vlt.u32 v16, $0x100  }
0x297: {  	v29 =	vmul.f32 v26, v20;
	v27 =	vmul.f32 v28, v21;
	v26 =	vadd.s32 $0xFFFFFC01, v18  }
0x298: {  	v57 =	vadd.s32 v4, v3;
	v3 =	vadd.s32 $0xFFFFFC01, v14;
	v60 =	vsub.f32 $1.000000000e+00, v54  }
0x299: {  	v5 =	vadd.s32 $0x100, v23;
	v19 =	vadd.s32 $0x100, v56;
	vm3 =	vlt.u32 v12, $0x100  }
0x29a: {  	vm0 =	vlt.u32 v4, $0x100;
	v20 =	vadd.s32 $0xFFFFFC01, v15;
	v12 =	vmul.f32 v13, v58  }
0x29b: {  	vm7 =	vmand vm6, vm2;
	v30 =	vand.u32 $0xFF80, v23;
	vm12 =	vmand vm9, vm4  }
0x29c: {  	v24 =	vadd.s32 $0x1, v56;
	v28 =	vand.u32 $0xFF80, v56;
	v16 =	vmul.f32 v59, v58  }
0x29d: {  	v15 =	vmul.f32 v59, v10;
	v9 =	vmul.f32 v8, v54;
	vm4 =	vlt.u32 v52, $0x100  }
0x29e: {  	v61 =	vsub.f32 $1.000000000e+00, v55;
	v21 =	vadd.s32 $0x100, v57;
	vm5 =	vlt.u32 v26, $0x100  }
0x29f: {  	vm1 =	vlt.u32 v3, $0x100;
	v26 =	vand.u32 $0xFF80, v5;
	v25 =	vand.u32 $0xFF80, v19  }
0x2a0: {  	s15 =	sadd.s32 $0x4, s15;
	vm8 =	vmand vm6, vm3;
	vm2 =	vmand vm10, vm0;
	v19 =	vadd.s32 $0x1, v57  }
0x2a1: {  	p1 =	slt.u32 s15, $0x7C;
	v13 =	vadd.s32 $0x101, v57;
	v6 =	vmul.f32 v29, v60;
	v5 =	vmul.f32 v29, v54  }
.Ltmp1:
0x2a2: {  	v3 =	vmul.f32 v27, v55;
	v22 =	vand.u32 $0xFF80, v21;
	v29 =	vadd.s32 $0x1, v23;
	(pc) =	sbr.rel @p1 .LBB2_5-.Ltmp1, $4  }
0x2a3: {  	vm3 =	vmand vm9, vm5;
	v21 =	vadd.s32 $0x101, v56;
	vm0 =	vmand vm10, vm1  }
0x2a4: {  	vm9 =	vlt.u32 v62, $0x100;
	v10 =	vmul.f32 v8, v60;
	vm1 =	vlt.u32 v63, $0x100  }
0x2a5: {  	vm5 =	vlt.u32 v53, $0x100;
	v4 =	vmul.f32 v27, v61;
	v27 =	vadd.s32 $0x101, v23  }
0x2a6: {  	s31 =	sadd.s32 $0x40, s31;
	s30 =	sadd.s32 $0x200, s30;
	v23 =	vand.u32 $0xFF80, v57;
	v8 =	vmul.f32 v7, v61;
	v7 =	vmul.f32 v7, v55  }
0x2a7: {  	v17 =	vand.u32 $0x7F, v17;
	vm6 =	vmand vm7, vm11  }
0x2a8: {  	v18 =	vand.u32 $0x7F, v18;
	vm15 =	vmand vm12, vm4;
	v30 =	vor.u32 v17, v30  }
0x2a9: {  	vm10 =	vmand vm8, vm11;
	v56 =	vor.u32 v18, v28  }
0x2aa: {  	v29 =	vand.u32 $0xFFFF, v29;
	vm13 =	vmand vm7, vm9  }
0x2ab: {  	vm14 =	vmand vm8, vm9;
	v17 =	vor.u32 v17, v26  }
0x2ac: {  	v55 =	vand.u32 $0xFFFF, v27;
	vm4 =	vmand vm3, vm4  }
0x2ad: {  	v24 =	vand.u32 $0xFFFF, v24;
	vm11 =	vmand vm12, vm1;
	[tilespmem:v30+s1+$0x0] =	vst.idx.add.f32.msk vm6, v12  }
0x2ae: {  	vm1 =	vmand vm3, vm1;
	v57 =	vor.u32 v18, v25;
	[tilespmem:v56+s1+$0x0] =	vst.idx.add.f32.msk vm15, v6  }
0x2af: {  	v58 =	vand.u32 $0x7F, v14;
	v59 =	vand.u32 $0xFFFF, v21;
	[tilespmem:v29+s1+$0x0] =	vst.idx.add.f32.msk vm10, v11;
	vm10 =	vmand vm2, vm5  }
0x2b0: {  	vm12 =	vlt.u32 v20, $0x100;
	v60 =	vor.u32 v58, v23;
	[tilespmem:v17+s1+$0x0] =	vst.idx.add.f32.msk vm13, v16;
	vm13 =	vmand vm0, vm5  }
0x2b1: {  	v61 =	vand.u32 $0xFFFF, v19;
	[tilespmem:v55+s1+$0x0] =	vst.idx.add.f32.msk vm14, v15;
	vm14 =	vmand vm2, vm12  }
0x2b2: {  	v62 =	vor.u32 v58, v22;
	vm15 =	vmand vm0, vm12;
	[tilespmem:v24+s1+$0x0] =	vst.idx.add.f32.msk vm4, v5  }
0x2b3: {  	v63 =	vand.u32 $0xFFFF, v13;
	[tilespmem:v57+s1+$0x0] =	vst.idx.add.f32.msk vm11, v10  }
0x2b4: {  	[tilespmem:v59+s1+$0x0] =	vst.idx.add.f32.msk vm1, v9  }
0x2b5: {  	[tilespmem:v60+s1+$0x0] =	vst.idx.add.f32.msk vm10, v4  }
0x2b6: {  	[tilespmem:v61+s1+$0x0] =	vst.idx.add.f32.msk vm13, v3  }
0x2b7: {  	[tilespmem:v62+s1+$0x0] =	vst.idx.add.f32.msk vm14, v8  }
0x2b8: {  	[tilespmem:v63+s1+$0x0] =	vst.idx.add.f32.msk vm15, v7  }
0x2b9: {  	_ =	swait.ge [sflag:s11], $0x800  }
0x2ba: {  	[sflag:s11] =	ssyncset.done $0x0  }
0x2bb: {  	[sflag:s11] =	ssyncadd.s32 $0xFFFFF800  }
0x2bc: {  	_ =	swait.ge [sflag:s11], $0x800  }
0x2bd: {  	[sflag:s11] =	ssyncset.done $0x0  }
0x2be: {  	[sflag:s11] =	ssyncadd.s32 $0xFFFFF800  }
0x2bf: {  	_ =	swait.ge [sflag:s11], $0x800  }
0x2c0: {  	[sflag:s11] =	ssyncset.done $0x0  }
0x2c1: {  	[sflag:s11] =	ssyncadd.s32 $0xFFFFF800  }
0x2c2: {  	_ =	swait.ge [sflag:s11], $0x800  }
0x2c3: {  	[sflag:s11] =	ssyncset.done $0x0  }
0x2c4: {  	[sflag:s11] =	ssyncadd.s32 $0xFFFFF800  }
0x2c5: {  	p0 =	seq.s32 s13, $0xF;
	_ =	swait.ge [sflag:s11], $0x800  }
.Ltmp2:
0x2c6: {  	[sflag:s11] =	ssyncset.done $0x0;
	(pc) =	sbr.rel @p0 .LBB2_8-.Ltmp2, $4  }
0x2c7: {  	[sflag:s11] =	ssyncadd.s32 $0xFFFFF800  }
0x2c8: {  	_ =	swait.ge [sflag:s11], $0x800  }
0x2c9: {  	[sflag:s11] =	ssyncset.done $0x0  }
0x2ca: {  	[sflag:s11] =	ssyncadd.s32 $0xFFFFF800  }
0x2cb: {  	s0 =	rddreg [dreg:$0x8]  }
0x2cc: {  	s0 =	sadd.s32 s14, s0  }
0x2cd: {  	s14 =	sshrl.u32 s0, $0x3  }
0x2ce: {  	s2 =	simm.s32 $0x10000;
	s0 =	sadd.s32 s3, s14  }
0x2cf: {  	[tilespmem:s2], [sflag:$0x1] =	stream.linear.gather [hbm4b:s0+s1], $0x80, $0x38;
	[tilespmem:$0x18000] =	vst v63  }
0x2d0: {  	s10 =	simm.s32 $0x10400;
	s31 =	sadd.s32 $0x40, s0  }
0x2d1: {  	[tilespmem:s10], [sflag:$0x1] =	stream.linear.gather [hbm4b:s31+s1], $0x80, $0x38;
	[tilespmem:$0x18000] =	vst v63  }
0x2d2: {  	s15 =	simm.s32 $0x10800;
	s10 =	sadd.s32 $0x80, s0  }
0x2d3: {  	[tilespmem:s15], [sflag:$0x1] =	stream.linear.gather [hbm4b:s10+s1], $0x80, $0x38;
	[tilespmem:$0x18000] =	vst v63  }
0x2d4: {  	s17 =	simm.s32 $0x10C00;
	s16 =	sadd.s32 $0xC0, s0  }
0x2d5: {  	[tilespmem:s17], [sflag:$0x1] =	stream.linear.gather [hbm4b:s16+s1], $0x80, $0x38;
	[tilespmem:$0x18000] =	vst v63  }
0x2d6: {  	s19 =	simm.s32 $0x11000;
	s18 =	sadd.s32 $0x100, s0  }
0x2d7: {  	[tilespmem:s19], [sflag:$0x1] =	stream.linear.gather [hbm4b:s18+s1], $0x80, $0x38;
	[tilespmem:$0x18000] =	vst v63  }
0x2d8: {  	s22 =	simm.s32 $0x11400;
	s20 =	sadd.s32 $0x140, s0  }
0x2d9: {  	[tilespmem:s22], [sflag:$0x1] =	stream.linear.gather [hbm4b:s20+s1], $0x80, $0x38;
	[tilespmem:$0x18000] =	vst v63  }
0x2da: {  	s24 =	simm.s32 $0x11800;
	s23 =	sadd.s32 $0x180, s0  }
0x2db: {  	[tilespmem:s24], [sflag:$0x1] =	stream.linear.gather [hbm4b:s23+s1], $0x80, $0x38;
	[tilespmem:$0x18000] =	vst v63  }
0x2dc: {  	s26 =	simm.s32 $0x11C00;
	s25 =	sadd.s32 $0x1C0, s0  }
0x2dd: {  	[tilespmem:s26], [sflag:$0x1] =	stream.linear.gather [hbm4b:s25+s1], $0x80, $0x38;
	[tilespmem:$0x18000] =	vst v63  }
0x2de: {  	s29 =	simm.s32 $0x12000;
	s28 =	sadd.s32 $0x200, s0  }
0x2df: {  	[tilespmem:s29], [sflag:$0x1] =	stream.linear.gather [hbm4b:s28+s1], $0x80, $0x38;
	[tilespmem:$0x18000] =	vst v63  }
0x2e0: {  	s30 =	sadd.s32 $0x240, s0;
	s31 =	simm.s32 $0x12400  }
0x2e1: {  	[tilespmem:s31], [sflag:$0x1] =	stream.linear.gather [hbm4b:s30+s1], $0x80, $0x38;
	[tilespmem:$0x18000] =	vst v63  }
0x2e2: {  	s10 =	sadd.s32 $0x280, s0;
	s15 =	simm.s32 $0x12800  }
0x2e3: {  	[tilespmem:s15], [sflag:$0x1] =	stream.linear.gather [hbm4b:s10+s1], $0x80, $0x38;
	[tilespmem:$0x18000] =	vst v63  }
0x2e4: {  	s16 =	sadd.s32 $0x2C0, s0;
	s17 =	simm.s32 $0x12C00  }
0x2e5: {  	[tilespmem:s17], [sflag:$0x1] =	stream.linear.gather [hbm4b:s16+s1], $0x80, $0x38;
	[tilespmem:$0x18000] =	vst v63  }
0x2e6: {  	s18 =	sadd.s32 $0x300, s0;
	s19 =	simm.s32 $0x13000  }
0x2e7: {  	[tilespmem:s19], [sflag:$0x1] =	stream.linear.gather [hbm4b:s18+s1], $0x80, $0x38;
	[tilespmem:$0x18000] =	vst v63  }
0x2e8: {  	s20 =	sadd.s32 $0x340, s0;
	s22 =	simm.s32 $0x13400  }
0x2e9: {  	[tilespmem:s22], [sflag:$0x1] =	stream.linear.gather [hbm4b:s20+s1], $0x80, $0x38;
	[tilespmem:$0x18000] =	vst v63  }
0x2ea: {  	s23 =	sadd.s32 $0x380, s0;
	s24 =	simm.s32 $0x13800  }
0x2eb: {  	[tilespmem:s24], [sflag:$0x1] =	stream.linear.gather [hbm4b:s23+s1], $0x80, $0x38;
	[tilespmem:$0x18000] =	vst v63  }
0x2ec: {  	s0 =	sadd.s32 $0x3C0, s0;
	s25 =	simm.s32 $0x13C00  }
0x2ed: {  	[tilespmem:s25], [sflag:$0x1] =	stream.linear.gather [hbm4b:s0+s1], $0x80, $0x38;
	[tilespmem:$0x18000] =	vst v63  }
0x2ee: {  	s26 =	simm.s32 $0x10080;
	s0 =	sadd.s32 s4, s14  }
0x2ef: {  	[tilespmem:s26], [sflag:$0x1] =	stream.linear.gather [hbm4b:s0+s1], $0x80, $0x38;
	[tilespmem:$0x18000] =	vst v63  }
0x2f0: {  	s29 =	simm.s32 $0x10480;
	s28 =	sadd.s32 $0x40, s0  }
0x2f1: {  	[tilespmem:s29], [sflag:$0x1] =	stream.linear.gather [hbm4b:s28+s1], $0x80, $0x38;
	[tilespmem:$0x18000] =	vst v63  }
0x2f2: {  	s31 =	simm.s32 $0x10880;
	s30 =	sadd.s32 $0x80, s0  }
0x2f3: {  	[tilespmem:s31], [sflag:$0x1] =	stream.linear.gather [hbm4b:s30+s1], $0x80, $0x38;
	[tilespmem:$0x18000] =	vst v63  }
0x2f4: {  	s15 =	simm.s32 $0x10C80;
	s10 =	sadd.s32 $0xC0, s0  }
0x2f5: {  	[tilespmem:s15], [sflag:$0x1] =	stream.linear.gather [hbm4b:s10+s1], $0x80, $0x38;
	[tilespmem:$0x18000] =	vst v63  }
0x2f6: {  	s17 =	simm.s32 $0x11080;
	s16 =	sadd.s32 $0x100, s0  }
0x2f7: {  	[tilespmem:s17], [sflag:$0x1] =	stream.linear.gather [hbm4b:s16+s1], $0x80, $0x38;
	[tilespmem:$0x18000] =	vst v63  }
0x2f8: {  	s19 =	simm.s32 $0x11480;
	s18 =	sadd.s32 $0x140, s0  }
0x2f9: {  	[tilespmem:s19], [sflag:$0x1] =	stream.linear.gather [hbm4b:s18+s1], $0x80, $0x38;
	[tilespmem:$0x18000] =	vst v63  }
0x2fa: {  	s22 =	simm.s32 $0x11880;
	s20 =	sadd.s32 $0x180, s0  }
0x2fb: {  	[tilespmem:s22], [sflag:$0x1] =	stream.linear.gather [hbm4b:s20+s1], $0x80, $0x38;
	[tilespmem:$0x18000] =	vst v63  }
0x2fc: {  	s24 =	simm.s32 $0x11C80;
	s23 =	sadd.s32 $0x1C0, s0  }
0x2fd: {  	[tilespmem:s24], [sflag:$0x1] =	stream.linear.gather [hbm4b:s23+s1], $0x80, $0x38;
	[tilespmem:$0x18000] =	vst v63  }
0x2fe: {  	s25 =	sadd.s32 $0x200, s0;
	s26 =	simm.s32 $0x12080  }
0x2ff: {  	[tilespmem:s26], [sflag:$0x1] =	stream.linear.gather [hbm4b:s25+s1], $0x80, $0x38;
	[tilespmem:$0x18000] =	vst v63  }
0x300: {  	s28 =	sadd.s32 $0x240, s0;
	s29 =	simm.s32 $0x12480  }
0x301: {  	[tilespmem:s29], [sflag:$0x1] =	stream.linear.gather [hbm4b:s28+s1], $0x80, $0x38;
	[tilespmem:$0x18000] =	vst v63  }
0x302: {  	s30 =	sadd.s32 $0x280, s0;
	s31 =	simm.s32 $0x12880  }
0x303: {  	[tilespmem:s31], [sflag:$0x1] =	stream.linear.gather [hbm4b:s30+s1], $0x80, $0x38;
	[tilespmem:$0x18000] =	vst v63  }
0x304: {  	s10 =	sadd.s32 $0x2C0, s0;
	s15 =	simm.s32 $0x12C80  }
0x305: {  	[tilespmem:s15], [sflag:$0x1] =	stream.linear.gather [hbm4b:s10+s1], $0x80, $0x38;
	[tilespmem:$0x18000] =	vst v63  }
0x306: {  	s16 =	sadd.s32 $0x300, s0;
	s17 =	simm.s32 $0x13080  }
0x307: {  	[tilespmem:s17], [sflag:$0x1] =	stream.linear.gather [hbm4b:s16+s1], $0x80, $0x38;
	[tilespmem:$0x18000] =	vst v63  }
0x308: {  	s18 =	sadd.s32 $0x340, s0;
	s19 =	simm.s32 $0x13480  }
0x309: {  	[tilespmem:s19], [sflag:$0x1] =	stream.linear.gather [hbm4b:s18+s1], $0x80, $0x38;
	[tilespmem:$0x18000] =	vst v63  }
0x30a: {  	s20 =	sadd.s32 $0x380, s0;
	s22 =	simm.s32 $0x13880  }
0x30b: {  	[tilespmem:s22], [sflag:$0x1] =	stream.linear.gather [hbm4b:s20+s1], $0x80, $0x38;
	[tilespmem:$0x18000] =	vst v63  }
0x30c: {  	s0 =	sadd.s32 $0x3C0, s0;
	s23 =	simm.s32 $0x13C80  }
0x30d: {  	[tilespmem:s23], [sflag:$0x1] =	stream.linear.gather [hbm4b:s0+s1], $0x80, $0x38;
	[tilespmem:$0x18000] =	vst v63  }
0x30e: {  	s24 =	simm.s32 $0x10100;
	s0 =	sadd.s32 s5, s14  }
0x30f: {  	[tilespmem:s24], [sflag:$0x1] =	stream.linear.gather [hbm4b:s0+s1], $0x80, $0x38;
	[tilespmem:$0x18000] =	vst v63  }
0x310: {  	s26 =	simm.s32 $0x10500;
	s25 =	sadd.s32 $0x40, s0  }
0x311: {  	[tilespmem:s26], [sflag:$0x1] =	stream.linear.gather [hbm4b:s25+s1], $0x80, $0x38;
	[tilespmem:$0x18000] =	vst v63  }
0x312: {  	s29 =	simm.s32 $0x10900;
	s28 =	sadd.s32 $0x80, s0  }
0x313: {  	[tilespmem:s29], [sflag:$0x1] =	stream.linear.gather [hbm4b:s28+s1], $0x80, $0x38;
	[tilespmem:$0x18000] =	vst v63  }
0x314: {  	s31 =	simm.s32 $0x10D00;
	s30 =	sadd.s32 $0xC0, s0  }
0x315: {  	[tilespmem:s31], [sflag:$0x1] =	stream.linear.gather [hbm4b:s30+s1], $0x80, $0x38;
	[tilespmem:$0x18000] =	vst v63  }
0x316: {  	s15 =	simm.s32 $0x11100;
	s10 =	sadd.s32 $0x100, s0  }
0x317: {  	[tilespmem:s15], [sflag:$0x1] =	stream.linear.gather [hbm4b:s10+s1], $0x80, $0x38;
	[tilespmem:$0x18000] =	vst v63  }
0x318: {  	s17 =	simm.s32 $0x11500;
	s16 =	sadd.s32 $0x140, s0  }
0x319: {  	[tilespmem:s17], [sflag:$0x1] =	stream.linear.gather [hbm4b:s16+s1], $0x80, $0x38;
	[tilespmem:$0x18000] =	vst v63  }
0x31a: {  	s19 =	simm.s32 $0x11900;
	s18 =	sadd.s32 $0x180, s0  }
0x31b: {  	[tilespmem:s19], [sflag:$0x1] =	stream.linear.gather [hbm4b:s18+s1], $0x80, $0x38;
	[tilespmem:$0x18000] =	vst v63  }
0x31c: {  	s22 =	simm.s32 $0x11D00;
	s20 =	sadd.s32 $0x1C0, s0  }
0x31d: {  	[tilespmem:s22], [sflag:$0x1] =	stream.linear.gather [hbm4b:s20+s1], $0x80, $0x38;
	[tilespmem:$0x18000] =	vst v63  }
0x31e: {  	s23 =	sadd.s32 $0x200, s0;
	s24 =	simm.s32 $0x12100  }
0x31f: {  	[tilespmem:s24], [sflag:$0x1] =	stream.linear.gather [hbm4b:s23+s1], $0x80, $0x38;
	[tilespmem:$0x18000] =	vst v63  }
0x320: {  	s25 =	sadd.s32 $0x240, s0;
	s26 =	simm.s32 $0x12500  }
0x321: {  	[tilespmem:s26], [sflag:$0x1] =	stream.linear.gather [hbm4b:s25+s1], $0x80, $0x38;
	[tilespmem:$0x18000] =	vst v63  }
0x322: {  	s28 =	sadd.s32 $0x280, s0;
	s29 =	simm.s32 $0x12900  }
0x323: {  	[tilespmem:s29], [sflag:$0x1] =	stream.linear.gather [hbm4b:s28+s1], $0x80, $0x38;
	[tilespmem:$0x18000] =	vst v63  }
0x324: {  	s30 =	sadd.s32 $0x2C0, s0;
	s31 =	simm.s32 $0x12D00  }
0x325: {  	[tilespmem:s31], [sflag:$0x1] =	stream.linear.gather [hbm4b:s30+s1], $0x80, $0x38;
	[tilespmem:$0x18000] =	vst v63  }
0x326: {  	s10 =	sadd.s32 $0x300, s0;
	s15 =	simm.s32 $0x13100  }
0x327: {  	[tilespmem:s15], [sflag:$0x1] =	stream.linear.gather [hbm4b:s10+s1], $0x80, $0x38;
	[tilespmem:$0x18000] =	vst v63  }
0x328: {  	s16 =	sadd.s32 $0x340, s0;
	s17 =	simm.s32 $0x13500  }
0x329: {  	[tilespmem:s17], [sflag:$0x1] =	stream.linear.gather [hbm4b:s16+s1], $0x80, $0x38;
	[tilespmem:$0x18000] =	vst v63  }
0x32a: {  	s18 =	sadd.s32 $0x380, s0;
	s19 =	simm.s32 $0x13900  }
0x32b: {  	[tilespmem:s19], [sflag:$0x1] =	stream.linear.gather [hbm4b:s18+s1], $0x80, $0x38;
	[tilespmem:$0x18000] =	vst v63  }
0x32c: {  	s0 =	sadd.s32 $0x3C0, s0;
	s20 =	simm.s32 $0x13D00  }
0x32d: {  	[tilespmem:s20], [sflag:$0x1] =	stream.linear.gather [hbm4b:s0+s1], $0x80, $0x38;
	[tilespmem:$0x18000] =	vst v63  }
0x32e: {  	s22 =	simm.s32 $0x10180;
	s0 =	sadd.s32 s6, s14  }
0x32f: {  	[tilespmem:s22], [sflag:$0x1] =	stream.linear.gather [hbm4b:s0+s1], $0x80, $0x38;
	[tilespmem:$0x18000] =	vst v63  }
0x330: {  	s24 =	simm.s32 $0x10580;
	s23 =	sadd.s32 $0x40, s0  }
0x331: {  	[tilespmem:s24], [sflag:$0x1] =	stream.linear.gather [hbm4b:s23+s1], $0x80, $0x38;
	[tilespmem:$0x18000] =	vst v63  }
0x332: {  	s26 =	simm.s32 $0x10980;
	s25 =	sadd.s32 $0x80, s0  }
0x333: {  	[tilespmem:s26], [sflag:$0x1] =	stream.linear.gather [hbm4b:s25+s1], $0x80, $0x38;
	[tilespmem:$0x18000] =	vst v63  }
0x334: {  	s29 =	simm.s32 $0x10D80;
	s28 =	sadd.s32 $0xC0, s0  }
0x335: {  	[tilespmem:s29], [sflag:$0x1] =	stream.linear.gather [hbm4b:s28+s1], $0x80, $0x38;
	[tilespmem:$0x18000] =	vst v63  }
0x336: {  	s31 =	simm.s32 $0x11180;
	s30 =	sadd.s32 $0x100, s0  }
0x337: {  	[tilespmem:s31], [sflag:$0x1] =	stream.linear.gather [hbm4b:s30+s1], $0x80, $0x38;
	[tilespmem:$0x18000] =	vst v63  }
0x338: {  	s15 =	simm.s32 $0x11580;
	s10 =	sadd.s32 $0x140, s0  }
0x339: {  	[tilespmem:s15], [sflag:$0x1] =	stream.linear.gather [hbm4b:s10+s1], $0x80, $0x38;
	[tilespmem:$0x18000] =	vst v63  }
0x33a: {  	s17 =	simm.s32 $0x11980;
	s16 =	sadd.s32 $0x180, s0  }
0x33b: {  	[tilespmem:s17], [sflag:$0x1] =	stream.linear.gather [hbm4b:s16+s1], $0x80, $0x38;
	[tilespmem:$0x18000] =	vst v63  }
0x33c: {  	s19 =	simm.s32 $0x11D80;
	s18 =	sadd.s32 $0x1C0, s0  }
0x33d: {  	[tilespmem:s19], [sflag:$0x1] =	stream.linear.gather [hbm4b:s18+s1], $0x80, $0x38;
	[tilespmem:$0x18000] =	vst v63  }
0x33e: {  	s20 =	sadd.s32 $0x200, s0;
	s22 =	simm.s32 $0x12180  }
0x33f: {  	[tilespmem:s22], [sflag:$0x1] =	stream.linear.gather [hbm4b:s20+s1], $0x80, $0x38;
	[tilespmem:$0x18000] =	vst v63  }
0x340: {  	s23 =	sadd.s32 $0x240, s0;
	s24 =	simm.s32 $0x12580  }
0x341: {  	[tilespmem:s24], [sflag:$0x1] =	stream.linear.gather [hbm4b:s23+s1], $0x80, $0x38;
	[tilespmem:$0x18000] =	vst v63  }
0x342: {  	s25 =	sadd.s32 $0x280, s0;
	s26 =	simm.s32 $0x12980  }
0x343: {  	[tilespmem:s26], [sflag:$0x1] =	stream.linear.gather [hbm4b:s25+s1], $0x80, $0x38;
	[tilespmem:$0x18000] =	vst v63  }
0x344: {  	s28 =	sadd.s32 $0x2C0, s0;
	s29 =	simm.s32 $0x12D80  }
0x345: {  	[tilespmem:s29], [sflag:$0x1] =	stream.linear.gather [hbm4b:s28+s1], $0x80, $0x38;
	[tilespmem:$0x18000] =	vst v63  }
0x346: {  	s30 =	sadd.s32 $0x300, s0;
	s31 =	simm.s32 $0x13180  }
0x347: {  	[tilespmem:s31], [sflag:$0x1] =	stream.linear.gather [hbm4b:s30+s1], $0x80, $0x38;
	[tilespmem:$0x18000] =	vst v63  }
0x348: {  	s10 =	sadd.s32 $0x340, s0;
	s15 =	simm.s32 $0x13580  }
0x349: {  	[tilespmem:s15], [sflag:$0x1] =	stream.linear.gather [hbm4b:s10+s1], $0x80, $0x38;
	[tilespmem:$0x18000] =	vst v63  }
0x34a: {  	s16 =	sadd.s32 $0x380, s0;
	s17 =	simm.s32 $0x13980  }
0x34b: {  	[tilespmem:s17], [sflag:$0x1] =	stream.linear.gather [hbm4b:s16+s1], $0x80, $0x38;
	[tilespmem:$0x18000] =	vst v63  }
0x34c: {  	s0 =	sadd.s32 $0x3C0, s0;
	s18 =	simm.s32 $0x13D80  }
0x34d: {  	[tilespmem:s18], [sflag:$0x1] =	stream.linear.gather [hbm4b:s0+s1], $0x80, $0x38;
	[tilespmem:$0x18000] =	vst v63  }
0x34e: {  	s19 =	simm.s32 $0x10200;
	s0 =	sadd.s32 s7, s14  }
0x34f: {  	[tilespmem:s19], [sflag:$0x1] =	stream.linear.gather [hbm4b:s0+s1], $0x80, $0x38;
	[tilespmem:$0x18000] =	vst v63  }
0x350: {  	s22 =	simm.s32 $0x10600;
	s20 =	sadd.s32 $0x40, s0  }
0x351: {  	[tilespmem:s22], [sflag:$0x1] =	stream.linear.gather [hbm4b:s20+s1], $0x80, $0x38;
	[tilespmem:$0x18000] =	vst v63  }
0x352: {  	s24 =	simm.s32 $0x10A00;
	s23 =	sadd.s32 $0x80, s0  }
0x353: {  	[tilespmem:s24], [sflag:$0x1] =	stream.linear.gather [hbm4b:s23+s1], $0x80, $0x38;
	[tilespmem:$0x18000] =	vst v63  }
0x354: {  	s26 =	simm.s32 $0x10E00;
	s25 =	sadd.s32 $0xC0, s0  }
0x355: {  	[tilespmem:s26], [sflag:$0x1] =	stream.linear.gather [hbm4b:s25+s1], $0x80, $0x38;
	[tilespmem:$0x18000] =	vst v63  }
0x356: {  	s29 =	simm.s32 $0x11200;
	s28 =	sadd.s32 $0x100, s0  }
0x357: {  	[tilespmem:s29], [sflag:$0x1] =	stream.linear.gather [hbm4b:s28+s1], $0x80, $0x38;
	[tilespmem:$0x18000] =	vst v63  }
0x358: {  	s31 =	simm.s32 $0x11600;
	s30 =	sadd.s32 $0x140, s0  }
0x359: {  	[tilespmem:s31], [sflag:$0x1] =	stream.linear.gather [hbm4b:s30+s1], $0x80, $0x38;
	[tilespmem:$0x18000] =	vst v63  }
0x35a: {  	s15 =	simm.s32 $0x11A00;
	s10 =	sadd.s32 $0x180, s0  }
0x35b: {  	[tilespmem:s15], [sflag:$0x1] =	stream.linear.gather [hbm4b:s10+s1], $0x80, $0x38;
	[tilespmem:$0x18000] =	vst v63  }
0x35c: {  	s17 =	simm.s32 $0x11E00;
	s16 =	sadd.s32 $0x1C0, s0  }
0x35d: {  	[tilespmem:s17], [sflag:$0x1] =	stream.linear.gather [hbm4b:s16+s1], $0x80, $0x38;
	[tilespmem:$0x18000] =	vst v63  }
0x35e: {  	s18 =	sadd.s32 $0x200, s0;
	s19 =	simm.s32 $0x12200  }
0x35f: {  	[tilespmem:s19], [sflag:$0x1] =	stream.linear.gather [hbm4b:s18+s1], $0x80, $0x38;
	[tilespmem:$0x18000] =	vst v63  }
0x360: {  	s20 =	sadd.s32 $0x240, s0;
	s22 =	simm.s32 $0x12600  }
0x361: {  	[tilespmem:s22], [sflag:$0x1] =	stream.linear.gather [hbm4b:s20+s1], $0x80, $0x38;
	[tilespmem:$0x18000] =	vst v63  }
0x362: {  	s23 =	sadd.s32 $0x280, s0;
	s24 =	simm.s32 $0x12A00  }
0x363: {  	[tilespmem:s24], [sflag:$0x1] =	stream.linear.gather [hbm4b:s23+s1], $0x80, $0x38;
	[tilespmem:$0x18000] =	vst v63  }
0x364: {  	s25 =	sadd.s32 $0x2C0, s0;
	s26 =	simm.s32 $0x12E00  }
0x365: {  	[tilespmem:s26], [sflag:$0x1] =	stream.linear.gather [hbm4b:s25+s1], $0x80, $0x38;
	[tilespmem:$0x18000] =	vst v63  }
0x366: {  	s28 =	sadd.s32 $0x300, s0;
	s29 =	simm.s32 $0x13200  }
0x367: {  	[tilespmem:s29], [sflag:$0x1] =	stream.linear.gather [hbm4b:s28+s1], $0x80, $0x38;
	[tilespmem:$0x18000] =	vst v63  }
0x368: {  	s30 =	sadd.s32 $0x340, s0;
	s31 =	simm.s32 $0x13600  }
0x369: {  	[tilespmem:s31], [sflag:$0x1] =	stream.linear.gather [hbm4b:s30+s1], $0x80, $0x38;
	[tilespmem:$0x18000] =	vst v63  }
0x36a: {  	s10 =	sadd.s32 $0x380, s0;
	s15 =	simm.s32 $0x13A00  }
0x36b: {  	[tilespmem:s15], [sflag:$0x1] =	stream.linear.gather [hbm4b:s10+s1], $0x80, $0x38;
	[tilespmem:$0x18000] =	vst v63  }
0x36c: {  	s0 =	sadd.s32 $0x3C0, s0;
	s16 =	simm.s32 $0x13E00  }
0x36d: {  	[tilespmem:s16], [sflag:$0x1] =	stream.linear.gather [hbm4b:s0+s1], $0x80, $0x38;
	[tilespmem:$0x18000] =	vst v63  }
0x36e: {  	s17 =	simm.s32 $0x10280;
	s0 =	sadd.s32 s8, s14  }
0x36f: {  	[tilespmem:s17], [sflag:$0x1] =	stream.linear.gather [hbm4b:s0+s1], $0x80, $0x38;
	[tilespmem:$0x18000] =	vst v63  }
0x370: {  	s19 =	simm.s32 $0x10680;
	s18 =	sadd.s32 $0x40, s0  }
0x371: {  	[tilespmem:s19], [sflag:$0x1] =	stream.linear.gather [hbm4b:s18+s1], $0x80, $0x38;
	[tilespmem:$0x18000] =	vst v63  }
0x372: {  	s22 =	simm.s32 $0x10A80;
	s20 =	sadd.s32 $0x80, s0  }
0x373: {  	[tilespmem:s22], [sflag:$0x1] =	stream.linear.gather [hbm4b:s20+s1], $0x80, $0x38;
	[tilespmem:$0x18000] =	vst v63  }
0x374: {  	s24 =	simm.s32 $0x10E80;
	s23 =	sadd.s32 $0xC0, s0  }
0x375: {  	[tilespmem:s24], [sflag:$0x1] =	stream.linear.gather [hbm4b:s23+s1], $0x80, $0x38;
	[tilespmem:$0x18000] =	vst v63  }
0x376: {  	s26 =	simm.s32 $0x11280;
	s25 =	sadd.s32 $0x100, s0  }
0x377: {  	[tilespmem:s26], [sflag:$0x1] =	stream.linear.gather [hbm4b:s25+s1], $0x80, $0x38;
	[tilespmem:$0x18000] =	vst v63  }
0x378: {  	s29 =	simm.s32 $0x11680;
	s28 =	sadd.s32 $0x140, s0  }
0x379: {  	[tilespmem:s29], [sflag:$0x1] =	stream.linear.gather [hbm4b:s28+s1], $0x80, $0x38;
	[tilespmem:$0x18000] =	vst v63  }
0x37a: {  	s31 =	simm.s32 $0x11A80;
	s30 =	sadd.s32 $0x180, s0  }
0x37b: {  	[tilespmem:s31], [sflag:$0x1] =	stream.linear.gather [hbm4b:s30+s1], $0x80, $0x38;
	[tilespmem:$0x18000] =	vst v63  }
0x37c: {  	s14 =	simm.s32 $0x11E80;
	s10 =	sadd.s32 $0x1C0, s0  }
0x37d: {  	[tilespmem:s14], [sflag:$0x1] =	stream.linear.gather [hbm4b:s10+s1], $0x80, $0x38;
	[tilespmem:$0x18000] =	vst v63  }
0x37e: {  	s16 =	simm.s32 $0x12280;
	s15 =	sadd.s32 $0x200, s0  }
0x37f: {  	[tilespmem:s16], [sflag:$0x1] =	stream.linear.gather [hbm4b:s15+s1], $0x80, $0x38;
	[tilespmem:$0x18000] =	vst v63  }
0x380: {  	s17 =	sadd.s32 $0x240, s0;
	s18 =	simm.s32 $0x12680  }
0x381: {  	[tilespmem:s18], [sflag:$0x1] =	stream.linear.gather [hbm4b:s17+s1], $0x80, $0x38;
	[tilespmem:$0x18000] =	vst v63  }
0x382: {  	s19 =	sadd.s32 $0x280, s0;
	s20 =	simm.s32 $0x12A80  }
0x383: {  	[tilespmem:s20], [sflag:$0x1] =	stream.linear.gather [hbm4b:s19+s1], $0x80, $0x38;
	[tilespmem:$0x18000] =	vst v63  }
0x384: {  	s22 =	sadd.s32 $0x2C0, s0;
	s23 =	simm.s32 $0x12E80  }
0x385: {  	[tilespmem:s23], [sflag:$0x1] =	stream.linear.gather [hbm4b:s22+s1], $0x80, $0x38;
	[tilespmem:$0x18000] =	vst v63  }
0x386: {  	s24 =	sadd.s32 $0x300, s0;
	s25 =	simm.s32 $0x13280  }
0x387: {  	[tilespmem:s25], [sflag:$0x1] =	stream.linear.gather [hbm4b:s24+s1], $0x80, $0x38;
	[tilespmem:$0x18000] =	vst v63  }
0x388: {  	s26 =	sadd.s32 $0x340, s0;
	s28 =	simm.s32 $0x13680  }
0x389: {  	[tilespmem:s28], [sflag:$0x1] =	stream.linear.gather [hbm4b:s26+s1], $0x80, $0x38;
	[tilespmem:$0x18000] =	vst v63  }
0x38a: {  	s29 =	sadd.s32 $0x380, s0;
	s30 =	simm.s32 $0x13A80  }
0x38b: {  	[tilespmem:s30], [sflag:$0x1] =	stream.linear.gather [hbm4b:s29+s1], $0x80, $0x38;
	[tilespmem:$0x18000] =	vst v63  }
0x38c: {  	s0 =	sadd.s32 $0x3C0, s0;
	s31 =	simm.s32 $0x13E80  }
0x38d: {  	[tilespmem:s31], [sflag:$0x1] =	stream.linear.gather [hbm4b:s0+s1], $0x80, $0x38;
	[tilespmem:$0x18000] =	vst v63  }
.LBB2_8:
0x38e: {  	s2 =	simm.s32 $0x0  }
0x38f: {  	s0 =	sand.u32 $0x40, s2;
	s2 =	sand.u32 $0x3C00, s2  }
0x390: {  	s16 =	sor.u32 $0x14100, s2;
	s17 =	sor.u32 $0x30, s0  }
0x391: {  	s14 =	sor.u32 s17, s16  }
0x392: {  	s19 =	sor.u32 $0x14200, s2;
	s15 =	sor.u32 s0, s16;
	v3 =	vld [tilespmem:s14+$0x0]  }
0x393: {  	s31 =	sor.u32 $0x14280, s2;
	s24 =	sor.u32 $0x14000, s2;
	s23 =	sor.u32 s17, s19;
	v4 =	vld [tilespmem:s15+$0x0]  }
0x394: {  	s30 =	sor.u32 $0x20, s0;
	s22 =	sor.u32 s17, s24;
	s14 =	sor.u32 $0x10, s0;
	v6 =	vld [tilespmem:s23+$0x0]  }
0x395: {  	s20 =	sor.u32 s17, s31;
	s26 =	sor.u32 s0, s19;
	v9 =	vld [tilespmem:s22+$0x0];
	s18 =	sor.u32 s14, s16  }
0x396: {  	s10 =	sor.u32 s30, s19;
	s15 =	sor.u32 $0x14080, s2;
	s16 =	sor.u32 s30, s16;
	v5 =	vld [tilespmem:s18+$0x0]  }
0x397: {  	s2 =	sor.u32 $0x14180, s2;
	s22 =	sor.u32 s30, s24;
	s29 =	sor.u32 s14, s19;
	v11 =	vld [tilespmem:s16+$0x0]  }
0x398: {  	v7 =	vld [tilespmem:s20+$0x0];
	s19 =	sor.u32 s0, s24;
	s20 =	sor.u32 s14, s24;
	s24 =	sor.u32 s14, s2;
	v8 =	vsub.f32 $1.000000000e+00, v3  }
0x399: {  	s25 =	sor.u32 s17, s15;
	v24 =	vld [tilespmem:s24+$0x0]  }
0x39a: {  	v10 =	vld [tilespmem:s25+$0x0];
	v13 =	vsub.f32 $1.000000000e+00, v4;
	v8 =	vmul.f32 $2.560000000e+02, v8  }
0x39b: {  	v4 =	vadd.f32 $-1.000000000e+00, v4;
	v3 =	vadd.f32 $-1.000000000e+00, v3  }
0x39c: {  	v12 =	vld [tilespmem:s26+$0x0];
	s28 =	sor.u32 s17, s2;
	v14 =	vsub.f32 $1.000000000e+00, v5;
	v15 =	vsub.f32 $1.000000000e+00, v11;
	v6 =	vmul.f32 v6, v8  }
0x39d: {  	v13 =	vmul.f32 $2.560000000e+02, v13;
	v18 =	vadd.f32 $-1.000000000e+00, v5;
	v7 =	vmul.f32 v7, v8;
	v8 =	vld [tilespmem:s28+$0x0]  }
0x39e: {  	v11 =	vadd.f32 $-1.000000000e+00, v11;
	vm12 =	veq.f32 v24, v1;
	v6 =	vadd.f32 v6, v9;
	v9 =	vld [tilespmem:s29+$0x0]  }
0x39f: {  	v4 =	vmul.f32 v4, v0;
	v3 =	vmul.f32 v3, v0;
	v7 =	vadd.f32 v7, v10;
	v10 =	vld [tilespmem:s10+$0x0]  }
0x3a0: {  	v19 =	vld [tilespmem:s22+$0x0];
	v14 =	vmul.f32 $2.560000000e+02, v14;
	v15 =	vmul.f32 $2.560000000e+02, v15;
	v6 =	vadd.f32 $1.024000000e+03, v6  }
0x3a1: {  	v17 =	vld [tilespmem:s20+$0x0];
	v18 =	vmul.f32 v18, v0;
	v11 =	vmul.f32 v11, v0;
	v7 =	vadd.f32 $1.024000000e+03, v7  }
0x3a2: {  	v4 =	vadd.f32 $1.000000000e+00, v4;
	v3 =	vadd.f32 $1.000000000e+00, v3;
	v5 =	vtrunc.f32 v6  }
0x3a3: {  	v16 =	vld [tilespmem:s19+$0x0];
	v18 =	vadd.f32 $1.000000000e+00, v18;
	v20 =	vcvt.f32.s32 v5;
	v5 =	vtrunc.f32 v7  }
0x3a4: {  	vm0 =	veq.f32 v8, v1;
	v8 =	vmul.f32 v9, v14;
	v9 =	vmul.f32 v10, v15  }
0x3a5: {  	v11 =	vadd.f32 $1.000000000e+00, v11;
	v21 =	vcvt.f32.s32 v5;
	v5 =	vmul.f32 v12, v13  }
0x3a6: {  	v12 =	vadd.s32 $0xFFFFFC00, v20;
	v8 =	vadd.f32 v8, v17;
	v9 =	vadd.f32 v9, v19  }
0x3a7: {  	v24 =	vcvt.s32.f32 v20;
	v10 =	vadd.s32 $0xFFFFFC00, v21;
	v22 =	vadd.s32 $0xFFFFFC01, v21  }
0x3a8: {  	v5 =	vadd.f32 v5, v16;
	v16 =	vadd.s32 $0xFFFFFC01, v20;
	vm2 =	vlt.u32 v12, $0x100  }
0x3a9: {  	v21 =	vcvt.s32.f32 v21;
	v20 =	vand.u32 $0x7F, v20;
	vm1 =	vlt.u32 v10, $0x100  }
0x3aa: {  	vm3 =	vlt.u32 v16, $0x100;
	v16 =	vadd.f32 $1.024000000e+03, v8;
	v23 =	vadd.f32 $1.024000000e+03, v9  }
0x3ab: {  	s23 =	sor.u32 s0, s2;
	vm4 =	vlt.u32 v22, $0x100;
	vm2 =	vmand vm0, vm2;
	v6 =	vsub.f32 v6, v24  }
0x3ac: {  	v22 =	vld [tilespmem:s23+$0x0];
	v10 =	vshll.u32 v10, $0x8;
	v17 =	vadd.f32 $1.024000000e+03, v5;
	vm0 =	vmand vm0, vm3  }
0x3ad: {  	vm8 =	vmand vm2, vm1;
	vm7 =	vmand vm2, vm4;
	v7 =	vsub.f32 v7, v21  }
0x3ae: {  	v10 =	vadd.s32 v12, v10;
	v8 =	vtrunc.f32 v16;
	v5 =	vtrunc.f32 v17  }
0x3af: {  	s2 =	sor.u32 s30, s2;
	v19 =	vtrunc.f32 v23;
	vm9 =	vmand vm0, vm1;
	v9 =	vcvt.f32.s32 v5  }
0x3b0: {  	s26 =	sor.u32 s14, s31;
	vm6 =	vmand vm0, vm4;
	v21 =	vadd.s32 $0x1, v10;
	v5 =	vcvt.f32.s32 v19;
	v19 =	vld [tilespmem:s2+$0x0]  }
0x3b1: {  	s25 =	sor.u32 s0, s31;
	v8 =	vcvt.f32.s32 v8;
	vm3 =	veq.f32 v22, v1;
	v22 =	vld [tilespmem:s26+$0x0];
	v28 =	vadd.s32 $0xFFFFFC01, v9  }
0x3b2: {  	v24 =	vand.u32 $0xFF80, v10;
	v12 =	vsub.f32 $1.000000000e+00, v7;
	vm1 =	vlt.u32 v28, $0x100;
	v28 =	vld [tilespmem:s25+$0x0]  }
0x3b3: {  	v33 =	vand.u32 $0xFFFF, v21;
	v26 =	vadd.s32 $0xFFFFFC00, v8;
	v25 =	vadd.s32 $0xFFFFFC00, v9  }
0x3b4: {  	s28 =	sor.u32 s30, s31;
	v29 =	vadd.s32 $0xFFFFFC01, v8;
	v12 =	vmul.f32 v12, v3;
	vm0 =	vlt.u32 v25, $0x100  }
0x3b5: {  	s0 =	sor.u32 s0, s15;
	v3 =	vmul.f32 v7, v3;
	vm5 =	vmand vm3, vm0;
	vm0 =	veq.f32 v19, v1;
	v19 =	vld [tilespmem:s28+$0x0]  }
0x3b6: {  	s29 =	sor.u32 s14, s15;
	v27 =	vadd.s32 $0xFFFFFC00, v5;
	v30 =	vadd.s32 $0xFFFFFC01, v5;
	v14 =	vmul.f32 v22, v14;
	v22 =	vld [tilespmem:s0+$0x0]  }
0x3b7: {  	vm2 =	vlt.u32 v26, $0x100;
	vm10 =	vlt.u32 v29, $0x100;
	v13 =	vmul.f32 v28, v13;
	v28 =	vld [tilespmem:s29+$0x0]  }
0x3b8: {  	v29 =	vsub.f32 $1.000000000e+00, v6;
	vm11 =	vlt.u32 v27, $0x100;
	v34 =	vmul.f32 v12, v6  }
0x3b9: {  	s31 =	sor.u32 s30, s15;
	v37 =	vmul.f32 v3, v6;
	vm4 =	vmand vm3, vm1;
	vm3 =	vmand vm12, vm2  }
0x3ba: {  	vm2 =	vmand vm12, vm10;
	vm10 =	vlt.u32 v30, $0x100;
	v15 =	vmul.f32 v19, v15;
	v19 =	vld [tilespmem:s31+$0x0]  }
0x3bb: {  	v30 =	vor.u32 v20, v24;
	v24 =	vadd.s32 $0x100, v10;
	v13 =	vadd.f32 v13, v22  }
0x3bc: {  	v35 =	vmul.f32 v3, v29;
	v10 =	vadd.s32 $0x101, v10;
	v14 =	vadd.f32 v14, v28  }
0x3bd: {  	v21 =	vand.u32 $0xFF80, v24;
	v10 =	vand.u32 $0xFFFF, v10;
	v13 =	vadd.f32 $1.024000000e+03, v13  }
0x3be: {  	vm1 =	vmand vm0, vm11;
	vm0 =	vmand vm0, vm10;
	v14 =	vadd.f32 $1.024000000e+03, v14  }
0x3bf: {  	v7 =	vadd.f32 v15, v19;
	v15 =	vmul.f32 v12, v29;
	v12 =	vtrunc.f32 v13  }
0x3c0: {  	v36 =	vor.u32 v20, v21;
	v12 =	vcvt.f32.s32 v12;
	v19 =	vtrunc.f32 v14  }
0x3c1: {  	v28 =	vcvt.s32.f32 v5;
	v7 =	vadd.f32 $1.024000000e+03, v7;
	v22 =	vcvt.f32.s32 v19  }
0x3c2: {  	[tilespmem:v30+s1+$0x0] =	vst.idx.add.f32.msk vm8, v15;
	v38 =	vadd.s32 $0xFFFFFC00, v12;
	v3 =	vcvt.s32.f32 v12;
	v46 =	vadd.s32 $0xFFFFFC01, v12  }
0x3c3: {  	[tilespmem:v33+s1+$0x0] =	vst.idx.add.f32.msk vm9, v34;
	v20 =	vtrunc.f32 v7;
	v24 =	vshll.u32 v38, $0x8;
	vm9 =	vlt.u32 v38, $0x100  }
0x3c4: {  	vm8 =	vlt.u32 v46, $0x100;
	v20 =	vcvt.f32.s32 v20;
	v39 =	vadd.s32 $0xFFFFFC00, v22  }
0x3c5: {  	v6 =	vcvt.s32.f32 v22;
	v3 =	vsub.f32 v13, v3;
	v13 =	vcvt.s32.f32 v9  }
0x3c6: {  	v25 =	vadd.s32 v25, v24;
	v47 =	vadd.s32 $0xFFFFFC01, v22;
	v31 =	vshll.u32 v39, $0x8  }
0x3c7: {  	[tilespmem:v36+s1+$0x0] =	vst.idx.add.f32.msk vm7, v35;
	vm7 =	vlt.u32 v39, $0x100;
	vm13 =	vlt.u32 v47, $0x100;
	v21 =	vcvt.s32.f32 v20  }
0x3c8: {  	v19 =	vadd.s32 $0xFFFFFC00, v20;
	v6 =	vsub.f32 v14, v6;
	v14 =	vsub.f32 $1.000000000e+00, v3  }
0x3c9: {  	v13 =	vsub.f32 v17, v13;
	v26 =	vadd.s32 v26, v31;
	v43 =	vmul.f32 v3, v4  }
0x3ca: {  	v3 =	vadd.s32 $0x100, v25;
	v22 =	vadd.s32 $0xFFFFFC01, v20;
	v31 =	vand.u32 $0xFF80, v25  }
0x3cb: {  	v17 =	vshll.u32 v19, $0x8;
	v30 =	vand.u32 $0xFF80, v26;
	v7 =	vsub.f32 v7, v21  }
0x3cc: {  	v21 =	vcvt.s32.f32 v8;
	v29 =	vsub.f32 $1.000000000e+00, v6;
	v41 =	vadd.s32 v27, v17  }
0x3cd: {  	v42 =	vsub.f32 $1.000000000e+00, v13;
	v45 =	vmul.f32 v6, v18;
	v27 =	vadd.s32 $0x1, v26  }
0x3ce: {  	v15 =	vmul.f32 v43, v13;
	v20 =	vadd.s32 $0x1, v41;
	v32 =	vsub.f32 $1.000000000e+00, v7  }
0x3cf: {  	v40 =	vsub.f32 v16, v21;
	v16 =	vsub.f32 v23, v28;
	v23 =	vmul.f32 v14, v4  }
0x3d0: {  	v24 =	vmul.f32 v29, v18;
	v4 =	vadd.s32 $0x100, v26;
	v21 =	vmul.f32 v7, v11  }
0x3d1: {  	v18 =	vmul.f32 v43, v42;
	v28 =	vand.u32 $0xFF80, v4;
	v29 =	vmul.f32 v32, v11  }
0x3d2: {  	v44 =	vsub.f32 $1.000000000e+00, v40;
	v17 =	vsub.f32 $1.000000000e+00, v16;
	v11 =	vadd.s32 $0x100, v41  }
0x3d3: {  	v14 =	vmul.f32 v23, v42;
	v12 =	vmul.f32 v23, v13;
	v23 =	vand.u32 $0xFF80, v3  }
0x3d4: {  	[tilespmem:v10+s1+$0x0] =	vst.idx.add.f32.msk vm6, v37;
	v6 =	vmul.f32 v24, v40;
	v32 =	vadd.s32 $0x1, v25;
	v10 =	vmul.f32 v45, v40  }
0x3d5: {  	v13 =	vadd.s32 $0x101, v41;
	v7 =	vmul.f32 v24, v44;
	v4 =	vmul.f32 v29, v17  }
0x3d6: {  	v3 =	vmul.f32 v29, v16;
	v24 =	vand.u32 $0xFF80, v11;
	v29 =	vadd.s32 $0x101, v25  }
0x3d7: {  	s30 =	simm.s32 $0x40;
	s14 =	simm.s32 $0x0;
	s15 =	simm.s32 $0x200;
	v25 =	vadd.s32 $0x101, v26;
	v26 =	vand.u32 $0xFF80, v41;
	v11 =	vmul.f32 v45, v44  }
.LBB2_9:
0x3d8: {  	s0 =	sand.u32 $0x40, s30;
	s18 =	sand.u32 $0x3C00, s15;
	v17 =	vmul.f32 v21, v17  }
0x3d9: {  	v16 =	vmul.f32 v21, v16;
	vm14 =	vlt.u32 v19, $0x100;
	v9 =	vand.u32 $0x7F, v9;
	s16 =	sor.u32 $0x14100, s18;
	s31 =	sor.u32 $0x30, s0  }
0x3da: {  	v19 =	vand.u32 $0x7F, v8;
	vm12 =	vlt.u32 v22, $0x100;
	v21 =	vand.u32 $0x7F, v5;
	s20 =	sor.u32 s31, s16  }
0x3db: {  	vm10 =	vmand vm5, vm9;
	vm11 =	vmand vm4, vm9;
	v32 =	vand.u32 $0xFFFF, v32;
	s2 =	sor.u32 $0x10, s0;
	s19 =	sor.u32 s0, s16;
	v22 =	vld [tilespmem:s20+$0x0]  }
0x3dc: {  	vm9 =	vmand vm5, vm8;
	vm6 =	vmand vm3, vm7;
	s17 =	sor.u32 $0x20, s0;
	v5 =	vor.u32 v21, v24;
	s22 =	sor.u32 s2, s16;
	v24 =	vld [tilespmem:s19+$0x0]  }
0x3dd: {  	vm7 =	vmand vm2, vm7;
	vm2 =	vmand vm2, vm13;
	v23 =	vor.u32 v9, v23;
	s16 =	sor.u32 s17, s16;
	s19 =	sor.u32 $0x14200, s18;
	v33 =	vld [tilespmem:s22+$0x0]  }
0x3de: {  	v8 =	vor.u32 v19, v28;
	v31 =	vor.u32 v9, v31;
	s26 =	sor.u32 $0x14280, s18;
	v9 =	vimm.s32 $0x0;
	v34 =	vld [tilespmem:s16+$0x0];
	s28 =	sor.u32 s31, s19  }
0x3df: {  	v28 =	vand.u32 $0xFFFF, v29;
	v29 =	vor.u32 v19, v30;
	s29 =	sor.u32 s31, s26;
	v9 =	vsel vm2, $0xFFFFFFFF, v9;
	s22 =	sor.u32 $0x14000, s18;
	v30 =	vld [tilespmem:s28+$0x0]  }
0x3e0: {  	vm8 =	vmand vm4, vm8;
	s23 =	sor.u32 $0x14080, s18;
	[tilespmem:$0x1FFE0] =	vst v9;
	v9 =	vand.u32 $0xFFFF, v25;
	v25 =	vld [tilespmem:s29+$0x0];
	s25 =	sor.u32 s31, s22;
	v35 =	vsub.f32 $1.000000000e+00, v22  }
0x3e1: {  	v27 =	vand.u32 $0xFFFF, v27;
	vm4 =	vmand vm3, vm13;
	v19 =	vor.u32 v21, v26;
	s10 =	sor.u32 s31, s23;
	v26 =	vld [tilespmem:s25+$0x0]  }
0x3e2: {  	vm3 =	vmand vm1, vm14;
	v37 =	vld [tilespmem:s10+$0x0];
	v21 =	vsub.f32 $1.000000000e+00, v24;
	v35 =	vmul.f32 $2.560000000e+02, v35  }
0x3e3: {  	vm5 =	vmand vm0, vm14;
	v24 =	vadd.f32 $-1.000000000e+00, v24;
	v36 =	vsub.f32 $1.000000000e+00, v33  }
0x3e4: {  	v33 =	vadd.f32 $-1.000000000e+00, v33;
	v39 =	vmul.f32 $2.560000000e+02, v21;
	v41 =	vmul.f32 v30, v35  }
0x3e5: {  	s24 =	sor.u32 s0, s26;
	s18 =	sor.u32 $0x14180, s18;
	v21 =	vsub.f32 $1.000000000e+00, v34;
	v30 =	vand.u32 $0xFFFF, v20;
	v20 =	vmul.f32 v25, v35  }
0x3e6: {  	vm2 =	vmand vm1, vm12;
	v38 =	vld [tilespmem:s24+$0x0];
	s31 =	sor.u32 s31, s18;
	v34 =	vadd.f32 $-1.000000000e+00, v34;
	v25 =	vadd.f32 v41, v26  }
0x3e7: {  	s16 =	sor.u32 s2, s26;
	v56 =	vld [tilespmem:s31+$0x0];
	v43 =	vmul.f32 $2.560000000e+02, v21;
	v21 =	vmul.f32 v24, v0;
	v57 =	vadd.f32 v20, v37  }
0x3e8: {  	s20 =	sor.u32 s17, s26;
	v40 =	vld [tilespmem:s16+$0x0];
	v22 =	vadd.f32 $-1.000000000e+00, v22;
	v24 =	vmul.f32 v33, v0;
	v41 =	vadd.f32 $1.024000000e+03, v25  }
0x3e9: {  	s24 =	sor.u32 s2, s23;
	v42 =	vld [tilespmem:s20+$0x0];
	v26 =	vmul.f32 v34, v0;
	v20 =	vadd.f32 $1.000000000e+00, v21;
	v34 =	vadd.f32 $1.024000000e+03, v57  }
0x3ea: {  	s29 =	sor.u32 s0, s22;
	v46 =	vld [tilespmem:s24+$0x0];
	v21 =	vadd.f32 $1.000000000e+00, v24;
	v25 =	vmul.f32 v22, v0;
	v24 =	vtrunc.f32 v41  }
0x3eb: {  	s10 =	sor.u32 s2, s22;
	v60 =	vld [tilespmem:s29+$0x0];
	v22 =	vadd.f32 $1.000000000e+00, v26;
	v26 =	vtrunc.f32 v34;
	v24 =	vcvt.f32.s32 v24  }
0x3ec: {  	vm1 =	vmand vm0, vm12;
	s22 =	sor.u32 s17, s22;
	v51 =	vld [tilespmem:s10+$0x0];
	vm12 =	veq.f32 v56, v1;
	v26 =	vcvt.f32.s32 v26  }
0x3ed: {  	s28 =	sor.u32 s2, s19;
	v54 =	vld [tilespmem:s22+$0x0];
	v49 =	vadd.f32 $1.000000000e+00, v25;
	v48 =	vcvt.s32.f32 v24;
	v50 =	vand.u32 $0x7F, v24  }
0x3ee: {  	s25 =	sor.u32 s0, s23;
	v59 =	vld [tilespmem:s28+$0x0];
	v52 =	vadd.s32 $0xFFFFFC00, v24;
	v53 =	vadd.s32 $0xFFFFFC00, v26;
	v25 =	vadd.s32 $0xFFFFFC01, v26  }
0x3ef: {  	s23 =	sor.u32 s17, s23;
	v45 =	vld [tilespmem:s25+$0x0];
	v55 =	vcvt.s32.f32 v26;
	v26 =	vadd.s32 $0xFFFFFC01, v24;
	vm15 =	vlt.u32 v53, $0x100  }
0x3f0: {  	s26 =	sor.u32 s0, s19;
	v47 =	vld [tilespmem:s23+$0x0];
	vm13 =	vlt.u32 v52, $0x100;
	vm0 =	vlt.u32 v26, $0x100;
	vm14 =	vlt.u32 v25, $0x100  }
0x3f1: {  	s0 =	sor.u32 s0, s18;
	v35 =	vld [tilespmem:s26+$0x0];
	v61 =	vshll.u32 v53, $0x8;
	v41 =	vsub.f32 v41, v48;
	vm13 =	vmand vm12, vm13  }
0x3f2: {  	v24 =	vld [tilespmem:s0+$0x0];
	v34 =	vsub.f32 v34, v55;
	vm12 =	vmand vm12, vm0;
	v48 =	vadd.s32 v52, v61  }
0x3f3: {  	s2 =	sor.u32 s2, s18;
	[tilespmem:v31+s1+$0x0] =	vst.idx.add.f32.msk vm10, v14;
	v52 =	vadd.s32 $0x1, v48;
	vm0 =	vmand vm13, vm15;
	v62 =	vand.u32 $0xFF80, v48  }
0x3f4: {  	v25 =	vld [tilespmem:s2+$0x0];
	vm15 =	vmand vm12, vm15;
	vm10 =	vmand vm13, vm14;
	v14 =	vsub.f32 $1.000000000e+00, v34  }
0x3f5: {  	[tilespmem:v32+s1+$0x0] =	vst.idx.add.f32.msk vm11, v12;
	v63 =	vadd.s32 $0x100, v48;
	v12 =	vsub.f32 $1.000000000e+00, v41;
	v31 =	vor.u32 v50, v62  }
0x3f6: {  	[tilespmem:v23+s1+$0x0] =	vst.idx.add.f32.msk vm9, v18;
	v18 =	vand.u32 $0xFFFF, v52;
	v23 =	vand.u32 $0xFF80, v63;
	v14 =	vmul.f32 v14, v49  }
0x3f7: {  	v58 =	vmul.f32 v38, v39;
	[tilespmem:v29+s1+$0x0] =	vst.idx.add.f32.msk vm6, v7;
	v23 =	vor.u32 v50, v23  }
0x3f8: {  	[tilespmem:v28+s1+$0x0] =	vst.idx.add.f32.msk vm8, v15;
	v7 =	vmul.f32 v34, v49;
	v28 =	vmul.f32 v14, v12  }
0x3f9: {  	[tilespmem:v27+s1+$0x0] =	vst.idx.add.f32.msk vm7, v6;
	v6 =	vadd.f32 v58, v45;
	v14 =	vmul.f32 v14, v41  }
0x3fa: {  	v12 =	vmul.f32 v7, v12;
	[tilespmem:v31+s1+$0x0] =	vst.idx.add.f32.msk vm0, v28;
	v28 =	vmul.f32 v35, v39  }
0x3fb: {  	v6 =	vadd.f32 $1.024000000e+03, v6;
	[tilespmem:v18+s1+$0x0] =	vst.idx.add.f32.msk vm15, v14  }
0x3fc: {  	[tilespmem:v23+s1+$0x0] =	vst.idx.add.f32.msk vm10, v12;
	v12 =	vadd.f32 v28, v60  }
0x3fd: {  	v36 =	vmul.f32 $2.560000000e+02, v36;
	v15 =	vadd.s32 $0x101, v48;
	[tilespmem:v8+s1+$0x0] =	vst.idx.add.f32.msk vm4, v11;
	v23 =	vtrunc.f32 v6  }
0x3fe: {  	s19 =	sor.u32 s17, s19;
	vm8 =	vmand vm12, vm14;
	v11 =	vadd.f32 $1.024000000e+03, v12;
	v12 =	vcvt.f32.s32 v23;
	v23 =	vld [tilespmem:$0x1FFE0]  }
0x3ff: {  	s17 =	sor.u32 s17, s18;
	v44 =	vld [tilespmem:s19+$0x0];
	v15 =	vand.u32 $0xFFFF, v15  }
0x400: {  	v40 =	vmul.f32 v40, v36;
	v26 =	vld [tilespmem:s17+$0x0]  }
0x401: {  	v13 =	vand.u32 $0xFFFF, v13;
	v42 =	vmul.f32 v42, v43;
	[tilespmem:v19+s1+$0x0] =	vst.idx.add.f32.msk vm3, v4  }
0x402: {  	v27 =	vadd.f32 v40, v46;
	v7 =	vmul.f32 v7, v41;
	v14 =	vmul.f32 v59, v36  }
0x403: {  	v29 =	vadd.f32 v42, v47;
	[tilespmem:v30+s1+$0x0] =	vst.idx.add.f32.msk vm5, v3;
	vm4 =	veq.f32 v24, v1;
	vm0 =	vnez.u8 v23  }
0x404: {  	v18 =	vadd.f32 $1.024000000e+03, v27;
	v27 =	vmul.f32 v44, v43;
	[tilespmem:v15+s1+$0x0] =	vst.idx.add.f32.msk vm8, v7;
	v7 =	vadd.f32 v14, v51  }
0x405: {  	[tilespmem:v5+s1+$0x0] =	vst.idx.add.f32.msk vm2, v17;
	vm9 =	veq.f32 v26, v1;
	v28 =	vadd.f32 $1.024000000e+03, v29;
	v5 =	vcvt.s32.f32 v12  }
0x406: {  	v14 =	vtrunc.f32 v18;
	v15 =	vadd.f32 v27, v54;
	v7 =	vadd.f32 $1.024000000e+03, v7  }
0x407: {  	vm8 =	veq.f32 v25, v1;
	v8 =	vtrunc.f32 v28;
	v6 =	vsub.f32 v6, v5  }
0x408: {  	v4 =	vtrunc.f32 v11;
	v53 =	vadd.s32 $0xFFFFFC00, v12;
	v3 =	vtrunc.f32 v7  }
0x409: {  	v59 =	vmul.f32 v6, v20;
	[tilespmem:v9+s1+$0x0] =	vst.idx.add.f32.msk vm0, v10;
	v10 =	vcvt.f32.s32 v14;
	v14 =	vadd.f32 $1.024000000e+03, v15  }
0x40a: {  	v62 =	vadd.s32 $0xFFFFFC01, v12;
	v15 =	vcvt.f32.s32 v8;
	v9 =	vcvt.f32.s32 v4  }
0x40b: {  	v4 =	vshll.u32 v53, $0x8;
	v8 =	vcvt.f32.s32 v3;
	v23 =	vtrunc.f32 v14  }
0x40c: {  	[tilespmem:v13+s1+$0x0] =	vst.idx.add.f32.msk vm1, v16;
	v54 =	vadd.s32 $0xFFFFFC00, v10;
	v17 =	vcvt.s32.f32 v10;
	v13 =	vcvt.s32.f32 v15  }
0x40d: {  	v19 =	vadd.s32 $0xFFFFFC00, v15;
	v3 =	vcvt.s32.f32 v9;
	v16 =	vcvt.s32.f32 v8  }
0x40e: {  	v30 =	vadd.s32 $0xFFFFFC00, v8;
	v63 =	vadd.s32 $0xFFFFFC01, v10;
	v5 =	vcvt.f32.s32 v23  }
0x40f: {  	vm3 =	vlt.u32 v30, $0x100;
	vm13 =	vlt.u32 v63, $0x100;
	v17 =	vsub.f32 v18, v17  }
0x410: {  	v13 =	vsub.f32 v28, v13;
	v18 =	vsub.f32 $1.000000000e+00, v6;
	v28 =	vshll.u32 v54, $0x8  }
0x411: {  	v11 =	vsub.f32 v11, v3;
	v55 =	vsub.f32 v7, v16;
	v3 =	vshll.u32 v19, $0x8  }
0x412: {  	v7 =	vadd.s32 $0xFFFFFC00, v9;
	vm3 =	vmand vm8, vm3;
	v23 =	vcvt.s32.f32 v5  }
0x413: {  	v31 =	vadd.s32 v7, v4;
	v4 =	vadd.s32 $0xFFFFFC00, v5;
	v56 =	vadd.s32 v30, v28  }
0x414: {  	vm1 =	vlt.u32 v7, $0x100;
	v27 =	vsub.f32 $1.000000000e+00, v17;
	v29 =	vsub.f32 $1.000000000e+00, v13  }
0x415: {  	v18 =	vmul.f32 v18, v20;
	v57 =	vadd.s32 v4, v3;
	v58 =	vsub.f32 $1.000000000e+00, v11  }
0x416: {  	v3 =	vadd.s32 $0xFFFFFC01, v5;
	v60 =	vsub.f32 $1.000000000e+00, v55;
	v61 =	vmul.f32 v17, v21  }
0x417: {  	v6 =	vadd.s32 $0x100, v31;
	v20 =	vadd.s32 $0x100, v56;
	vm0 =	vlt.u32 v4, $0x100  }
0x418: {  	vm5 =	vmand vm4, vm1;
	v32 =	vadd.s32 $0x1, v31;
	v25 =	vadd.s32 $0x101, v56  }
0x419: {  	v30 =	vand.u32 $0xFF80, v56;
	v16 =	vsub.f32 v14, v23;
	v14 =	vadd.s32 $0xFFFFFC01, v9  }
0x41a: {  	v23 =	vadd.s32 $0xFFFFFC01, v8;
	vm6 =	vlt.u32 v3, $0x100;
	v28 =	vand.u32 $0xFF80, v20  }
0x41b: {  	vm1 =	vmand vm9, vm0;
	v20 =	vadd.s32 $0x1, v57;
	v27 =	vmul.f32 v27, v21  }
0x41c: {  	v26 =	vand.u32 $0xFF80, v57;
	v29 =	vmul.f32 v29, v22;
	v21 =	vmul.f32 v13, v22  }
0x41d: {  	vm2 =	vlt.u32 v14, $0x100;
	v13 =	vadd.s32 $0x100, v57;
	vm7 =	vlt.u32 v23, $0x100  }
0x41e: {  	v22 =	vadd.s32 $0xFFFFFC01, v15;
	v14 =	vmul.f32 v18, v58;
	v12 =	vmul.f32 v18, v11  }
0x41f: {  	s14 =	sadd.s32 $0x4, s14;
	v23 =	vand.u32 $0xFF80, v6;
	vm0 =	vmand vm9, vm6;
	v18 =	vmul.f32 v59, v58  }
0x420: {  	p0 =	slt.u32 s14, $0x7C;
	v15 =	vmul.f32 v59, v11;
	vm9 =	vlt.u32 v53, $0x100;
	v11 =	vmul.f32 v61, v60  }
.Ltmp3:
0x421: {  	v10 =	vmul.f32 v61, v55;
	v17 =	vsub.f32 $1.000000000e+00, v16;
	vm4 =	vmand vm4, vm2;
	(pc) =	sbr.rel @p0 .LBB2_9-.Ltmp3, $4  }
0x422: {  	v24 =	vand.u32 $0xFF80, v13;
	vm2 =	vmand vm8, vm7;
	v13 =	vadd.s32 $0x101, v57  }
0x423: {  	vm8 =	vlt.u32 v62, $0x100;
	vm7 =	vlt.u32 v54, $0x100;
	v7 =	vmul.f32 v27, v60  }
0x424: {  	v6 =	vmul.f32 v27, v55;
	v3 =	vmul.f32 v29, v16;
	v27 =	vadd.s32 $0x1, v56  }
0x425: {  	s15 =	sadd.s32 $0x200, s15;
	s30 =	sadd.s32 $0x40, s30;
	v4 =	vmul.f32 v29, v17;
	v29 =	vadd.s32 $0x101, v31;
	v31 =	vand.u32 $0xFF80, v31  }
0x426: {  	v9 =	vand.u32 $0x7F, v9  }
0x427: {  	vm6 =	vmand vm5, vm9;
	vm5 =	vmand vm5, vm8;
	vm14 =	vmand vm4, vm8  }
0x428: {  	v8 =	vand.u32 $0x7F, v8;
	vm8 =	vmand vm3, vm7;
	v31 =	vor.u32 v9, v31  }
0x429: {  	vm12 =	vmand vm4, vm9;
	v57 =	vor.u32 v8, v30  }
0x42a: {  	v32 =	vand.u32 $0xFFFF, v32  }
0x42b: {  	v9 =	vor.u32 v9, v23  }
0x42c: {  	v56 =	vand.u32 $0xFFFF, v29;
	vm7 =	vmand vm2, vm7  }
0x42d: {  	v27 =	vand.u32 $0xFFFF, v27;
	vm3 =	vmand vm3, vm13;
	[tilespmem:v31+s1+$0x0] =	vst.idx.add.f32.msk vm6, v14  }
0x42e: {  	vm15 =	vlt.u32 v19, $0x100;
	vm2 =	vmand vm2, vm13;
	v8 =	vor.u32 v8, v28;
	[tilespmem:v57+s1+$0x0] =	vst.idx.add.f32.msk vm8, v7  }
0x42f: {  	v5 =	vand.u32 $0x7F, v5;
	v58 =	vand.u32 $0xFFFF, v25;
	[tilespmem:v32+s1+$0x0] =	vst.idx.add.f32.msk vm12, v12;
	vm12 =	vmand vm1, vm15  }
0x430: {  	vm13 =	vlt.u32 v22, $0x100;
	v59 =	vor.u32 v5, v26;
	vm6 =	vmand vm0, vm15;
	[tilespmem:v9+s1+$0x0] =	vst.idx.add.f32.msk vm5, v18  }
0x431: {  	v60 =	vand.u32 $0xFFFF, v20;
	[tilespmem:v56+s1+$0x0] =	vst.idx.add.f32.msk vm14, v15;
	vm14 =	vmand vm1, vm13  }
0x432: {  	s13 =	sadd.s32 $0x1, s13;
	v5 =	vor.u32 v5, v24;
	vm15 =	vmand vm0, vm13;
	[tilespmem:v27+s1+$0x0] =	vst.idx.add.f32.msk vm7, v6  }
0x433: {  	v61 =	vand.u32 $0xFFFF, v13;
	p0 =	sne.s32 s13, $0x10;
	[tilespmem:v8+s1+$0x0] =	vst.idx.add.f32.msk vm3, v11  }
.Ltmp4:
0x434: {  	[tilespmem:v58+s1+$0x0] =	vst.idx.add.f32.msk vm2, v10;
	(pc) =	sbr.rel @p0 .LBB2_4-.Ltmp4, $4  }
0x435: {  	v62 =	vmul.f32 v21, v17;
	[tilespmem:v59+s1+$0x0] =	vst.idx.add.f32.msk vm12, v4  }
0x436: {  	v63 =	vmul.f32 v21, v16;
	[tilespmem:v60+s1+$0x0] =	vst.idx.add.f32.msk vm6, v3  }
0x437: {  	[tilespmem:v5+s1+$0x0] =	vst.idx.add.f32.msk vm14, v62  }
0x438: {  	[tilespmem:v61+s1+$0x0] =	vst.idx.add.f32.msk vm15, v63  }
0x439: {  	s0 =	rddreg [dreg:$0x9]  }
0x43a: {  	s2 =	simm.s32 $0x80;
	s10 =	simm.s32 $0x400;
	s29 =	simm.s32 $0x3  }
0x43b: {  	[hbm4b:s0+s2] =	stream.strided.scatter [tilespmem:s1], [sflag:$0x3], $0x10000, s10, s2, $0x38;
	[tilespmem:$0x18000] =	vst v63  }
0x43c: {  	_ =	swait.ge [sflag:s29], $0x10000  }
0x43d: {  	s30 =	sld [smem:$0x7B8];
	_ =	sdelay $0x2  }
0x43e: {  	s31 =	rddreg [dreg:$0xa];
	s10 =	sadd.s32 $0x1, s30  }
0x43f: {  	p0 =	sne.s32 s10, s31  }
.Ltmp5:
0x440: {  	_ = 	snop;
	(pc) =	sbr.rel @p0 .LBB2_1-.Ltmp5, $3  }
0x441: {  	_ =	sdelay $0x1  }
0x442: {  	[sflag:s29] =	ssyncset.done $0x0  }
0x443: {  	[sflag:s29] =	ssyncadd.s32 $0xFFFF0000  }
0x444: {  	_ =	sfence.sel $0x180000  }
0x445: {  	[bflag:$0x0] =	sbarrier.arrive $0xFFFF  }
0x446: {  	_ =	strace $0x90000047  }
0x447: {  	s0 =	stileid.u32;
	[bflag:$0x2] =	sbarrier.arrive $0xFFFF  }
0x448: {  	p0 =	sne.s32 s0, $0x0;
	s0 =	rddreg [dreg:$0x1]  }
0x449: {  	s0 =	sadd.s32 @!p0 $0x100000, s0  }
0x44a: {  	[sflag:s0] =	ssyncadd.tile.s32 @!p0 $0x1;
	_ =	shalt  }
.Lfunc_end2:
_tile_overlayer_lowered:
.L_overlay_start_2:
0x44b: {  	(tag) =	ssettag $0x2  }
0x44c: {  	s0 =	rddreg [dreg:$0x0];
	s2 =	stileid.u32  }
0x44d: {  	s1 =	rddreg [dreg:$0x1];
	p0 =	sne.s32 s2, $0x0  }
0x44e: {  	s3 =	rddreg [dreg:$0x2];
	[bflag:$0x3] =	sbarrier.arrive $0xFFFF;
	s2 =	simm.s32 @!p0 $0x1C03  }
0x44f: {  	[timem:s3], [sflag:s2] =	dma.local @!p0 [hbm:s0], s1  }
0x450: {  	s0 =	simm.s32 @!p0 $0x3  }
0x451: {  	_ =	swait.ge @!p0 [sflag:s0], s1  }
0x452: {  	s1 =	ssub.s32 @!p0 $0x0, s1;
	[sflag:s0] =	ssyncset.done @!p0 $0x0  }
0x453: {  	[sflag:s0] =	ssyncadd.s32 @!p0 s1  }
0x454: {  	[bflag:$0x3] =	sbarrier.arrive $0xFFFF  }
0x455: {  	_ =	shalt  }

</sc_bundles>
